<compile_context>
chip_gen: v7x
topology: tpu7x:2x2x1
jax: 0.10.2.dev20260603
libtpu: 0.0.44.dev20260713+nightly
codegen_flags: <defaults>
</compile_context>

<pallas_src>
import jax
import jax.numpy as jnp
from jax import lax
from jax.experimental import pallas as pl
from jax.experimental.pallas import tpu as pltpu
from jax.experimental.pallas import tpu_sc as plsc

N, E, D, H, L, T = 10000, 320000, 128, 128, 4, 5

NC, NS = 2, 16
NW = NC * NS
CH = 128
K = 79
EPT = K * CH
E_PAD = NW * EPT
RPT = 640
R = NS * RPT
CW = 128

_mesh = plsc.VectorSubcoreMesh(core_axis_name="c", subcore_axis_name="s",
                               num_cores=NC, num_subcores=NS)


def _seg_body(h_hbm, srcs_hbm, dsts_hbm, agg_out, src_idx, dst_idx, rows,
              agg_sh, sem):
    cid = lax.axis_index("c")
    sid = lax.axis_index("s")
    wid = sid * NC + cid

    z16 = jnp.zeros((16,), jnp.float32)

    def zfill(i, _):
        for ccol in range(D // 16):
            rows[i, pl.ds(ccol * 16, 16)] = z16
        return 0

    lax.fori_loop(0, CH, zfill, 0)
    base = sid * RPT
    for r in range(RPT // CH):
        pltpu.sync_copy(rows, agg_sh.at[pl.ds(base + r * CH, CH)])
    plsc.subcore_barrier()

    pltpu.sync_copy(srcs_hbm.at[wid], src_idx)
    pltpu.sync_copy(dsts_hbm.at[wid], dst_idx)

    def chunk(j, _):
        pltpu.async_copy(h_hbm.at[src_idx.at[j]], rows, sem).wait()
        pltpu.sync_copy(rows, agg_sh.at[dst_idx.at[j]], add=True)
        return 0

    lax.fori_loop(0, K, chunk, 0)
    plsc.subcore_barrier()

    pltpu.sync_copy(agg_sh.at[pl.ds(base, RPT)], agg_out.at[cid, pl.ds(base, RPT)])


_seg = pl.kernel(
    _seg_body,
    out_type=jax.ShapeDtypeStruct((NC, R, D), jnp.float32),
    mesh=_mesh,
    scratch_types=[
        pltpu.VMEM((K, CH), jnp.int32),
        pltpu.VMEM((K, CH), jnp.int32),
        pltpu.VMEM((CH, D), jnp.float32),
        pltpu.VMEM_SHARED((R, D), jnp.float32),
        pltpu.SemaphoreType.DMA,
    ],
)


def _cnt_body(dsts_hbm, cnt_out, dst_idx, ones_v, zero_v, cnt_sh):
    cid = lax.axis_index("c")
    sid = lax.axis_index("s")
    wid = sid * NC + cid
    base = sid * RPT

    def fill(ref, val):
        def f(i, _):
            for ccol in range(CW // 16):
                ref[i, pl.ds(ccol * 16, 16)] = jnp.full((16,), val, jnp.float32)
            return 0
        lax.fori_loop(0, CH, f, 0)

    fill(zero_v, 0.0)
    fill(ones_v, 1.0)
    for r in range(RPT // CH):
        pltpu.sync_copy(zero_v, cnt_sh.at[pl.ds(base + r * CH, CH)])
    plsc.subcore_barrier()

    pltpu.sync_copy(dsts_hbm.at[wid], dst_idx)

    def chunk(j, _):
        pltpu.sync_copy(ones_v, cnt_sh.at[dst_idx.at[j]], add=True)
        return 0

    lax.fori_loop(0, K, chunk, 0)
    plsc.subcore_barrier()
    pltpu.sync_copy(cnt_sh.at[pl.ds(base, RPT)], cnt_out.at[cid, pl.ds(base, RPT)])


_cnt_kernel = pl.kernel(
    _cnt_body,
    out_type=jax.ShapeDtypeStruct((NC, R, CW), jnp.float32),
    mesh=_mesh,
    scratch_types=[
        pltpu.VMEM((K, CH), jnp.int32),
        pltpu.VMEM((CH, CW), jnp.float32),
        pltpu.VMEM((CH, CW), jnp.float32),
        pltpu.VMEM_SHARED((R, CW), jnp.float32),
    ],
)


def _tc_layer_body(agg, cnt, h, wl, wr, blr, gr, br, out):
    c = cnt[0, :N, 0:1] + cnt[1, :N, 0:1]
    inv = 1.0 / jnp.maximum(c, 1.0)
    mean = (agg[0, :N, :] + agg[1, :N, :]) * inv
    z = (jnp.dot(mean, wl[...], preferred_element_type=jnp.float32)
         + jnp.dot(h[...], wr[...], preferred_element_type=jnp.float32)
         + blr[...])
    mu = jnp.mean(z, axis=0, keepdims=True)
    var = jnp.mean((z - mu) ** 2, axis=0, keepdims=True)
    zn = (z - mu) / jnp.sqrt(var + 1e-5) * gr[...] + br[...]
    out[...] = jnp.maximum(zn, 0.0)


_tc_layer = pl.pallas_call(
    _tc_layer_body,
    out_shape=jax.ShapeDtypeStruct((N, H), jnp.float32),
)


def _tc_last_body(agg, cnt, h, wl, wr, blr, gr, br, w1c, b1c, w2bd, b2, out):
    c = cnt[0, :N, 0:1] + cnt[1, :N, 0:1]
    inv = 1.0 / jnp.maximum(c, 1.0)
    mean = (agg[0, :N, :] + agg[1, :N, :]) * inv
    z = (jnp.dot(mean, wl[...], preferred_element_type=jnp.float32)
         + jnp.dot(h[...], wr[...], preferred_element_type=jnp.float32)
         + blr[...])
    mu = jnp.mean(z, axis=0, keepdims=True)
    var = jnp.mean((z - mu) ** 2, axis=0, keepdims=True)
    zn = (z - mu) / jnp.sqrt(var + 1e-5) * gr[...] + br[...]
    hf = jnp.maximum(zn, 0.0)
    zz = jnp.maximum(
        jnp.dot(hf, w1c[...], preferred_element_type=jnp.float32) + b1c[...], 0.0)
    oo = jnp.dot(zz, w2bd[...], preferred_element_type=jnp.float32) + b2[...]
    out[...] = jax.nn.sigmoid(oo)


_tc_last = pl.pallas_call(
    _tc_last_body,
    out_shape=jax.ShapeDtypeStruct((N, 8), jnp.float32),
)


def kernel(x, edge_index, Wl, bl, Wr, gamma, beta, HW1, Hb1, HW2, Hb2):
    src = edge_index[0].astype(jnp.int32)
    dst = edge_index[1].astype(jnp.int32)
    pad = E_PAD - E
    srcs = jnp.concatenate([src, jnp.zeros((pad,), jnp.int32)]).reshape(NW, K, CH)
    dsts = jnp.concatenate([dst, jnp.full((pad,), N, jnp.int32)]).reshape(NW, K, CH)

    w1c = HW1.transpose(1, 0, 2).reshape(D, T * (H // 2))
    b1c = Hb1.reshape(1, T * (H // 2))
    w2bd = jnp.zeros((T * (H // 2), 8), jnp.float32)
    for t in range(T):
        w2bd = w2bd.at[t * (H // 2):(t + 1) * (H // 2), t].set(HW2[t, :, 0])
    b2 = jnp.concatenate([Hb2[:, 0], jnp.zeros((3,), jnp.float32)]).reshape(1, 8)

    h = x
    cnt = _cnt_kernel(dsts)
    for l in range(L):
        agg = _seg(h, srcs, dsts)
        args = (agg, cnt, h, Wl[l], Wr[l], bl[l].reshape(1, H),
                gamma[l].reshape(1, H), beta[l].reshape(1, H))
        if l < L - 1:
            h = _tc_layer(*args)
        else:
            out8 = _tc_last(*args, w1c, b1c, w2bd, b2)
    return out8[:, :T]

# --- scband reference (transcript-rebuilt; emitter-appended) ---
"""Pipeline reference for scband-multi-task-surge-gnn-10282151707181 (READ-ONLY COPY).

The authoritative reference and input builder live on the scoring server;
editing this copy changes nothing except your own understanding.
"""

import jax, jax.numpy as jnp
import numpy as np

N, E, D, H, L, T = 10000, 320000, 128, 128, 4, 5


def setup_inputs(seed: int = 0) -> dict:
    key = jax.random.key(seed)
    ks = jax.random.split(key, 12)
    x = jax.random.normal(ks[0], (N, D), dtype=jnp.float32)
    edge_index = jax.random.randint(ks[1], (2, E), 0, N)
    s = 0.05
    Wl = jax.random.normal(ks[2], (L, D, H), dtype=jnp.float32) * s
    bl = jnp.zeros((L, H), dtype=jnp.float32)
    Wr = jax.random.normal(ks[3], (L, D, H), dtype=jnp.float32) * s
    gamma = jnp.ones((L, H), dtype=jnp.float32)
    beta = jnp.zeros((L, H), dtype=jnp.float32)
    HW1 = jax.random.normal(ks[4], (T, H, H // 2), dtype=jnp.float32) * s
    Hb1 = jnp.zeros((T, H // 2), dtype=jnp.float32)
    HW2 = jax.random.normal(ks[5], (T, H // 2, 1), dtype=jnp.float32) * s
    Hb2 = jnp.zeros((T, 1), dtype=jnp.float32)
    return {"x": x, "edge_index": edge_index, "Wl": Wl, "bl": bl, "Wr": Wr,
            "gamma": gamma, "beta": beta, "HW1": HW1, "Hb1": Hb1,
            "HW2": HW2, "Hb2": Hb2}


def reference(x, edge_index, Wl, bl, Wr, gamma, beta, HW1, Hb1, HW2, Hb2):
    # MultiTaskSurgeGNN forward (eval-mode dropout = identity,
    # BatchNorm uses batch statistics deterministically).
    src = edge_index[0]
    dst = edge_index[1]
    n = x.shape[0]
    ones = jnp.ones((src.shape[0], 1), dtype=x.dtype)
    cnt = jax.ops.segment_sum(ones, dst, num_segments=n)
    cnt = jnp.maximum(cnt, 1.0)
    h = x
    for l in range(L):
        # SAGEConv with mean aggregation: out = lin_l(mean_j x_j) + lin_r(x_i)
        msgs = h[src]  # gather over edges
        agg = jax.ops.segment_sum(msgs, dst, num_segments=n)  # scatter-add
        mean = agg / cnt
        h = mean @ Wl[l] + bl[l] + h @ Wr[l]
        # BatchNorm1d over nodes (batch statistics)
        mu = jnp.mean(h, axis=0)
        var = jnp.var(h, axis=0)
        h = (h - mu) / jnp.sqrt(var + 1e-5) * gamma[l] + beta[l]
        h = jax.nn.relu(h)
        # dropout: identity in eval mode
    outs = []
    for t in range(T):
        z = jax.nn.relu(h @ HW1[t] + Hb1[t])
        z = jax.nn.sigmoid(z @ HW2[t] + Hb2[t])
        outs.append(z)
    # dict of 5 [N,1] task outputs stacked into [N,5]
    # order: port_surge, rail_congestion, terminal_utilization, drayage_delay, chokepoint_risk
    return jnp.concatenate(outs, axis=1)

if __name__ == "__main__":
    import jax
    _d = setup_inputs()
    print(jax.jit(kernel)(*tuple(_d.values())))

</pallas_src>

<mosaic_0001>
#map = affine_map<(d0, d1) -> (0, 0)>
#map1 = affine_map<(d0, d1) -> (0, 0, 0)>
module attributes {stable_mosaic.version = 14 : i64} {
  func.func @_seg_body(%arg0: i32, %arg1: i32, %arg2: memref<10000x128xf32, #tpu.memory_space<hbm>>, %arg3: memref<32x79x128xi32, #tpu.memory_space<hbm>>, %arg4: memref<32x79x128xi32, #tpu.memory_space<hbm>>, %arg5: memref<2x10240x128xf32, #tpu.memory_space<hbm>>, %arg6: memref<79x128xi32, #tpu.memory_space<vmem>>, %arg7: memref<79x128xi32, #tpu.memory_space<vmem>>, %arg8: memref<128x128xf32, #tpu.memory_space<vmem>>, %arg9: memref<10240x128xf32, #tpu.memory_space<vmem_shared>>, %arg10: memref<!tpu.dma_semaphore, #tpu.memory_space<semaphore_mem>>) attributes {dimension_semantics = [#tpu.dimension_semantics<core_parallel>, #tpu.dimension_semantics<subcore_parallel>], iteration_bounds = array<i64: 2, 16>, scalar_prefetch = 0 : i64, scratch_operands = 5 : i64, tpu.core_type = #tpu.core_type<sc_vector_subcore>, window_params = [{transform_indices = #map}, {transform_indices = #map1}, {transform_indices = #map1}, {transform_indices = #map1}]} {
    %mul3A = arith.constant 2 : i32
    %mul3A_0 = arith.muli %arg1, %mul3A : i32
    %add3A = arith.addi %mul3A_0, %arg0 : i32
    %broadcast_in_dim3A = arith.constant 0.000000e+00 : f32
    %broadcast_in_dim3A_1 = vector.broadcast %broadcast_in_dim3A : f32 to vector<16xf32>
    %scan3A = arith.constant 0 : i32
    %scan3A_2 = arith.constant 0 : i32
    %scan3A_3 = arith.constant 128 : i32
    %scan3A_4 = arith.addi %scan3A_2, %scan3A_3 : i32
    %scan3A_5 = arith.constant 1 : i32
    %scan3A_6 = scf.for %scan3A_28 = %scan3A_2 to %scan3A_4 step %scan3A_5 iter_args(%scan3A_29 = %scan3A) -> (i32)  : i32 {
      %swap3A = arith.index_cast %scan3A_28 : i32 to index
      %swap3A_30 = arith.constant 0 : index
      %swap3A_31 = tpu.vector_load %arg8[%swap3A, %swap3A_30] {strides = array<i32>} : memref<128x128xf32, #tpu.memory_space<vmem>>, vector<1x16xf32>,
      %swap3A_32 = vector.shape_cast %swap3A_31 : vector<1x16xf32> to vector<16xf32>
      %swap3A_33 = vector.shape_cast %broadcast_in_dim3A_1 : vector<16xf32> to vector<1x16xf32>
      tpu.vector_store %arg8[%swap3A, %swap3A_30], %swap3A_33 {strides = array<i32>} : memref<128x128xf32, #tpu.memory_space<vmem>>, vector<1x16xf32>,
      %swap3A_34 = arith.index_cast %scan3A_28 : i32 to index
      %swap3A_35 = arith.constant 16 : index
      %swap3A_36 = tpu.vector_load %arg8[%swap3A_34, %swap3A_35] {strides = array<i32>} : memref<128x128xf32, #tpu.memory_space<vmem>>, vector<1x16xf32>,
      %swap3A_37 = vector.shape_cast %swap3A_36 : vector<1x16xf32> to vector<16xf32>
      %swap3A_38 = vector.shape_cast %broadcast_in_dim3A_1 : vector<16xf32> to vector<1x16xf32>
      tpu.vector_store %arg8[%swap3A_34, %swap3A_35], %swap3A_38 {strides = array<i32>} : memref<128x128xf32, #tpu.memory_space<vmem>>, vector<1x16xf32>,
      %swap3A_39 = arith.index_cast %scan3A_28 : i32 to index
      %swap3A_40 = arith.constant 32 : index
      %swap3A_41 = tpu.vector_load %arg8[%swap3A_39, %swap3A_40] {strides = array<i32>} : memref<128x128xf32, #tpu.memory_space<vmem>>, vector<1x16xf32>,
      %swap3A_42 = vector.shape_cast %swap3A_41 : vector<1x16xf32> to vector<16xf32>
      %swap3A_43 = vector.shape_cast %broadcast_in_dim3A_1 : vector<16xf32> to vector<1x16xf32>
      tpu.vector_store %arg8[%swap3A_39, %swap3A_40], %swap3A_43 {strides = array<i32>} : memref<128x128xf32, #tpu.memory_space<vmem>>, vector<1x16xf32>,
      %swap3A_44 = arith.index_cast %scan3A_28 : i32 to index
      %swap3A_45 = arith.constant 48 : index
      %swap3A_46 = tpu.vector_load %arg8[%swap3A_44, %swap3A_45] {strides = array<i32>} : memref<128x128xf32, #tpu.memory_space<vmem>>, vector<1x16xf32>,
      %swap3A_47 = vector.shape_cast %swap3A_46 : vector<1x16xf32> to vector<16xf32>
      %swap3A_48 = vector.shape_cast %broadcast_in_dim3A_1 : vector<16xf32> to vector<1x16xf32>
      tpu.vector_store %arg8[%swap3A_44, %swap3A_45], %swap3A_48 {strides = array<i32>} : memref<128x128xf32, #tpu.memory_space<vmem>>, vector<1x16xf32>,
      %swap3A_49 = arith.index_cast %scan3A_28 : i32 to index
      %swap3A_50 = arith.constant 64 : index
      %swap3A_51 = tpu.vector_load %arg8[%swap3A_49, %swap3A_50] {strides = array<i32>} : memref<128x128xf32, #tpu.memory_space<vmem>>, vector<1x16xf32>,
      %swap3A_52 = vector.shape_cast %swap3A_51 : vector<1x16xf32> to vector<16xf32>
      %swap3A_53 = vector.shape_cast %broadcast_in_dim3A_1 : vector<16xf32> to vector<1x16xf32>
      tpu.vector_store %arg8[%swap3A_49, %swap3A_50], %swap3A_53 {strides = array<i32>} : memref<128x128xf32, #tpu.memory_space<vmem>>, vector<1x16xf32>,
      %swap3A_54 = arith.index_cast %scan3A_28 : i32 to index
      %swap3A_55 = arith.constant 80 : index
      %swap3A_56 = tpu.vector_load %arg8[%swap3A_54, %swap3A_55] {strides = array<i32>} : memref<128x128xf32, #tpu.memory_space<vmem>>, vector<1x16xf32>,
      %swap3A_57 = vector.shape_cast %swap3A_56 : vector<1x16xf32> to vector<16xf32>
      %swap3A_58 = vector.shape_cast %broadcast_in_dim3A_1 : vector<16xf32> to vector<1x16xf32>
      tpu.vector_store %arg8[%swap3A_54, %swap3A_55], %swap3A_58 {strides = array<i32>} : memref<128x128xf32, #tpu.memory_space<vmem>>, vector<1x16xf32>,
      %swap3A_59 = arith.index_cast %scan3A_28 : i32 to index
      %swap3A_60 = arith.constant 96 : index
      %swap3A_61 = tpu.vector_load %arg8[%swap3A_59, %swap3A_60] {strides = array<i32>} : memref<128x128xf32, #tpu.memory_space<vmem>>, vector<1x16xf32>,
      %swap3A_62 = vector.shape_cast %swap3A_61 : vector<1x16xf32> to vector<16xf32>
      %swap3A_63 = vector.shape_cast %broadcast_in_dim3A_1 : vector<16xf32> to vector<1x16xf32>
      tpu.vector_store %arg8[%swap3A_59, %swap3A_60], %swap3A_63 {strides = array<i32>} : memref<128x128xf32, #tpu.memory_space<vmem>>, vector<1x16xf32>,
      %swap3A_64 = arith.index_cast %scan3A_28 : i32 to index
      %swap3A_65 = arith.constant 112 : index
      %swap3A_66 = tpu.vector_load %arg8[%swap3A_64, %swap3A_65] {strides = array<i32>} : memref<128x128xf32, #tpu.memory_space<vmem>>, vector<1x16xf32>,
      %swap3A_67 = vector.shape_cast %swap3A_66 : vector<1x16xf32> to vector<16xf32>
      %swap3A_68 = vector.shape_cast %broadcast_in_dim3A_1 : vector<16xf32> to vector<1x16xf32>
      tpu.vector_store %arg8[%swap3A_64, %swap3A_65], %swap3A_68 {strides = array<i32>} : memref<128x128xf32, #tpu.memory_space<vmem>>, vector<1x16xf32>,
      %scan3A_69 = arith.constant 0 : i32
      scf.yield %scan3A_69 : i32
    }
    %scan3A_7 = arith.constant 128 : i32
    %mul3A_8 = arith.constant 640 : i32
    %mul3A_9 = arith.muli %arg1, %mul3A_8 : i32
    %add3A_10 = arith.constant 0 : i32
    %add3A_11 = arith.addi %mul3A_9, %add3A_10 : i32
    "tpu.region"() ({
      %run_scoped3A = tpu.sem_alloc : memref<!tpu.dma_semaphore, #tpu.memory_space<semaphore_mem>>
      %dma_start3A = arith.constant 0 : i32
      %dma_start3A_28 = tpu.memref_slice %arg9[%add3A_11, %dma_start3A] : memref<10240x128xf32, #tpu.memory_space<vmem_shared>> -> memref<128x128xf32, #tpu.memory_space<vmem_shared>>
      %dma_start3A_29 = arith.constant 0 : i32
      %dma_start3A_30 = tpu.memref_slice %arg9[%add3A_11, %dma_start3A_29] : memref<10240x128xf32, #tpu.memory_space<vmem_shared>> -> memref<128x128xf32, #tpu.memory_space<vmem_shared>>
      tpu.enqueue_dma source(%arg8 : memref<128x128xf32, #tpu.memory_space<vmem>>) target(%dma_start3A_30 : memref<128x128xf32, #tpu.memory_space<vmem_shared>>) target_semaphore(%run_scoped3A : memref<!tpu.dma_semaphore, #tpu.memory_space<semaphore_mem>>)
      %dma_wait3A = arith.constant 0 : i32
      %dma_wait3A_31 = tpu.memref_slice %arg9[%add3A_11, %dma_wait3A] : memref<10240x128xf32, #tpu.memory_space<vmem_shared>> -> memref<128x128xf32, #tpu.memory_space<vmem_shared>>
      %dma_wait3A_32 = arith.constant 0 : i32
      %dma_wait3A_33 = tpu.memref_slice %arg9[%add3A_11, %dma_wait3A_32] : memref<10240x128xf32, #tpu.memory_space<vmem_shared>> -> memref<128x128xf32, #tpu.memory_space<vmem_shared>>
      tpu.wait_dma2 semaphore(%run_scoped3A : memref<!tpu.dma_semaphore, #tpu.memory_space<semaphore_mem>>) src(%arg8 : memref<128x128xf32, #tpu.memory_space<vmem>>) dst(%dma_wait3A_33 : memref<128x128xf32, #tpu.memory_space<vmem_shared>>)
      tpu.yield
    }) : () -> ()
    %add3A_12 = arith.constant 128 : i32
    %add3A_13 = arith.addi %mul3A_9, %add3A_12 : i32
    "tpu.region"() ({
      %run_scoped3A = tpu.sem_alloc : memref<!tpu.dma_semaphore, #tpu.memory_space<semaphore_mem>>
      %dma_start3A = arith.constant 0 : i32
      %dma_start3A_28 = tpu.memref_slice %arg9[%add3A_13, %dma_start3A] : memref<10240x128xf32, #tpu.memory_space<vmem_shared>> -> memref<128x128xf32, #tpu.memory_space<vmem_shared>>
      %dma_start3A_29 = arith.constant 0 : i32
      %dma_start3A_30 = tpu.memref_slice %arg9[%add3A_13, %dma_start3A_29] : memref<10240x128xf32, #tpu.memory_space<vmem_shared>> -> memref<128x128xf32, #tpu.memory_space<vmem_shared>>
      tpu.enqueue_dma source(%arg8 : memref<128x128xf32, #tpu.memory_space<vmem>>) target(%dma_start3A_30 : memref<128x128xf32, #tpu.memory_space<vmem_shared>>) target_semaphore(%run_scoped3A : memref<!tpu.dma_semaphore, #tpu.memory_space<semaphore_mem>>)
      %dma_wait3A = arith.constant 0 : i32
      %dma_wait3A_31 = tpu.memref_slice %arg9[%add3A_13, %dma_wait3A] : memref<10240x128xf32, #tpu.memory_space<vmem_shared>> -> memref<128x128xf32, #tpu.memory_space<vmem_shared>>
      %dma_wait3A_32 = arith.constant 0 : i32
      %dma_wait3A_33 = tpu.memref_slice %arg9[%add3A_13, %dma_wait3A_32] : memref<10240x128xf32, #tpu.memory_space<vmem_shared>> -> memref<128x128xf32, #tpu.memory_space<vmem_shared>>
      tpu.wait_dma2 semaphore(%run_scoped3A : memref<!tpu.dma_semaphore, #tpu.memory_space<semaphore_mem>>) src(%arg8 : memref<128x128xf32, #tpu.memory_space<vmem>>) dst(%dma_wait3A_33 : memref<128x128xf32, #tpu.memory_space<vmem_shared>>)
      tpu.yield
    }) : () -> ()
    %add3A_14 = arith.constant 256 : i32
    %add3A_15 = arith.addi %mul3A_9, %add3A_14 : i32
    "tpu.region"() ({
      %run_scoped3A = tpu.sem_alloc : memref<!tpu.dma_semaphore, #tpu.memory_space<semaphore_mem>>
      %dma_start3A = arith.constant 0 : i32
      %dma_start3A_28 = tpu.memref_slice %arg9[%add3A_15, %dma_start3A] : memref<10240x128xf32, #tpu.memory_space<vmem_shared>> -> memref<128x128xf32, #tpu.memory_space<vmem_shared>>
      %dma_start3A_29 = arith.constant 0 : i32
      %dma_start3A_30 = tpu.memref_slice %arg9[%add3A_15, %dma_start3A_29] : memref<10240x128xf32, #tpu.memory_space<vmem_shared>> -> memref<128x128xf32, #tpu.memory_space<vmem_shared>>
      tpu.enqueue_dma source(%arg8 : memref<128x128xf32, #tpu.memory_space<vmem>>) target(%dma_start3A_30 : memref<128x128xf32, #tpu.memory_space<vmem_shared>>) target_semaphore(%run_scoped3A : memref<!tpu.dma_semaphore, #tpu.memory_space<semaphore_mem>>)
      %dma_wait3A = arith.constant 0 : i32
      %dma_wait3A_31 = tpu.memref_slice %arg9[%add3A_15, %dma_wait3A] : memref<10240x128xf32, #tpu.memory_space<vmem_shared>> -> memref<128x128xf32, #tpu.memory_space<vmem_shared>>
      %dma_wait3A_32 = arith.constant 0 : i32
      %dma_wait3A_33 = tpu.memref_slice %arg9[%add3A_15, %dma_wait3A_32] : memref<10240x128xf32, #tpu.memory_space<vmem_shared>> -> memref<128x128xf32, #tpu.memory_space<vmem_shared>>
      tpu.wait_dma2 semaphore(%run_scoped3A : memref<!tpu.dma_semaphore, #tpu.memory_space<semaphore_mem>>) src(%arg8 : memref<128x128xf32, #tpu.memory_space<vmem>>) dst(%dma_wait3A_33 : memref<128x128xf32, #tpu.memory_space<vmem_shared>>)
      tpu.yield
    }) : () -> ()
    %add3A_16 = arith.constant 384 : i32
    %add3A_17 = arith.addi %mul3A_9, %add3A_16 : i32
    "tpu.region"() ({
      %run_scoped3A = tpu.sem_alloc : memref<!tpu.dma_semaphore, #tpu.memory_space<semaphore_mem>>
      %dma_start3A = arith.constant 0 : i32
      %dma_start3A_28 = tpu.memref_slice %arg9[%add3A_17, %dma_start3A] : memref<10240x128xf32, #tpu.memory_space<vmem_shared>> -> memref<128x128xf32, #tpu.memory_space<vmem_shared>>
      %dma_start3A_29 = arith.constant 0 : i32
      %dma_start3A_30 = tpu.memref_slice %arg9[%add3A_17, %dma_start3A_29] : memref<10240x128xf32, #tpu.memory_space<vmem_shared>> -> memref<128x128xf32, #tpu.memory_space<vmem_shared>>
      tpu.enqueue_dma source(%arg8 : memref<128x128xf32, #tpu.memory_space<vmem>>) target(%dma_start3A_30 : memref<128x128xf32, #tpu.memory_space<vmem_shared>>) target_semaphore(%run_scoped3A : memref<!tpu.dma_semaphore, #tpu.memory_space<semaphore_mem>>)
      %dma_wait3A = arith.constant 0 : i32
      %dma_wait3A_31 = tpu.memref_slice %arg9[%add3A_17, %dma_wait3A] : memref<10240x128xf32, #tpu.memory_space<vmem_shared>> -> memref<128x128xf32, #tpu.memory_space<vmem_shared>>
      %dma_wait3A_32 = arith.constant 0 : i32
      %dma_wait3A_33 = tpu.memref_slice %arg9[%add3A_17, %dma_wait3A_32] : memref<10240x128xf32, #tpu.memory_space<vmem_shared>> -> memref<128x128xf32, #tpu.memory_space<vmem_shared>>
      tpu.wait_dma2 semaphore(%run_scoped3A : memref<!tpu.dma_semaphore, #tpu.memory_space<semaphore_mem>>) src(%arg8 : memref<128x128xf32, #tpu.memory_space<vmem>>) dst(%dma_wait3A_33 : memref<128x128xf32, #tpu.memory_space<vmem_shared>>)
      tpu.yield
    }) : () -> ()
    %add3A_18 = arith.constant 512 : i32
    %add3A_19 = arith.addi %mul3A_9, %add3A_18 : i32
    "tpu.region"() ({
      %run_scoped3A = tpu.sem_alloc : memref<!tpu.dma_semaphore, #tpu.memory_space<semaphore_mem>>
      %dma_start3A = arith.constant 0 : i32
      %dma_start3A_28 = tpu.memref_slice %arg9[%add3A_19, %dma_start3A] : memref<10240x128xf32, #tpu.memory_space<vmem_shared>> -> memref<128x128xf32, #tpu.memory_space<vmem_shared>>
      %dma_start3A_29 = arith.constant 0 : i32
      %dma_start3A_30 = tpu.memref_slice %arg9[%add3A_19, %dma_start3A_29] : memref<10240x128xf32, #tpu.memory_space<vmem_shared>> -> memref<128x128xf32, #tpu.memory_space<vmem_shared>>
      tpu.enqueue_dma source(%arg8 : memref<128x128xf32, #tpu.memory_space<vmem>>) target(%dma_start3A_30 : memref<128x128xf32, #tpu.memory_space<vmem_shared>>) target_semaphore(%run_scoped3A : memref<!tpu.dma_semaphore, #tpu.memory_space<semaphore_mem>>)
      %dma_wait3A = arith.constant 0 : i32
      %dma_wait3A_31 = tpu.memref_slice %arg9[%add3A_19, %dma_wait3A] : memref<10240x128xf32, #tpu.memory_space<vmem_shared>> -> memref<128x128xf32, #tpu.memory_space<vmem_shared>>
      %dma_wait3A_32 = arith.constant 0 : i32
      %dma_wait3A_33 = tpu.memref_slice %arg9[%add3A_19, %dma_wait3A_32] : memref<10240x128xf32, #tpu.memory_space<vmem_shared>> -> memref<128x128xf32, #tpu.memory_space<vmem_shared>>
      tpu.wait_dma2 semaphore(%run_scoped3A : memref<!tpu.dma_semaphore, #tpu.memory_space<semaphore_mem>>) src(%arg8 : memref<128x128xf32, #tpu.memory_space<vmem>>) dst(%dma_wait3A_33 : memref<128x128xf32, #tpu.memory_space<vmem_shared>>)
      tpu.yield
    }) : () -> ()
    %barrier3A = arith.constant 0 : index
    tpu.barrier barrier_id(%barrier3A)
    "tpu.region"() ({
      %run_scoped3A = tpu.sem_alloc : memref<!tpu.dma_semaphore, #tpu.memory_space<semaphore_mem>>
      %dma_start3A = arith.constant 0 : i32
      %dma_start3A_28 = arith.constant 0 : i32
      %dma_start3A_29 = tpu.memref_slice %arg3[%add3A, %dma_start3A, %dma_start3A_28] : memref<32x79x128xi32, #tpu.memory_space<hbm>> -> memref<1x79x128xi32, #tpu.memory_space<hbm>>
      %dma_start3A_30 = tpu.memref_squeeze %dma_start3A_29 : memref<1x79x128xi32, #tpu.memory_space<hbm>> -> memref<79x128xi32, #tpu.memory_space<hbm>>
      %dma_start3A_31 = arith.constant 0 : i32
      %dma_start3A_32 = arith.constant 0 : i32
      %dma_start3A_33 = tpu.memref_slice %arg3[%add3A, %dma_start3A_31, %dma_start3A_32] : memref<32x79x128xi32, #tpu.memory_space<hbm>> -> memref<1x79x128xi32, #tpu.memory_space<hbm>>
      %dma_start3A_34 = tpu.memref_squeeze %dma_start3A_33 : memref<1x79x128xi32, #tpu.memory_space<hbm>> -> memref<79x128xi32, #tpu.memory_space<hbm>>
      tpu.enqueue_dma source(%dma_start3A_34 : memref<79x128xi32, #tpu.memory_space<hbm>>) target(%arg6 : memref<79x128xi32, #tpu.memory_space<vmem>>) target_semaphore(%run_scoped3A : memref<!tpu.dma_semaphore, #tpu.memory_space<semaphore_mem>>)
      %dma_wait3A = arith.constant 0 : i32
      %dma_wait3A_35 = arith.constant 0 : i32
      %dma_wait3A_36 = tpu.memref_slice %arg3[%add3A, %dma_wait3A, %dma_wait3A_35] : memref<32x79x128xi32, #tpu.memory_space<hbm>> -> memref<1x79x128xi32, #tpu.memory_space<hbm>>
      %dma_wait3A_37 = tpu.memref_squeeze %dma_wait3A_36 : memref<1x79x128xi32, #tpu.memory_space<hbm>> -> memref<79x128xi32, #tpu.memory_space<hbm>>
      %dma_wait3A_38 = arith.constant 0 : i32
      %dma_wait3A_39 = arith.constant 0 : i32
      %dma_wait3A_40 = tpu.memref_slice %arg3[%add3A, %dma_wait3A_38, %dma_wait3A_39] : memref<32x79x128xi32, #tpu.memory_space<hbm>> -> memref<1x79x128xi32, #tpu.memory_space<hbm>>
      %dma_wait3A_41 = tpu.memref_squeeze %dma_wait3A_40 : memref<1x79x128xi32, #tpu.memory_space<hbm>> -> memref<79x128xi32, #tpu.memory_space<hbm>>
      tpu.wait_dma2 semaphore(%run_scoped3A : memref<!tpu.dma_semaphore, #tpu.memory_space<semaphore_mem>>) src(%dma_wait3A_41 : memref<79x128xi32, #tpu.memory_space<hbm>>) dst(%arg6 : memref<79x128xi32, #tpu.memory_space<vmem>>)
      tpu.yield
    }) : () -> ()
    "tpu.region"() ({
      %run_scoped3A = tpu.sem_alloc : memref<!tpu.dma_semaphore, #tpu.memory_space<semaphore_mem>>
      %dma_start3A = arith.constant 0 : i32
      %dma_start3A_28 = arith.constant 0 : i32
      %dma_start3A_29 = tpu.memref_slice %arg4[%add3A, %dma_start3A, %dma_start3A_28] : memref<32x79x128xi32, #tpu.memory_space<hbm>> -> memref<1x79x128xi32, #tpu.memory_space<hbm>>
      %dma_start3A_30 = tpu.memref_squeeze %dma_start3A_29 : memref<1x79x128xi32, #tpu.memory_space<hbm>> -> memref<79x128xi32, #tpu.memory_space<hbm>>
      %dma_start3A_31 = arith.constant 0 : i32
      %dma_start3A_32 = arith.constant 0 : i32
      %dma_start3A_33 = tpu.memref_slice %arg4[%add3A, %dma_start3A_31, %dma_start3A_32] : memref<32x79x128xi32, #tpu.memory_space<hbm>> -> memref<1x79x128xi32, #tpu.memory_space<hbm>>
      %dma_start3A_34 = tpu.memref_squeeze %dma_start3A_33 : memref<1x79x128xi32, #tpu.memory_space<hbm>> -> memref<79x128xi32, #tpu.memory_space<hbm>>
      tpu.enqueue_dma source(%dma_start3A_34 : memref<79x128xi32, #tpu.memory_space<hbm>>) target(%arg7 : memref<79x128xi32, #tpu.memory_space<vmem>>) target_semaphore(%run_scoped3A : memref<!tpu.dma_semaphore, #tpu.memory_space<semaphore_mem>>)
      %dma_wait3A = arith.constant 0 : i32
      %dma_wait3A_35 = arith.constant 0 : i32
      %dma_wait3A_36 = tpu.memref_slice %arg4[%add3A, %dma_wait3A, %dma_wait3A_35] : memref<32x79x128xi32, #tpu.memory_space<hbm>> -> memref<1x79x128xi32, #tpu.memory_space<hbm>>
      %dma_wait3A_37 = tpu.memref_squeeze %dma_wait3A_36 : memref<1x79x128xi32, #tpu.memory_space<hbm>> -> memref<79x128xi32, #tpu.memory_space<hbm>>
      %dma_wait3A_38 = arith.constant 0 : i32
      %dma_wait3A_39 = arith.constant 0 : i32
      %dma_wait3A_40 = tpu.memref_slice %arg4[%add3A, %dma_wait3A_38, %dma_wait3A_39] : memref<32x79x128xi32, #tpu.memory_space<hbm>> -> memref<1x79x128xi32, #tpu.memory_space<hbm>>
      %dma_wait3A_41 = tpu.memref_squeeze %dma_wait3A_40 : memref<1x79x128xi32, #tpu.memory_space<hbm>> -> memref<79x128xi32, #tpu.memory_space<hbm>>
      tpu.wait_dma2 semaphore(%run_scoped3A : memref<!tpu.dma_semaphore, #tpu.memory_space<semaphore_mem>>) src(%dma_wait3A_41 : memref<79x128xi32, #tpu.memory_space<hbm>>) dst(%arg7 : memref<79x128xi32, #tpu.memory_space<vmem>>)
      tpu.yield
    }) : () -> ()
    %scan3A_20 = arith.constant 0 : i32
    %scan3A_21 = arith.constant 0 : i32
    %scan3A_22 = arith.constant 79 : i32
    %scan3A_23 = arith.addi %scan3A_21, %scan3A_22 : i32
    %scan3A_24 = arith.constant 1 : i32
    %scan3A_25 = scf.for %scan3A_28 = %scan3A_21 to %scan3A_23 step %scan3A_24 iter_args(%scan3A_29 = %scan3A_20) -> (i32)  : i32 {
      %dma_start3A = arith.constant 0 : i32
      %dma_start3A_30 = tpu.memref_slice %arg6[%scan3A_28, %dma_start3A] : memref<79x128xi32, #tpu.memory_space<vmem>> -> memref<1x128xi32, #tpu.memory_space<vmem>>
      %dma_start3A_31 = tpu.memref_squeeze %dma_start3A_30 : memref<1x128xi32, #tpu.memory_space<vmem>> -> memref<128xi32, #tpu.memory_space<vmem>>
      %dma_start3A_32 = arith.constant 0 : i32
      %dma_start3A_33 = arith.constant 0 : i32
      %dma_start3A_34 = tpu.memref_slice %arg2[%dma_start3A_32, %dma_start3A_33] : memref<10000x128xf32, #tpu.memory_space<hbm>> -> memref<10000x128xf32, #tpu.memory_space<hbm>>
      tpu.enqueue_indirect_dma source(%dma_start3A_34 : memref<10000x128xf32, #tpu.memory_space<hbm>>) target(%arg8 : memref<128x128xf32, #tpu.memory_space<vmem>>) offsets(%dma_start3A_31 : memref<128xi32, #tpu.memory_space<vmem>>) semaphore(%arg10 : memref<!tpu.dma_semaphore, #tpu.memory_space<semaphore_mem>>)
      %dma_wait3A = arith.constant 0 : i32
      %dma_wait3A_35 = tpu.memref_slice %arg6[%scan3A_28, %dma_wait3A] : memref<79x128xi32, #tpu.memory_space<vmem>> -> memref<1x128xi32, #tpu.memory_space<vmem>>
      %dma_wait3A_36 = tpu.memref_squeeze %dma_wait3A_35 : memref<1x128xi32, #tpu.memory_space<vmem>> -> memref<128xi32, #tpu.memory_space<vmem>>
      %dma_wait3A_37 = arith.constant 0 : i32
      %dma_wait3A_38 = arith.constant 0 : i32
      %dma_wait3A_39 = tpu.memref_slice %arg2[%dma_wait3A_37, %dma_wait3A_38] : memref<10000x128xf32, #tpu.memory_space<hbm>> -> memref<10000x128xf32, #tpu.memory_space<hbm>>
      tpu.wait_indirect_dma semaphore(%arg10 : memref<!tpu.dma_semaphore, #tpu.memory_space<semaphore_mem>>) src(%dma_wait3A_39 : memref<10000x128xf32, #tpu.memory_space<hbm>>) dst(%arg8 : memref<128x128xf32, #tpu.memory_space<vmem>>)
      "tpu.region"() ({
        %run_scoped3A = tpu.sem_alloc : memref<!tpu.dma_semaphore, #tpu.memory_space<semaphore_mem>>
        %dma_start3A_41 = arith.constant 0 : i32
        %dma_start3A_42 = tpu.memref_slice %arg7[%scan3A_28, %dma_start3A_41] : memref<79x128xi32, #tpu.memory_space<vmem>> -> memref<1x128xi32, #tpu.memory_space<vmem>>
        %dma_start3A_43 = tpu.memref_squeeze %dma_start3A_42 : memref<1x128xi32, #tpu.memory_space<vmem>> -> memref<128xi32, #tpu.memory_space<vmem>>
        %dma_start3A_44 = arith.constant 0 : i32
        %dma_start3A_45 = arith.constant 0 : i32
        %dma_start3A_46 = tpu.memref_slice %arg9[%dma_start3A_44, %dma_start3A_45] : memref<10240x128xf32, #tpu.memory_space<vmem_shared>> -> memref<10240x128xf32, #tpu.memory_space<vmem_shared>>
        tpu.enqueue_indirect_dma source(%arg8 : memref<128x128xf32, #tpu.memory_space<vmem>>) target(%dma_start3A_46 : memref<10240x128xf32, #tpu.memory_space<vmem_shared>>) offsets(%dma_start3A_43 : memref<128xi32, #tpu.memory_space<vmem>>) semaphore(%run_scoped3A : memref<!tpu.dma_semaphore, #tpu.memory_space<semaphore_mem>>) {add = true}
        %dma_wait3A_47 = arith.constant 0 : i32
        %dma_wait3A_48 = tpu.memref_slice %arg7[%scan3A_28, %dma_wait3A_47] : memref<79x128xi32, #tpu.memory_space<vmem>> -> memref<1x128xi32, #tpu.memory_space<vmem>>
        %dma_wait3A_49 = tpu.memref_squeeze %dma_wait3A_48 : memref<1x128xi32, #tpu.memory_space<vmem>> -> memref<128xi32, #tpu.memory_space<vmem>>
        %dma_wait3A_50 = arith.constant 0 : i32
        %dma_wait3A_51 = arith.constant 0 : i32
        %dma_wait3A_52 = tpu.memref_slice %arg9[%dma_wait3A_50, %dma_wait3A_51] : memref<10240x128xf32, #tpu.memory_space<vmem_shared>> -> memref<10240x128xf32, #tpu.memory_space<vmem_shared>>
        tpu.wait_indirect_dma semaphore(%run_scoped3A : memref<!tpu.dma_semaphore, #tpu.memory_space<semaphore_mem>>) src(%arg8 : memref<128x128xf32, #tpu.memory_space<vmem>>) dst(%dma_wait3A_52 : memref<10240x128xf32, #tpu.memory_space<vmem_shared>>)
        tpu.yield
      }) : () -> ()
      %scan3A_40 = arith.constant 0 : i32
      scf.yield %scan3A_40 : i32
    }
    %scan3A_26 = arith.constant 79 : i32
    %barrier3A_27 = arith.constant 0 : index
    tpu.barrier barrier_id(%barrier3A_27)
    "tpu.region"() ({
      %run_scoped3A = tpu.sem_alloc : memref<!tpu.dma_semaphore, #tpu.memory_space<semaphore_mem>>
      %dma_start3A = arith.constant 0 : i32
      %dma_start3A_28 = tpu.memref_slice %arg5[%arg0, %mul3A_9, %dma_start3A] : memref<2x10240x128xf32, #tpu.memory_space<hbm>> -> memref<1x640x128xf32, #tpu.memory_space<hbm>>
      %dma_start3A_29 = tpu.memref_squeeze %dma_start3A_28 : memref<1x640x128xf32, #tpu.memory_space<hbm>> -> memref<640x128xf32, #tpu.memory_space<hbm>>
      %dma_start3A_30 = arith.constant 0 : i32
      %dma_start3A_31 = tpu.memref_slice %arg9[%mul3A_9, %dma_start3A_30] : memref<10240x128xf32, #tpu.memory_space<vmem_shared>> -> memref<640x128xf32, #tpu.memory_space<vmem_shared>>
      tpu.enqueue_dma source(%dma_start3A_31 : memref<640x128xf32, #tpu.memory_space<vmem_shared>>) target(%dma_start3A_29 : memref<640x128xf32, #tpu.memory_space<hbm>>) target_semaphore(%run_scoped3A : memref<!tpu.dma_semaphore, #tpu.memory_space<semaphore_mem>>)
      %dma_wait3A = arith.constant 0 : i32
      %dma_wait3A_32 = tpu.memref_slice %arg5[%arg0, %mul3A_9, %dma_wait3A] : memref<2x10240x128xf32, #tpu.memory_space<hbm>> -> memref<1x640x128xf32, #tpu.memory_space<hbm>>
      %dma_wait3A_33 = tpu.memref_squeeze %dma_wait3A_32 : memref<1x640x128xf32, #tpu.memory_space<hbm>> -> memref<640x128xf32, #tpu.memory_space<hbm>>
      %dma_wait3A_34 = arith.constant 0 : i32
      %dma_wait3A_35 = tpu.memref_slice %arg9[%mul3A_9, %dma_wait3A_34] : memref<10240x128xf32, #tpu.memory_space<vmem_shared>> -> memref<640x128xf32, #tpu.memory_space<vmem_shared>>
      tpu.wait_dma2 semaphore(%run_scoped3A : memref<!tpu.dma_semaphore, #tpu.memory_space<semaphore_mem>>) src(%dma_wait3A_35 : memref<640x128xf32, #tpu.memory_space<vmem_shared>>) dst(%dma_wait3A_33 : memref<640x128xf32, #tpu.memory_space<hbm>>)
      tpu.yield
    }) : () -> ()
    return
  }
}

#map = affine_map<(d0, d1) -> (0, 0, 0)>
module attributes {stable_mosaic.version = 14 : i64} {
  func.func @_cnt_body(%arg0: i32, %arg1: i32, %arg2: memref<32x79x128xi32, #tpu.memory_space<hbm>>, %arg3: memref<2x10240x128xf32, #tpu.memory_space<hbm>>, %arg4: memref<79x128xi32, #tpu.memory_space<vmem>>, %arg5: memref<128x128xf32, #tpu.memory_space<vmem>>, %arg6: memref<128x128xf32, #tpu.memory_space<vmem>>, %arg7: memref<10240x128xf32, #tpu.memory_space<vmem_shared>>) attributes {dimension_semantics = [#tpu.dimension_semantics<core_parallel>, #tpu.dimension_semantics<subcore_parallel>], iteration_bounds = array<i64: 2, 16>, scalar_prefetch = 0 : i64, scratch_operands = 4 : i64, tpu.core_type = #tpu.core_type<sc_vector_subcore>, window_params = [{transform_indices = #map}, {transform_indices = #map}]} {
    %mul3A = arith.constant 2 : i32
    %mul3A_0 = arith.muli %arg1, %mul3A : i32
    %add3A = arith.addi %mul3A_0, %arg0 : i32
    %mul3A_1 = arith.constant 640 : i32
    %mul3A_2 = arith.muli %arg1, %mul3A_1 : i32
    %scan3A = arith.constant 0 : i32
    %scan3A_3 = arith.constant 0 : i32
    %scan3A_4 = arith.constant 128 : i32
    %scan3A_5 = arith.addi %scan3A_3, %scan3A_4 : i32
    %scan3A_6 = arith.constant 1 : i32
    %scan3A_7 = scf.for %scan3A_34 = %scan3A_3 to %scan3A_5 step %scan3A_6 iter_args(%scan3A_35 = %scan3A) -> (i32)  : i32 {
      %broadcast_in_dim3A = arith.constant 0.000000e+00 : f32
      %broadcast_in_dim3A_36 = vector.broadcast %broadcast_in_dim3A : f32 to vector<16xf32>
      %swap3A = arith.index_cast %scan3A_34 : i32 to index
      %swap3A_37 = arith.constant 0 : index
      %swap3A_38 = tpu.vector_load %arg6[%swap3A, %swap3A_37] {strides = array<i32>} : memref<128x128xf32, #tpu.memory_space<vmem>>, vector<1x16xf32>,
      %swap3A_39 = vector.shape_cast %swap3A_38 : vector<1x16xf32> to vector<16xf32>
      %swap3A_40 = vector.shape_cast %broadcast_in_dim3A_36 : vector<16xf32> to vector<1x16xf32>
      tpu.vector_store %arg6[%swap3A, %swap3A_37], %swap3A_40 {strides = array<i32>} : memref<128x128xf32, #tpu.memory_space<vmem>>, vector<1x16xf32>,
      %broadcast_in_dim3A_41 = arith.constant 0.000000e+00 : f32
      %broadcast_in_dim3A_42 = vector.broadcast %broadcast_in_dim3A_41 : f32 to vector<16xf32>
      %swap3A_43 = arith.index_cast %scan3A_34 : i32 to index
      %swap3A_44 = arith.constant 16 : index
      %swap3A_45 = tpu.vector_load %arg6[%swap3A_43, %swap3A_44] {strides = array<i32>} : memref<128x128xf32, #tpu.memory_space<vmem>>, vector<1x16xf32>,
      %swap3A_46 = vector.shape_cast %swap3A_45 : vector<1x16xf32> to vector<16xf32>
      %swap3A_47 = vector.shape_cast %broadcast_in_dim3A_42 : vector<16xf32> to vector<1x16xf32>
      tpu.vector_store %arg6[%swap3A_43, %swap3A_44], %swap3A_47 {strides = array<i32>} : memref<128x128xf32, #tpu.memory_space<vmem>>, vector<1x16xf32>,
      %broadcast_in_dim3A_48 = arith.constant 0.000000e+00 : f32
      %broadcast_in_dim3A_49 = vector.broadcast %broadcast_in_dim3A_48 : f32 to vector<16xf32>
      %swap3A_50 = arith.index_cast %scan3A_34 : i32 to index
      %swap3A_51 = arith.constant 32 : index
      %swap3A_52 = tpu.vector_load %arg6[%swap3A_50, %swap3A_51] {strides = array<i32>} : memref<128x128xf32, #tpu.memory_space<vmem>>, vector<1x16xf32>,
      %swap3A_53 = vector.shape_cast %swap3A_52 : vector<1x16xf32> to vector<16xf32>
      %swap3A_54 = vector.shape_cast %broadcast_in_dim3A_49 : vector<16xf32> to vector<1x16xf32>
      tpu.vector_store %arg6[%swap3A_50, %swap3A_51], %swap3A_54 {strides = array<i32>} : memref<128x128xf32, #tpu.memory_space<vmem>>, vector<1x16xf32>,
      %broadcast_in_dim3A_55 = arith.constant 0.000000e+00 : f32
      %broadcast_in_dim3A_56 = vector.broadcast %broadcast_in_dim3A_55 : f32 to vector<16xf32>
      %swap3A_57 = arith.index_cast %scan3A_34 : i32 to index
      %swap3A_58 = arith.constant 48 : index
      %swap3A_59 = tpu.vector_load %arg6[%swap3A_57, %swap3A_58] {strides = array<i32>} : memref<128x128xf32, #tpu.memory_space<vmem>>, vector<1x16xf32>,
      %swap3A_60 = vector.shape_cast %swap3A_59 : vector<1x16xf32> to vector<16xf32>
      %swap3A_61 = vector.shape_cast %broadcast_in_dim3A_56 : vector<16xf32> to vector<1x16xf32>
      tpu.vector_store %arg6[%swap3A_57, %swap3A_58], %swap3A_61 {strides = array<i32>} : memref<128x128xf32, #tpu.memory_space<vmem>>, vector<1x16xf32>,
      %broadcast_in_dim3A_62 = arith.constant 0.000000e+00 : f32
      %broadcast_in_dim3A_63 = vector.broadcast %broadcast_in_dim3A_62 : f32 to vector<16xf32>
      %swap3A_64 = arith.index_cast %scan3A_34 : i32 to index
      %swap3A_65 = arith.constant 64 : index
      %swap3A_66 = tpu.vector_load %arg6[%swap3A_64, %swap3A_65] {strides = array<i32>} : memref<128x128xf32, #tpu.memory_space<vmem>>, vector<1x16xf32>,
      %swap3A_67 = vector.shape_cast %swap3A_66 : vector<1x16xf32> to vector<16xf32>
      %swap3A_68 = vector.shape_cast %broadcast_in_dim3A_63 : vector<16xf32> to vector<1x16xf32>
      tpu.vector_store %arg6[%swap3A_64, %swap3A_65], %swap3A_68 {strides = array<i32>} : memref<128x128xf32, #tpu.memory_space<vmem>>, vector<1x16xf32>,
      %broadcast_in_dim3A_69 = arith.constant 0.000000e+00 : f32
      %broadcast_in_dim3A_70 = vector.broadcast %broadcast_in_dim3A_69 : f32 to vector<16xf32>
      %swap3A_71 = arith.index_cast %scan3A_34 : i32 to index
      %swap3A_72 = arith.constant 80 : index
      %swap3A_73 = tpu.vector_load %arg6[%swap3A_71, %swap3A_72] {strides = array<i32>} : memref<128x128xf32, #tpu.memory_space<vmem>>, vector<1x16xf32>,
      %swap3A_74 = vector.shape_cast %swap3A_73 : vector<1x16xf32> to vector<16xf32>
      %swap3A_75 = vector.shape_cast %broadcast_in_dim3A_70 : vector<16xf32> to vector<1x16xf32>
      tpu.vector_store %arg6[%swap3A_71, %swap3A_72], %swap3A_75 {strides = array<i32>} : memref<128x128xf32, #tpu.memory_space<vmem>>, vector<1x16xf32>,
      %broadcast_in_dim3A_76 = arith.constant 0.000000e+00 : f32
      %broadcast_in_dim3A_77 = vector.broadcast %broadcast_in_dim3A_76 : f32 to vector<16xf32>
      %swap3A_78 = arith.index_cast %scan3A_34 : i32 to index
      %swap3A_79 = arith.constant 96 : index
      %swap3A_80 = tpu.vector_load %arg6[%swap3A_78, %swap3A_79] {strides = array<i32>} : memref<128x128xf32, #tpu.memory_space<vmem>>, vector<1x16xf32>,
      %swap3A_81 = vector.shape_cast %swap3A_80 : vector<1x16xf32> to vector<16xf32>
      %swap3A_82 = vector.shape_cast %broadcast_in_dim3A_77 : vector<16xf32> to vector<1x16xf32>
      tpu.vector_store %arg6[%swap3A_78, %swap3A_79], %swap3A_82 {strides = array<i32>} : memref<128x128xf32, #tpu.memory_space<vmem>>, vector<1x16xf32>,
      %broadcast_in_dim3A_83 = arith.constant 0.000000e+00 : f32
      %broadcast_in_dim3A_84 = vector.broadcast %broadcast_in_dim3A_83 : f32 to vector<16xf32>
      %swap3A_85 = arith.index_cast %scan3A_34 : i32 to index
      %swap3A_86 = arith.constant 112 : index
      %swap3A_87 = tpu.vector_load %arg6[%swap3A_85, %swap3A_86] {strides = array<i32>} : memref<128x128xf32, #tpu.memory_space<vmem>>, vector<1x16xf32>,
      %swap3A_88 = vector.shape_cast %swap3A_87 : vector<1x16xf32> to vector<16xf32>
      %swap3A_89 = vector.shape_cast %broadcast_in_dim3A_84 : vector<16xf32> to vector<1x16xf32>
      tpu.vector_store %arg6[%swap3A_85, %swap3A_86], %swap3A_89 {strides = array<i32>} : memref<128x128xf32, #tpu.memory_space<vmem>>, vector<1x16xf32>,
      %scan3A_90 = arith.constant 0 : i32
      scf.yield %scan3A_90 : i32
    }
    %scan3A_8 = arith.constant 128 : i32
    %scan3A_9 = arith.constant 0 : i32
    %scan3A_10 = arith.constant 0 : i32
    %scan3A_11 = arith.constant 128 : i32
    %scan3A_12 = arith.addi %scan3A_10, %scan3A_11 : i32
    %scan3A_13 = arith.constant 1 : i32
    %scan3A_14 = scf.for %scan3A_34 = %scan3A_10 to %scan3A_12 step %scan3A_13 iter_args(%scan3A_35 = %scan3A_9) -> (i32)  : i32 {
      %broadcast_in_dim3A = arith.constant 1.000000e+00 : f32
      %broadcast_in_dim3A_36 = vector.broadcast %broadcast_in_dim3A : f32 to vector<16xf32>
      %swap3A = arith.index_cast %scan3A_34 : i32 to index
      %swap3A_37 = arith.constant 0 : index
      %swap3A_38 = tpu.vector_load %arg5[%swap3A, %swap3A_37] {strides = array<i32>} : memref<128x128xf32, #tpu.memory_space<vmem>>, vector<1x16xf32>,
      %swap3A_39 = vector.shape_cast %swap3A_38 : vector<1x16xf32> to vector<16xf32>
      %swap3A_40 = vector.shape_cast %broadcast_in_dim3A_36 : vector<16xf32> to vector<1x16xf32>
      tpu.vector_store %arg5[%swap3A, %swap3A_37], %swap3A_40 {strides = array<i32>} : memref<128x128xf32, #tpu.memory_space<vmem>>, vector<1x16xf32>,
      %broadcast_in_dim3A_41 = arith.constant 1.000000e+00 : f32
      %broadcast_in_dim3A_42 = vector.broadcast %broadcast_in_dim3A_41 : f32 to vector<16xf32>
      %swap3A_43 = arith.index_cast %scan3A_34 : i32 to index
      %swap3A_44 = arith.constant 16 : index
      %swap3A_45 = tpu.vector_load %arg5[%swap3A_43, %swap3A_44] {strides = array<i32>} : memref<128x128xf32, #tpu.memory_space<vmem>>, vector<1x16xf32>,
      %swap3A_46 = vector.shape_cast %swap3A_45 : vector<1x16xf32> to vector<16xf32>
      %swap3A_47 = vector.shape_cast %broadcast_in_dim3A_42 : vector<16xf32> to vector<1x16xf32>
      tpu.vector_store %arg5[%swap3A_43, %swap3A_44], %swap3A_47 {strides = array<i32>} : memref<128x128xf32, #tpu.memory_space<vmem>>, vector<1x16xf32>,
      %broadcast_in_dim3A_48 = arith.constant 1.000000e+00 : f32
      %broadcast_in_dim3A_49 = vector.broadcast %broadcast_in_dim3A_48 : f32 to vector<16xf32>
      %swap3A_50 = arith.index_cast %scan3A_34 : i32 to index
      %swap3A_51 = arith.constant 32 : index
      %swap3A_52 = tpu.vector_load %arg5[%swap3A_50, %swap3A_51] {strides = array<i32>} : memref<128x128xf32, #tpu.memory_space<vmem>>, vector<1x16xf32>,
      %swap3A_53 = vector.shape_cast %swap3A_52 : vector<1x16xf32> to vector<16xf32>
      %swap3A_54 = vector.shape_cast %broadcast_in_dim3A_49 : vector<16xf32> to vector<1x16xf32>
      tpu.vector_store %arg5[%swap3A_50, %swap3A_51], %swap3A_54 {strides = array<i32>} : memref<128x128xf32, #tpu.memory_space<vmem>>, vector<1x16xf32>,
      %broadcast_in_dim3A_55 = arith.constant 1.000000e+00 : f32
      %broadcast_in_dim3A_56 = vector.broadcast %broadcast_in_dim3A_55 : f32 to vector<16xf32>
      %swap3A_57 = arith.index_cast %scan3A_34 : i32 to index
      %swap3A_58 = arith.constant 48 : index
      %swap3A_59 = tpu.vector_load %arg5[%swap3A_57, %swap3A_58] {strides = array<i32>} : memref<128x128xf32, #tpu.memory_space<vmem>>, vector<1x16xf32>,
      %swap3A_60 = vector.shape_cast %swap3A_59 : vector<1x16xf32> to vector<16xf32>
      %swap3A_61 = vector.shape_cast %broadcast_in_dim3A_56 : vector<16xf32> to vector<1x16xf32>
      tpu.vector_store %arg5[%swap3A_57, %swap3A_58], %swap3A_61 {strides = array<i32>} : memref<128x128xf32, #tpu.memory_space<vmem>>, vector<1x16xf32>,
      %broadcast_in_dim3A_62 = arith.constant 1.000000e+00 : f32
      %broadcast_in_dim3A_63 = vector.broadcast %broadcast_in_dim3A_62 : f32 to vector<16xf32>
      %swap3A_64 = arith.index_cast %scan3A_34 : i32 to index
      %swap3A_65 = arith.constant 64 : index
      %swap3A_66 = tpu.vector_load %arg5[%swap3A_64, %swap3A_65] {strides = array<i32>} : memref<128x128xf32, #tpu.memory_space<vmem>>, vector<1x16xf32>,
      %swap3A_67 = vector.shape_cast %swap3A_66 : vector<1x16xf32> to vector<16xf32>
      %swap3A_68 = vector.shape_cast %broadcast_in_dim3A_63 : vector<16xf32> to vector<1x16xf32>
      tpu.vector_store %arg5[%swap3A_64, %swap3A_65], %swap3A_68 {strides = array<i32>} : memref<128x128xf32, #tpu.memory_space<vmem>>, vector<1x16xf32>,
      %broadcast_in_dim3A_69 = arith.constant 1.000000e+00 : f32
      %broadcast_in_dim3A_70 = vector.broadcast %broadcast_in_dim3A_69 : f32 to vector<16xf32>
      %swap3A_71 = arith.index_cast %scan3A_34 : i32 to index
      %swap3A_72 = arith.constant 80 : index
      %swap3A_73 = tpu.vector_load %arg5[%swap3A_71, %swap3A_72] {strides = array<i32>} : memref<128x128xf32, #tpu.memory_space<vmem>>, vector<1x16xf32>,
      %swap3A_74 = vector.shape_cast %swap3A_73 : vector<1x16xf32> to vector<16xf32>
      %swap3A_75 = vector.shape_cast %broadcast_in_dim3A_70 : vector<16xf32> to vector<1x16xf32>
      tpu.vector_store %arg5[%swap3A_71, %swap3A_72], %swap3A_75 {strides = array<i32>} : memref<128x128xf32, #tpu.memory_space<vmem>>, vector<1x16xf32>,
      %broadcast_in_dim3A_76 = arith.constant 1.000000e+00 : f32
      %broadcast_in_dim3A_77 = vector.broadcast %broadcast_in_dim3A_76 : f32 to vector<16xf32>
      %swap3A_78 = arith.index_cast %scan3A_34 : i32 to index
      %swap3A_79 = arith.constant 96 : index
      %swap3A_80 = tpu.vector_load %arg5[%swap3A_78, %swap3A_79] {strides = array<i32>} : memref<128x128xf32, #tpu.memory_space<vmem>>, vector<1x16xf32>,
      %swap3A_81 = vector.shape_cast %swap3A_80 : vector<1x16xf32> to vector<16xf32>
      %swap3A_82 = vector.shape_cast %broadcast_in_dim3A_77 : vector<16xf32> to vector<1x16xf32>
      tpu.vector_store %arg5[%swap3A_78, %swap3A_79], %swap3A_82 {strides = array<i32>} : memref<128x128xf32, #tpu.memory_space<vmem>>, vector<1x16xf32>,
      %broadcast_in_dim3A_83 = arith.constant 1.000000e+00 : f32
      %broadcast_in_dim3A_84 = vector.broadcast %broadcast_in_dim3A_83 : f32 to vector<16xf32>
      %swap3A_85 = arith.index_cast %scan3A_34 : i32 to index
      %swap3A_86 = arith.constant 112 : index
      %swap3A_87 = tpu.vector_load %arg5[%swap3A_85, %swap3A_86] {strides = array<i32>} : memref<128x128xf32, #tpu.memory_space<vmem>>, vector<1x16xf32>,
      %swap3A_88 = vector.shape_cast %swap3A_87 : vector<1x16xf32> to vector<16xf32>
      %swap3A_89 = vector.shape_cast %broadcast_in_dim3A_84 : vector<16xf32> to vector<1x16xf32>
      tpu.vector_store %arg5[%swap3A_85, %swap3A_86], %swap3A_89 {strides = array<i32>} : memref<128x128xf32, #tpu.memory_space<vmem>>, vector<1x16xf32>,
      %scan3A_90 = arith.constant 0 : i32
      scf.yield %scan3A_90 : i32
    }
    %scan3A_15 = arith.constant 128 : i32
    %add3A_16 = arith.constant 0 : i32
    %add3A_17 = arith.addi %mul3A_2, %add3A_16 : i32
    "tpu.region"() ({
      %run_scoped3A = tpu.sem_alloc : memref<!tpu.dma_semaphore, #tpu.memory_space<semaphore_mem>>
      %dma_start3A = arith.constant 0 : i32
      %dma_start3A_34 = tpu.memref_slice %arg7[%add3A_17, %dma_start3A] : memref<10240x128xf32, #tpu.memory_space<vmem_shared>> -> memref<128x128xf32, #tpu.memory_space<vmem_shared>>
      %dma_start3A_35 = arith.constant 0 : i32
      %dma_start3A_36 = tpu.memref_slice %arg7[%add3A_17, %dma_start3A_35] : memref<10240x128xf32, #tpu.memory_space<vmem_shared>> -> memref<128x128xf32, #tpu.memory_space<vmem_shared>>
      tpu.enqueue_dma source(%arg6 : memref<128x128xf32, #tpu.memory_space<vmem>>) target(%dma_start3A_36 : memref<128x128xf32, #tpu.memory_space<vmem_shared>>) target_semaphore(%run_scoped3A : memref<!tpu.dma_semaphore, #tpu.memory_space<semaphore_mem>>)
      %dma_wait3A = arith.constant 0 : i32
      %dma_wait3A_37 = tpu.memref_slice %arg7[%add3A_17, %dma_wait3A] : memref<10240x128xf32, #tpu.memory_space<vmem_shared>> -> memref<128x128xf32, #tpu.memory_space<vmem_shared>>
      %dma_wait3A_38 = arith.constant 0 : i32
      %dma_wait3A_39 = tpu.memref_slice %arg7[%add3A_17, %dma_wait3A_38] : memref<10240x128xf32, #tpu.memory_space<vmem_shared>> -> memref<128x128xf32, #tpu.memory_space<vmem_shared>>
      tpu.wait_dma2 semaphore(%run_scoped3A : memref<!tpu.dma_semaphore, #tpu.memory_space<semaphore_mem>>) src(%arg6 : memref<128x128xf32, #tpu.memory_space<vmem>>) dst(%dma_wait3A_39 : memref<128x128xf32, #tpu.memory_space<vmem_shared>>)
      tpu.yield
    }) : () -> ()
    %add3A_18 = arith.constant 128 : i32
    %add3A_19 = arith.addi %mul3A_2, %add3A_18 : i32
    "tpu.region"() ({
      %run_scoped3A = tpu.sem_alloc : memref<!tpu.dma_semaphore, #tpu.memory_space<semaphore_mem>>
      %dma_start3A = arith.constant 0 : i32
      %dma_start3A_34 = tpu.memref_slice %arg7[%add3A_19, %dma_start3A] : memref<10240x128xf32, #tpu.memory_space<vmem_shared>> -> memref<128x128xf32, #tpu.memory_space<vmem_shared>>
      %dma_start3A_35 = arith.constant 0 : i32
      %dma_start3A_36 = tpu.memref_slice %arg7[%add3A_19, %dma_start3A_35] : memref<10240x128xf32, #tpu.memory_space<vmem_shared>> -> memref<128x128xf32, #tpu.memory_space<vmem_shared>>
      tpu.enqueue_dma source(%arg6 : memref<128x128xf32, #tpu.memory_space<vmem>>) target(%dma_start3A_36 : memref<128x128xf32, #tpu.memory_space<vmem_shared>>) target_semaphore(%run_scoped3A : memref<!tpu.dma_semaphore, #tpu.memory_space<semaphore_mem>>)
      %dma_wait3A = arith.constant 0 : i32
      %dma_wait3A_37 = tpu.memref_slice %arg7[%add3A_19, %dma_wait3A] : memref<10240x128xf32, #tpu.memory_space<vmem_shared>> -> memref<128x128xf32, #tpu.memory_space<vmem_shared>>
      %dma_wait3A_38 = arith.constant 0 : i32
      %dma_wait3A_39 = tpu.memref_slice %arg7[%add3A_19, %dma_wait3A_38] : memref<10240x128xf32, #tpu.memory_space<vmem_shared>> -> memref<128x128xf32, #tpu.memory_space<vmem_shared>>
      tpu.wait_dma2 semaphore(%run_scoped3A : memref<!tpu.dma_semaphore, #tpu.memory_space<semaphore_mem>>) src(%arg6 : memref<128x128xf32, #tpu.memory_space<vmem>>) dst(%dma_wait3A_39 : memref<128x128xf32, #tpu.memory_space<vmem_shared>>)
      tpu.yield
    }) : () -> ()
    %add3A_20 = arith.constant 256 : i32
    %add3A_21 = arith.addi %mul3A_2, %add3A_20 : i32
    "tpu.region"() ({
      %run_scoped3A = tpu.sem_alloc : memref<!tpu.dma_semaphore, #tpu.memory_space<semaphore_mem>>
      %dma_start3A = arith.constant 0 : i32
      %dma_start3A_34 = tpu.memref_slice %arg7[%add3A_21, %dma_start3A] : memref<10240x128xf32, #tpu.memory_space<vmem_shared>> -> memref<128x128xf32, #tpu.memory_space<vmem_shared>>
      %dma_start3A_35 = arith.constant 0 : i32
      %dma_start3A_36 = tpu.memref_slice %arg7[%add3A_21, %dma_start3A_35] : memref<10240x128xf32, #tpu.memory_space<vmem_shared>> -> memref<128x128xf32, #tpu.memory_space<vmem_shared>>
      tpu.enqueue_dma source(%arg6 : memref<128x128xf32, #tpu.memory_space<vmem>>) target(%dma_start3A_36 : memref<128x128xf32, #tpu.memory_space<vmem_shared>>) target_semaphore(%run_scoped3A : memref<!tpu.dma_semaphore, #tpu.memory_space<semaphore_mem>>)
      %dma_wait3A = arith.constant 0 : i32
      %dma_wait3A_37 = tpu.memref_slice %arg7[%add3A_21, %dma_wait3A] : memref<10240x128xf32, #tpu.memory_space<vmem_shared>> -> memref<128x128xf32, #tpu.memory_space<vmem_shared>>
      %dma_wait3A_38 = arith.constant 0 : i32
      %dma_wait3A_39 = tpu.memref_slice %arg7[%add3A_21, %dma_wait3A_38] : memref<10240x128xf32, #tpu.memory_space<vmem_shared>> -> memref<128x128xf32, #tpu.memory_space<vmem_shared>>
      tpu.wait_dma2 semaphore(%run_scoped3A : memref<!tpu.dma_semaphore, #tpu.memory_space<semaphore_mem>>) src(%arg6 : memref<128x128xf32, #tpu.memory_space<vmem>>) dst(%dma_wait3A_39 : memref<128x128xf32, #tpu.memory_space<vmem_shared>>)
      tpu.yield
    }) : () -> ()
    %add3A_22 = arith.constant 384 : i32
    %add3A_23 = arith.addi %mul3A_2, %add3A_22 : i32
    "tpu.region"() ({
      %run_scoped3A = tpu.sem_alloc : memref<!tpu.dma_semaphore, #tpu.memory_space<semaphore_mem>>
      %dma_start3A = arith.constant 0 : i32
      %dma_start3A_34 = tpu.memref_slice %arg7[%add3A_23, %dma_start3A] : memref<10240x128xf32, #tpu.memory_space<vmem_shared>> -> memref<128x128xf32, #tpu.memory_space<vmem_shared>>
      %dma_start3A_35 = arith.constant 0 : i32
      %dma_start3A_36 = tpu.memref_slice %arg7[%add3A_23, %dma_start3A_35] : memref<10240x128xf32, #tpu.memory_space<vmem_shared>> -> memref<128x128xf32, #tpu.memory_space<vmem_shared>>
      tpu.enqueue_dma source(%arg6 : memref<128x128xf32, #tpu.memory_space<vmem>>) target(%dma_start3A_36 : memref<128x128xf32, #tpu.memory_space<vmem_shared>>) target_semaphore(%run_scoped3A : memref<!tpu.dma_semaphore, #tpu.memory_space<semaphore_mem>>)
      %dma_wait3A = arith.constant 0 : i32
      %dma_wait3A_37 = tpu.memref_slice %arg7[%add3A_23, %dma_wait3A] : memref<10240x128xf32, #tpu.memory_space<vmem_shared>> -> memref<128x128xf32, #tpu.memory_space<vmem_shared>>
      %dma_wait3A_38 = arith.constant 0 : i32
      %dma_wait3A_39 = tpu.memref_slice %arg7[%add3A_23, %dma_wait3A_38] : memref<10240x128xf32, #tpu.memory_space<vmem_shared>> -> memref<128x128xf32, #tpu.memory_space<vmem_shared>>
      tpu.wait_dma2 semaphore(%run_scoped3A : memref<!tpu.dma_semaphore, #tpu.memory_space<semaphore_mem>>) src(%arg6 : memref<128x128xf32, #tpu.memory_space<vmem>>) dst(%dma_wait3A_39 : memref<128x128xf32, #tpu.memory_space<vmem_shared>>)
      tpu.yield
    }) : () -> ()
    %add3A_24 = arith.constant 512 : i32
    %add3A_25 = arith.addi %mul3A_2, %add3A_24 : i32
    "tpu.region"() ({
      %run_scoped3A = tpu.sem_alloc : memref<!tpu.dma_semaphore, #tpu.memory_space<semaphore_mem>>
      %dma_start3A = arith.constant 0 : i32
      %dma_start3A_34 = tpu.memref_slice %arg7[%add3A_25, %dma_start3A] : memref<10240x128xf32, #tpu.memory_space<vmem_shared>> -> memref<128x128xf32, #tpu.memory_space<vmem_shared>>
      %dma_start3A_35 = arith.constant 0 : i32
      %dma_start3A_36 = tpu.memref_slice %arg7[%add3A_25, %dma_start3A_35] : memref<10240x128xf32, #tpu.memory_space<vmem_shared>> -> memref<128x128xf32, #tpu.memory_space<vmem_shared>>
      tpu.enqueue_dma source(%arg6 : memref<128x128xf32, #tpu.memory_space<vmem>>) target(%dma_start3A_36 : memref<128x128xf32, #tpu.memory_space<vmem_shared>>) target_semaphore(%run_scoped3A : memref<!tpu.dma_semaphore, #tpu.memory_space<semaphore_mem>>)
      %dma_wait3A = arith.constant 0 : i32
      %dma_wait3A_37 = tpu.memref_slice %arg7[%add3A_25, %dma_wait3A] : memref<10240x128xf32, #tpu.memory_space<vmem_shared>> -> memref<128x128xf32, #tpu.memory_space<vmem_shared>>
      %dma_wait3A_38 = arith.constant 0 : i32
      %dma_wait3A_39 = tpu.memref_slice %arg7[%add3A_25, %dma_wait3A_38] : memref<10240x128xf32, #tpu.memory_space<vmem_shared>> -> memref<128x128xf32, #tpu.memory_space<vmem_shared>>
      tpu.wait_dma2 semaphore(%run_scoped3A : memref<!tpu.dma_semaphore, #tpu.memory_space<semaphore_mem>>) src(%arg6 : memref<128x128xf32, #tpu.memory_space<vmem>>) dst(%dma_wait3A_39 : memref<128x128xf32, #tpu.memory_space<vmem_shared>>)
      tpu.yield
    }) : () -> ()
    %barrier3A = arith.constant 0 : index
    tpu.barrier barrier_id(%barrier3A)
    "tpu.region"() ({
      %run_scoped3A = tpu.sem_alloc : memref<!tpu.dma_semaphore, #tpu.memory_space<semaphore_mem>>
      %dma_start3A = arith.constant 0 : i32
      %dma_start3A_34 = arith.constant 0 : i32
      %dma_start3A_35 = tpu.memref_slice %arg2[%add3A, %dma_start3A, %dma_start3A_34] : memref<32x79x128xi32, #tpu.memory_space<hbm>> -> memref<1x79x128xi32, #tpu.memory_space<hbm>>
      %dma_start3A_36 = tpu.memref_squeeze %dma_start3A_35 : memref<1x79x128xi32, #tpu.memory_space<hbm>> -> memref<79x128xi32, #tpu.memory_space<hbm>>
      %dma_start3A_37 = arith.constant 0 : i32
      %dma_start3A_38 = arith.constant 0 : i32
      %dma_start3A_39 = tpu.memref_slice %arg2[%add3A, %dma_start3A_37, %dma_start3A_38] : memref<32x79x128xi32, #tpu.memory_space<hbm>> -> memref<1x79x128xi32, #tpu.memory_space<hbm>>
      %dma_start3A_40 = tpu.memref_squeeze %dma_start3A_39 : memref<1x79x128xi32, #tpu.memory_space<hbm>> -> memref<79x128xi32, #tpu.memory_space<hbm>>
      tpu.enqueue_dma source(%dma_start3A_40 : memref<79x128xi32, #tpu.memory_space<hbm>>) target(%arg4 : memref<79x128xi32, #tpu.memory_space<vmem>>) target_semaphore(%run_scoped3A : memref<!tpu.dma_semaphore, #tpu.memory_space<semaphore_mem>>)
      %dma_wait3A = arith.constant 0 : i32
      %dma_wait3A_41 = arith.constant 0 : i32
      %dma_wait3A_42 = tpu.memref_slice %arg2[%add3A, %dma_wait3A, %dma_wait3A_41] : memref<32x79x128xi32, #tpu.memory_space<hbm>> -> memref<1x79x128xi32, #tpu.memory_space<hbm>>
      %dma_wait3A_43 = tpu.memref_squeeze %dma_wait3A_42 : memref<1x79x128xi32, #tpu.memory_space<hbm>> -> memref<79x128xi32, #tpu.memory_space<hbm>>
      %dma_wait3A_44 = arith.constant 0 : i32
      %dma_wait3A_45 = arith.constant 0 : i32
      %dma_wait3A_46 = tpu.memref_slice %arg2[%add3A, %dma_wait3A_44, %dma_wait3A_45] : memref<32x79x128xi32, #tpu.memory_space<hbm>> -> memref<1x79x128xi32, #tpu.memory_space<hbm>>
      %dma_wait3A_47 = tpu.memref_squeeze %dma_wait3A_46 : memref<1x79x128xi32, #tpu.memory_space<hbm>> -> memref<79x128xi32, #tpu.memory_space<hbm>>
      tpu.wait_dma2 semaphore(%run_scoped3A : memref<!tpu.dma_semaphore, #tpu.memory_space<semaphore_mem>>) src(%dma_wait3A_47 : memref<79x128xi32, #tpu.memory_space<hbm>>) dst(%arg4 : memref<79x128xi32, #tpu.memory_space<vmem>>)
      tpu.yield
    }) : () -> ()
    %scan3A_26 = arith.constant 0 : i32
    %scan3A_27 = arith.constant 0 : i32
    %scan3A_28 = arith.constant 79 : i32
    %scan3A_29 = arith.addi %scan3A_27, %scan3A_28 : i32
    %scan3A_30 = arith.constant 1 : i32
    %scan3A_31 = scf.for %scan3A_34 = %scan3A_27 to %scan3A_29 step %scan3A_30 iter_args(%scan3A_35 = %scan3A_26) -> (i32)  : i32 {
      "tpu.region"() ({
        %run_scoped3A = tpu.sem_alloc : memref<!tpu.dma_semaphore, #tpu.memory_space<semaphore_mem>>
        %dma_start3A = arith.constant 0 : i32
        %dma_start3A_37 = tpu.memref_slice %arg4[%scan3A_34, %dma_start3A] : memref<79x128xi32, #tpu.memory_space<vmem>> -> memref<1x128xi32, #tpu.memory_space<vmem>>
        %dma_start3A_38 = tpu.memref_squeeze %dma_start3A_37 : memref<1x128xi32, #tpu.memory_space<vmem>> -> memref<128xi32, #tpu.memory_space<vmem>>
        %dma_start3A_39 = arith.constant 0 : i32
        %dma_start3A_40 = arith.constant 0 : i32
        %dma_start3A_41 = tpu.memref_slice %arg7[%dma_start3A_39, %dma_start3A_40] : memref<10240x128xf32, #tpu.memory_space<vmem_shared>> -> memref<10240x128xf32, #tpu.memory_space<vmem_shared>>
        tpu.enqueue_indirect_dma source(%arg5 : memref<128x128xf32, #tpu.memory_space<vmem>>) target(%dma_start3A_41 : memref<10240x128xf32, #tpu.memory_space<vmem_shared>>) offsets(%dma_start3A_38 : memref<128xi32, #tpu.memory_space<vmem>>) semaphore(%run_scoped3A : memref<!tpu.dma_semaphore, #tpu.memory_space<semaphore_mem>>) {add = true}
        %dma_wait3A = arith.constant 0 : i32
        %dma_wait3A_42 = tpu.memref_slice %arg4[%scan3A_34, %dma_wait3A] : memref<79x128xi32, #tpu.memory_space<vmem>> -> memref<1x128xi32, #tpu.memory_space<vmem>>
        %dma_wait3A_43 = tpu.memref_squeeze %dma_wait3A_42 : memref<1x128xi32, #tpu.memory_space<vmem>> -> memref<128xi32, #tpu.memory_space<vmem>>
        %dma_wait3A_44 = arith.constant 0 : i32
        %dma_wait3A_45 = arith.constant 0 : i32
        %dma_wait3A_46 = tpu.memref_slice %arg7[%dma_wait3A_44, %dma_wait3A_45] : memref<10240x128xf32, #tpu.memory_space<vmem_shared>> -> memref<10240x128xf32, #tpu.memory_space<vmem_shared>>
        tpu.wait_indirect_dma semaphore(%run_scoped3A : memref<!tpu.dma_semaphore, #tpu.memory_space<semaphore_mem>>) src(%arg5 : memref<128x128xf32, #tpu.memory_space<vmem>>) dst(%dma_wait3A_46 : memref<10240x128xf32, #tpu.memory_space<vmem_shared>>)
        tpu.yield
      }) : () -> ()
      %scan3A_36 = arith.constant 0 : i32
      scf.yield %scan3A_36 : i32
    }
    %scan3A_32 = arith.constant 79 : i32
    %barrier3A_33 = arith.constant 0 : index
    tpu.barrier barrier_id(%barrier3A_33)
    "tpu.region"() ({
      %run_scoped3A = tpu.sem_alloc : memref<!tpu.dma_semaphore, #tpu.memory_space<semaphore_mem>>
      %dma_start3A = arith.constant 0 : i32
      %dma_start3A_34 = tpu.memref_slice %arg3[%arg0, %mul3A_2, %dma_start3A] : memref<2x10240x128xf32, #tpu.memory_space<hbm>> -> memref<1x640x128xf32, #tpu.memory_space<hbm>>
      %dma_start3A_35 = tpu.memref_squeeze %dma_start3A_34 : memref<1x640x128xf32, #tpu.memory_space<hbm>> -> memref<640x128xf32, #tpu.memory_space<hbm>>
      %dma_start3A_36 = arith.constant 0 : i32
      %dma_start3A_37 = tpu.memref_slice %arg7[%mul3A_2, %dma_start3A_36] : memref<10240x128xf32, #tpu.memory_space<vmem_shared>> -> memref<640x128xf32, #tpu.memory_space<vmem_shared>>
      tpu.enqueue_dma source(%dma_start3A_37 : memref<640x128xf32, #tpu.memory_space<vmem_shared>>) target(%dma_start3A_35 : memref<640x128xf32, #tpu.memory_space<hbm>>) target_semaphore(%run_scoped3A : memref<!tpu.dma_semaphore, #tpu.memory_space<semaphore_mem>>)
      %dma_wait3A = arith.constant 0 : i32
      %dma_wait3A_38 = tpu.memref_slice %arg3[%arg0, %mul3A_2, %dma_wait3A] : memref<2x10240x128xf32, #tpu.memory_space<hbm>> -> memref<1x640x128xf32, #tpu.memory_space<hbm>>
      %dma_wait3A_39 = tpu.memref_squeeze %dma_wait3A_38 : memref<1x640x128xf32, #tpu.memory_space<hbm>> -> memref<640x128xf32, #tpu.memory_space<hbm>>
      %dma_wait3A_40 = arith.constant 0 : i32
      %dma_wait3A_41 = tpu.memref_slice %arg7[%mul3A_2, %dma_wait3A_40] : memref<10240x128xf32, #tpu.memory_space<vmem_shared>> -> memref<640x128xf32, #tpu.memory_space<vmem_shared>>
      tpu.wait_dma2 semaphore(%run_scoped3A : memref<!tpu.dma_semaphore, #tpu.memory_space<semaphore_mem>>) src(%dma_wait3A_41 : memref<640x128xf32, #tpu.memory_space<vmem_shared>>) dst(%dma_wait3A_39 : memref<640x128xf32, #tpu.memory_space<hbm>>)
      tpu.yield
    }) : () -> ()
    return
  }
}

#map = affine_map<(d0, d1) -> (0, 0)>
#map1 = affine_map<(d0, d1) -> (0, 0, 0)>
module attributes {stable_mosaic.version = 14 : i64} {
  func.func @_seg_body(%arg0: i32, %arg1: i32, %arg2: memref<10000x128xf32, #tpu.memory_space<hbm>>, %arg3: memref<32x79x128xi32, #tpu.memory_space<hbm>>, %arg4: memref<32x79x128xi32, #tpu.memory_space<hbm>>, %arg5: memref<2x10240x128xf32, #tpu.memory_space<hbm>>, %arg6: memref<79x128xi32, #tpu.memory_space<vmem>>, %arg7: memref<79x128xi32, #tpu.memory_space<vmem>>, %arg8: memref<128x128xf32, #tpu.memory_space<vmem>>, %arg9: memref<10240x128xf32, #tpu.memory_space<vmem_shared>>, %arg10: memref<!tpu.dma_semaphore, #tpu.memory_space<semaphore_mem>>) attributes {dimension_semantics = [#tpu.dimension_semantics<core_parallel>, #tpu.dimension_semantics<subcore_parallel>], iteration_bounds = array<i64: 2, 16>, scalar_prefetch = 0 : i64, scratch_operands = 5 : i64, tpu.core_type = #tpu.core_type<sc_vector_subcore>, window_params = [{transform_indices = #map}, {transform_indices = #map1}, {transform_indices = #map1}, {transform_indices = #map1}]} {
    %mul3A = arith.constant 2 : i32
    %mul3A_0 = arith.muli %arg1, %mul3A : i32
    %add3A = arith.addi %mul3A_0, %arg0 : i32
    %broadcast_in_dim3A = arith.constant 0.000000e+00 : f32
    %broadcast_in_dim3A_1 = vector.broadcast %broadcast_in_dim3A : f32 to vector<16xf32>
    %scan3A = arith.constant 0 : i32
    %scan3A_2 = arith.constant 0 : i32
    %scan3A_3 = arith.constant 128 : i32
    %scan3A_4 = arith.addi %scan3A_2, %scan3A_3 : i32
    %scan3A_5 = arith.constant 1 : i32
    %scan3A_6 = scf.for %scan3A_28 = %scan3A_2 to %scan3A_4 step %scan3A_5 iter_args(%scan3A_29 = %scan3A) -> (i32)  : i32 {
      %swap3A = arith.index_cast %scan3A_28 : i32 to index
      %swap3A_30 = arith.constant 0 : index
      %swap3A_31 = tpu.vector_load %arg8[%swap3A, %swap3A_30] {strides = array<i32>} : memref<128x128xf32, #tpu.memory_space<vmem>>, vector<1x16xf32>,
      %swap3A_32 = vector.shape_cast %swap3A_31 : vector<1x16xf32> to vector<16xf32>
      %swap3A_33 = vector.shape_cast %broadcast_in_dim3A_1 : vector<16xf32> to vector<1x16xf32>
      tpu.vector_store %arg8[%swap3A, %swap3A_30], %swap3A_33 {strides = array<i32>} : memref<128x128xf32, #tpu.memory_space<vmem>>, vector<1x16xf32>,
      %swap3A_34 = arith.index_cast %scan3A_28 : i32 to index
      %swap3A_35 = arith.constant 16 : index
      %swap3A_36 = tpu.vector_load %arg8[%swap3A_34, %swap3A_35] {strides = array<i32>} : memref<128x128xf32, #tpu.memory_space<vmem>>, vector<1x16xf32>,
      %swap3A_37 = vector.shape_cast %swap3A_36 : vector<1x16xf32> to vector<16xf32>
      %swap3A_38 = vector.shape_cast %broadcast_in_dim3A_1 : vector<16xf32> to vector<1x16xf32>
      tpu.vector_store %arg8[%swap3A_34, %swap3A_35], %swap3A_38 {strides = array<i32>} : memref<128x128xf32, #tpu.memory_space<vmem>>, vector<1x16xf32>,
      %swap3A_39 = arith.index_cast %scan3A_28 : i32 to index
      %swap3A_40 = arith.constant 32 : index
      %swap3A_41 = tpu.vector_load %arg8[%swap3A_39, %swap3A_40] {strides = array<i32>} : memref<128x128xf32, #tpu.memory_space<vmem>>, vector<1x16xf32>,
      %swap3A_42 = vector.shape_cast %swap3A_41 : vector<1x16xf32> to vector<16xf32>
      %swap3A_43 = vector.shape_cast %broadcast_in_dim3A_1 : vector<16xf32> to vector<1x16xf32>
      tpu.vector_store %arg8[%swap3A_39, %swap3A_40], %swap3A_43 {strides = array<i32>} : memref<128x128xf32, #tpu.memory_space<vmem>>, vector<1x16xf32>,
      %swap3A_44 = arith.index_cast %scan3A_28 : i32 to index
      %swap3A_45 = arith.constant 48 : index
      %swap3A_46 = tpu.vector_load %arg8[%swap3A_44, %swap3A_45] {strides = array<i32>} : memref<128x128xf32, #tpu.memory_space<vmem>>, vector<1x16xf32>,
      %swap3A_47 = vector.shape_cast %swap3A_46 : vector<1x16xf32> to vector<16xf32>
      %swap3A_48 = vector.shape_cast %broadcast_in_dim3A_1 : vector<16xf32> to vector<1x16xf32>
      tpu.vector_store %arg8[%swap3A_44, %swap3A_45], %swap3A_48 {strides = array<i32>} : memref<128x128xf32, #tpu.memory_space<vmem>>, vector<1x16xf32>,
      %swap3A_49 = arith.index_cast %scan3A_28 : i32 to index
      %swap3A_50 = arith.constant 64 : index
      %swap3A_51 = tpu.vector_load %arg8[%swap3A_49, %swap3A_50] {strides = array<i32>} : memref<128x128xf32, #tpu.memory_space<vmem>>, vector<1x16xf32>,
      %swap3A_52 = vector.shape_cast %swap3A_51 : vector<1x16xf32> to vector<16xf32>
      %swap3A_53 = vector.shape_cast %broadcast_in_dim3A_1 : vector<16xf32> to vector<1x16xf32>
      tpu.vector_store %arg8[%swap3A_49, %swap3A_50], %swap3A_53 {strides = array<i32>} : memref<128x128xf32, #tpu.memory_space<vmem>>, vector<1x16xf32>,
      %swap3A_54 = arith.index_cast %scan3A_28 : i32 to index
      %swap3A_55 = arith.constant 80 : index
      %swap3A_56 = tpu.vector_load %arg8[%swap3A_54, %swap3A_55] {strides = array<i32>} : memref<128x128xf32, #tpu.memory_space<vmem>>, vector<1x16xf32>,
      %swap3A_57 = vector.shape_cast %swap3A_56 : vector<1x16xf32> to vector<16xf32>
      %swap3A_58 = vector.shape_cast %broadcast_in_dim3A_1 : vector<16xf32> to vector<1x16xf32>
      tpu.vector_store %arg8[%swap3A_54, %swap3A_55], %swap3A_58 {strides = array<i32>} : memref<128x128xf32, #tpu.memory_space<vmem>>, vector<1x16xf32>,
      %swap3A_59 = arith.index_cast %scan3A_28 : i32 to index
      %swap3A_60 = arith.constant 96 : index
      %swap3A_61 = tpu.vector_load %arg8[%swap3A_59, %swap3A_60] {strides = array<i32>} : memref<128x128xf32, #tpu.memory_space<vmem>>, vector<1x16xf32>,
      %swap3A_62 = vector.shape_cast %swap3A_61 : vector<1x16xf32> to vector<16xf32>
      %swap3A_63 = vector.shape_cast %broadcast_in_dim3A_1 : vector<16xf32> to vector<1x16xf32>
      tpu.vector_store %arg8[%swap3A_59, %swap3A_60], %swap3A_63 {strides = array<i32>} : memref<128x128xf32, #tpu.memory_space<vmem>>, vector<1x16xf32>,
      %swap3A_64 = arith.index_cast %scan3A_28 : i32 to index
      %swap3A_65 = arith.constant 112 : index
      %swap3A_66 = tpu.vector_load %arg8[%swap3A_64, %swap3A_65] {strides = array<i32>} : memref<128x128xf32, #tpu.memory_space<vmem>>, vector<1x16xf32>,
      %swap3A_67 = vector.shape_cast %swap3A_66 : vector<1x16xf32> to vector<16xf32>
      %swap3A_68 = vector.shape_cast %broadcast_in_dim3A_1 : vector<16xf32> to vector<1x16xf32>
      tpu.vector_store %arg8[%swap3A_64, %swap3A_65], %swap3A_68 {strides = array<i32>} : memref<128x128xf32, #tpu.memory_space<vmem>>, vector<1x16xf32>,
      %scan3A_69 = arith.constant 0 : i32
      scf.yield %scan3A_69 : i32
    }
    %scan3A_7 = arith.constant 128 : i32
    %mul3A_8 = arith.constant 640 : i32
    %mul3A_9 = arith.muli %arg1, %mul3A_8 : i32
    %add3A_10 = arith.constant 0 : i32
    %add3A_11 = arith.addi %mul3A_9, %add3A_10 : i32
    "tpu.region"() ({
      %run_scoped3A = tpu.sem_alloc : memref<!tpu.dma_semaphore, #tpu.memory_space<semaphore_mem>>
      %dma_start3A = arith.constant 0 : i32
      %dma_start3A_28 = tpu.memref_slice %arg9[%add3A_11, %dma_start3A] : memref<10240x128xf32, #tpu.memory_space<vmem_shared>> -> memref<128x128xf32, #tpu.memory_space<vmem_shared>>
      %dma_start3A_29 = arith.constant 0 : i32
      %dma_start3A_30 = tpu.memref_slice %arg9[%add3A_11, %dma_start3A_29] : memref<10240x128xf32, #tpu.memory_space<vmem_shared>> -> memref<128x128xf32, #tpu.memory_space<vmem_shared>>
      tpu.enqueue_dma source(%arg8 : memref<128x128xf32, #tpu.memory_space<vmem>>) target(%dma_start3A_30 : memref<128x128xf32, #tpu.memory_space<vmem_shared>>) target_semaphore(%run_scoped3A : memref<!tpu.dma_semaphore, #tpu.memory_space<semaphore_mem>>)
      %dma_wait3A = arith.constant 0 : i32
      %dma_wait3A_31 = tpu.memref_slice %arg9[%add3A_11, %dma_wait3A] : memref<10240x128xf32, #tpu.memory_space<vmem_shared>> -> memref<128x128xf32, #tpu.memory_space<vmem_shared>>
      %dma_wait3A_32 = arith.constant 0 : i32
      %dma_wait3A_33 = tpu.memref_slice %arg9[%add3A_11, %dma_wait3A_32] : memref<10240x128xf32, #tpu.memory_space<vmem_shared>> -> memref<128x128xf32, #tpu.memory_space<vmem_shared>>
      tpu.wait_dma2 semaphore(%run_scoped3A : memref<!tpu.dma_semaphore, #tpu.memory_space<semaphore_mem>>) src(%arg8 : memref<128x128xf32, #tpu.memory_space<vmem>>) dst(%dma_wait3A_33 : memref<128x128xf32, #tpu.memory_space<vmem_shared>>)
      tpu.yield
    }) : () -> ()
    %add3A_12 = arith.constant 128 : i32
    %add3A_13 = arith.addi %mul3A_9, %add3A_12 : i32
    "tpu.region"() ({
      %run_scoped3A = tpu.sem_alloc : memref<!tpu.dma_semaphore, #tpu.memory_space<semaphore_mem>>
      %dma_start3A = arith.constant 0 : i32
      %dma_start3A_28 = tpu.memref_slice %arg9[%add3A_13, %dma_start3A] : memref<10240x128xf32, #tpu.memory_space<vmem_shared>> -> memref<128x128xf32, #tpu.memory_space<vmem_shared>>
      %dma_start3A_29 = arith.constant 0 : i32
      %dma_start3A_30 = tpu.memref_slice %arg9[%add3A_13, %dma_start3A_29] : memref<10240x128xf32, #tpu.memory_space<vmem_shared>> -> memref<128x128xf32, #tpu.memory_space<vmem_shared>>
      tpu.enqueue_dma source(%arg8 : memref<128x128xf32, #tpu.memory_space<vmem>>) target(%dma_start3A_30 : memref<128x128xf32, #tpu.memory_space<vmem_shared>>) target_semaphore(%run_scoped3A : memref<!tpu.dma_semaphore, #tpu.memory_space<semaphore_mem>>)
      %dma_wait3A = arith.constant 0 : i32
      %dma_wait3A_31 = tpu.memref_slice %arg9[%add3A_13, %dma_wait3A] : memref<10240x128xf32, #tpu.memory_space<vmem_shared>> -> memref<128x128xf32, #tpu.memory_space<vmem_shared>>
      %dma_wait3A_32 = arith.constant 0 : i32
      %dma_wait3A_33 = tpu.memref_slice %arg9[%add3A_13, %dma_wait3A_32] : memref<10240x128xf32, #tpu.memory_space<vmem_shared>> -> memref<128x128xf32, #tpu.memory_space<vmem_shared>>
      tpu.wait_dma2 semaphore(%run_scoped3A : memref<!tpu.dma_semaphore, #tpu.memory_space<semaphore_mem>>) src(%arg8 : memref<128x128xf32, #tpu.memory_space<vmem>>) dst(%dma_wait3A_33 : memref<128x128xf32, #tpu.memory_space<vmem_shared>>)
      tpu.yield
    }) : () -> ()
    %add3A_14 = arith.constant 256 : i32
    %add3A_15 = arith.addi %mul3A_9, %add3A_14 : i32
    "tpu.region"() ({
      %run_scoped3A = tpu.sem_alloc : memref<!tpu.dma_semaphore, #tpu.memory_space<semaphore_mem>>
      %dma_start3A = arith.constant 0 : i32
      %dma_start3A_28 = tpu.memref_slice %arg9[%add3A_15, %dma_start3A] : memref<10240x128xf32, #tpu.memory_space<vmem_shared>> -> memref<128x128xf32, #tpu.memory_space<vmem_shared>>
      %dma_start3A_29 = arith.constant 0 : i32
      %dma_start3A_30 = tpu.memref_slice %arg9[%add3A_15, %dma_start3A_29] : memref<10240x128xf32, #tpu.memory_space<vmem_shared>> -> memref<128x128xf32, #tpu.memory_space<vmem_shared>>
      tpu.enqueue_dma source(%arg8 : memref<128x128xf32, #tpu.memory_space<vmem>>) target(%dma_start3A_30 : memref<128x128xf32, #tpu.memory_space<vmem_shared>>) target_semaphore(%run_scoped3A : memref<!tpu.dma_semaphore, #tpu.memory_space<semaphore_mem>>)
      %dma_wait3A = arith.constant 0 : i32
      %dma_wait3A_31 = tpu.memref_slice %arg9[%add3A_15, %dma_wait3A] : memref<10240x128xf32, #tpu.memory_space<vmem_shared>> -> memref<128x128xf32, #tpu.memory_space<vmem_shared>>
      %dma_wait3A_32 = arith.constant 0 : i32
      %dma_wait3A_33 = tpu.memref_slice %arg9[%add3A_15, %dma_wait3A_32] : memref<10240x128xf32, #tpu.memory_space<vmem_shared>> -> memref<128x128xf32, #tpu.memory_space<vmem_shared>>
      tpu.wait_dma2 semaphore(%run_scoped3A : memref<!tpu.dma_semaphore, #tpu.memory_space<semaphore_mem>>) src(%arg8 : memref<128x128xf32, #tpu.memory_space<vmem>>) dst(%dma_wait3A_33 : memref<128x128xf32, #tpu.memory_space<vmem_shared>>)
      tpu.yield
    }) : () -> ()
    %add3A_16 = arith.constant 384 : i32
    %add3A_17 = arith.addi %mul3A_9, %add3A_16 : i32
    "tpu.region"() ({
      %run_scoped3A = tpu.sem_alloc : memref<!tpu.dma_semaphore, #tpu.memory_space<semaphore_mem>>
      %dma_start3A = arith.constant 0 : i32
      %dma_start3A_28 = tpu.memref_slice %arg9[%add3A_17, %dma_start3A] : memref<10240x128xf32, #tpu.memory_space<vmem_shared>> -> memref<128x128xf32, #tpu.memory_space<vmem_shared>>
      %dma_start3A_29 = arith.constant 0 : i32
      %dma_start3A_30 = tpu.memref_slice %arg9[%add3A_17, %dma_start3A_29] : memref<10240x128xf32, #tpu.memory_space<vmem_shared>> -> memref<128x128xf32, #tpu.memory_space<vmem_shared>>
      tpu.enqueue_dma source(%arg8 : memref<128x128xf32, #tpu.memory_space<vmem>>) target(%dma_start3A_30 : memref<128x128xf32, #tpu.memory_space<vmem_shared>>) target_semaphore(%run_scoped3A : memref<!tpu.dma_semaphore, #tpu.memory_space<semaphore_mem>>)
      %dma_wait3A = arith.constant 0 : i32
      %dma_wait3A_31 = tpu.memref_slice %arg9[%add3A_17, %dma_wait3A] : memref<10240x128xf32, #tpu.memory_space<vmem_shared>> -> memref<128x128xf32, #tpu.memory_space<vmem_shared>>
      %dma_wait3A_32 = arith.constant 0 : i32
      %dma_wait3A_33 = tpu.memref_slice %arg9[%add3A_17, %dma_wait3A_32] : memref<10240x128xf32, #tpu.memory_space<vmem_shared>> -> memref<128x128xf32, #tpu.memory_space<vmem_shared>>
      tpu.wait_dma2 semaphore(%run_scoped3A : memref<!tpu.dma_semaphore, #tpu.memory_space<semaphore_mem>>) src(%arg8 : memref<128x128xf32, #tpu.memory_space<vmem>>) dst(%dma_wait3A_33 : memref<128x128xf32, #tpu.memory_space<vmem_shared>>)
      tpu.yield
    }) : () -> ()
    %add3A_18 = arith.constant 512 : i32
    %add3A_19 = arith.addi %mul3A_9, %add3A_18 : i32
    "tpu.region"() ({
      %run_scoped3A = tpu.sem_alloc : memref<!tpu.dma_semaphore, #tpu.memory_space<semaphore_mem>>
      %dma_start3A = arith.constant 0 : i32
      %dma_start3A_28 = tpu.memref_slice %arg9[%add3A_19, %dma_start3A] : memref<10240x128xf32, #tpu.memory_space<vmem_shared>> -> memref<128x128xf32, #tpu.memory_space<vmem_shared>>
      %dma_start3A_29 = arith.constant 0 : i32
      %dma_start3A_30 = tpu.memref_slice %arg9[%add3A_19, %dma_start3A_29] : memref<10240x128xf32, #tpu.memory_space<vmem_shared>> -> memref<128x128xf32, #tpu.memory_space<vmem_shared>>
      tpu.enqueue_dma source(%arg8 : memref<128x128xf32, #tpu.memory_space<vmem>>) target(%dma_start3A_30 : memref<128x128xf32, #tpu.memory_space<vmem_shared>>) target_semaphore(%run_scoped3A : memref<!tpu.dma_semaphore, #tpu.memory_space<semaphore_mem>>)
      %dma_wait3A = arith.constant 0 : i32
      %dma_wait3A_31 = tpu.memref_slice %arg9[%add3A_19, %dma_wait3A] : memref<10240x128xf32, #tpu.memory_space<vmem_shared>> -> memref<128x128xf32, #tpu.memory_space<vmem_shared>>
      %dma_wait3A_32 = arith.constant 0 : i32
      %dma_wait3A_33 = tpu.memref_slice %arg9[%add3A_19, %dma_wait3A_32] : memref<10240x128xf32, #tpu.memory_space<vmem_shared>> -> memref<128x128xf32, #tpu.memory_space<vmem_shared>>
      tpu.wait_dma2 semaphore(%run_scoped3A : memref<!tpu.dma_semaphore, #tpu.memory_space<semaphore_mem>>) src(%arg8 : memref<128x128xf32, #tpu.memory_space<vmem>>) dst(%dma_wait3A_33 : memref<128x128xf32, #tpu.memory_space<vmem_shared>>)
      tpu.yield
    }) : () -> ()
    %barrier3A = arith.constant 0 : index
    tpu.barrier barrier_id(%barrier3A)
    "tpu.region"() ({
      %run_scoped3A = tpu.sem_alloc : memref<!tpu.dma_semaphore, #tpu.memory_space<semaphore_mem>>
      %dma_start3A = arith.constant 0 : i32
      %dma_start3A_28 = arith.constant 0 : i32
      %dma_start3A_29 = tpu.memref_slice %arg3[%add3A, %dma_start3A, %dma_start3A_28] : memref<32x79x128xi32, #tpu.memory_space<hbm>> -> memref<1x79x128xi32, #tpu.memory_space<hbm>>
      %dma_start3A_30 = tpu.memref_squeeze %dma_start3A_29 : memref<1x79x128xi32, #tpu.memory_space<hbm>> -> memref<79x128xi32, #tpu.memory_space<hbm>>
      %dma_start3A_31 = arith.constant 0 : i32
      %dma_start3A_32 = arith.constant 0 : i32
      %dma_start3A_33 = tpu.memref_slice %arg3[%add3A, %dma_start3A_31, %dma_start3A_32] : memref<32x79x128xi32, #tpu.memory_space<hbm>> -> memref<1x79x128xi32, #tpu.memory_space<hbm>>
      %dma_start3A_34 = tpu.memref_squeeze %dma_start3A_33 : memref<1x79x128xi32, #tpu.memory_space<hbm>> -> memref<79x128xi32, #tpu.memory_space<hbm>>
      tpu.enqueue_dma source(%dma_start3A_34 : memref<79x128xi32, #tpu.memory_space<hbm>>) target(%arg6 : memref<79x128xi32, #tpu.memory_space<vmem>>) target_semaphore(%run_scoped3A : memref<!tpu.dma_semaphore, #tpu.memory_space<semaphore_mem>>)
      %dma_wait3A = arith.constant 0 : i32
      %dma_wait3A_35 = arith.constant 0 : i32
      %dma_wait3A_36 = tpu.memref_slice %arg3[%add3A, %dma_wait3A, %dma_wait3A_35] : memref<32x79x128xi32, #tpu.memory_space<hbm>> -> memref<1x79x128xi32, #tpu.memory_space<hbm>>
      %dma_wait3A_37 = tpu.memref_squeeze %dma_wait3A_36 : memref<1x79x128xi32, #tpu.memory_space<hbm>> -> memref<79x128xi32, #tpu.memory_space<hbm>>
      %dma_wait3A_38 = arith.constant 0 : i32
      %dma_wait3A_39 = arith.constant 0 : i32
      %dma_wait3A_40 = tpu.memref_slice %arg3[%add3A, %dma_wait3A_38, %dma_wait3A_39] : memref<32x79x128xi32, #tpu.memory_space<hbm>> -> memref<1x79x128xi32, #tpu.memory_space<hbm>>
      %dma_wait3A_41 = tpu.memref_squeeze %dma_wait3A_40 : memref<1x79x128xi32, #tpu.memory_space<hbm>> -> memref<79x128xi32, #tpu.memory_space<hbm>>
      tpu.wait_dma2 semaphore(%run_scoped3A : memref<!tpu.dma_semaphore, #tpu.memory_space<semaphore_mem>>) src(%dma_wait3A_41 : memref<79x128xi32, #tpu.memory_space<hbm>>) dst(%arg6 : memref<79x128xi32, #tpu.memory_space<vmem>>)
      tpu.yield
    }) : () -> ()
    "tpu.region"() ({
      %run_scoped3A = tpu.sem_alloc : memref<!tpu.dma_semaphore, #tpu.memory_space<semaphore_mem>>
      %dma_start3A = arith.constant 0 : i32
      %dma_start3A_28 = arith.constant 0 : i32
      %dma_start3A_29 = tpu.memref_slice %arg4[%add3A, %dma_start3A, %dma_start3A_28] : memref<32x79x128xi32, #tpu.memory_space<hbm>> -> memref<1x79x128xi32, #tpu.memory_space<hbm>>
      %dma_start3A_30 = tpu.memref_squeeze %dma_start3A_29 : memref<1x79x128xi32, #tpu.memory_space<hbm>> -> memref<79x128xi32, #tpu.memory_space<hbm>>
      %dma_start3A_31 = arith.constant 0 : i32
      %dma_start3A_32 = arith.constant 0 : i32
      %dma_start3A_33 = tpu.memref_slice %arg4[%add3A, %dma_start3A_31, %dma_start3A_32] : memref<32x79x128xi32, #tpu.memory_space<hbm>> -> memref<1x79x128xi32, #tpu.memory_space<hbm>>
      %dma_start3A_34 = tpu.memref_squeeze %dma_start3A_33 : memref<1x79x128xi32, #tpu.memory_space<hbm>> -> memref<79x128xi32, #tpu.memory_space<hbm>>
      tpu.enqueue_dma source(%dma_start3A_34 : memref<79x128xi32, #tpu.memory_space<hbm>>) target(%arg7 : memref<79x128xi32, #tpu.memory_space<vmem>>) target_semaphore(%run_scoped3A : memref<!tpu.dma_semaphore, #tpu.memory_space<semaphore_mem>>)
      %dma_wait3A = arith.constant 0 : i32
      %dma_wait3A_35 = arith.constant 0 : i32
      %dma_wait3A_36 = tpu.memref_slice %arg4[%add3A, %dma_wait3A, %dma_wait3A_35] : memref<32x79x128xi32, #tpu.memory_space<hbm>> -> memref<1x79x128xi32, #tpu.memory_space<hbm>>
      %dma_wait3A_37 = tpu.memref_squeeze %dma_wait3A_36 : memref<1x79x128xi32, #tpu.memory_space<hbm>> -> memref<79x128xi32, #tpu.memory_space<hbm>>
      %dma_wait3A_38 = arith.constant 0 : i32
      %dma_wait3A_39 = arith.constant 0 : i32
      %dma_wait3A_40 = tpu.memref_slice %arg4[%add3A, %dma_wait3A_38, %dma_wait3A_39] : memref<32x79x128xi32, #tpu.memory_space<hbm>> -> memref<1x79x128xi32, #tpu.memory_space<hbm>>
      %dma_wait3A_41 = tpu.memref_squeeze %dma_wait3A_40 : memref<1x79x128xi32, #tpu.memory_space<hbm>> -> memref<79x128xi32, #tpu.memory_space<hbm>>
      tpu.wait_dma2 semaphore(%run_scoped3A : memref<!tpu.dma_semaphore, #tpu.memory_space<semaphore_mem>>) src(%dma_wait3A_41 : memref<79x128xi32, #tpu.memory_space<hbm>>) dst(%arg7 : memref<79x128xi32, #tpu.memory_space<vmem>>)
      tpu.yield
    }) : () -> ()
    %scan3A_20 = arith.constant 0 : i32
    %scan3A_21 = arith.constant 0 : i32
    %scan3A_22 = arith.constant 79 : i32
    %scan3A_23 = arith.addi %scan3A_21, %scan3A_22 : i32
    %scan3A_24 = arith.constant 1 : i32
    %scan3A_25 = scf.for %scan3A_28 = %scan3A_21 to %scan3A_23 step %scan3A_24 iter_args(%scan3A_29 = %scan3A_20) -> (i32)  : i32 {
      %dma_start3A = arith.constant 0 : i32
      %dma_start3A_30 = tpu.memref_slice %arg6[%scan3A_28, %dma_start3A] : memref<79x128xi32, #tpu.memory_space<vmem>> -> memref<1x128xi32, #tpu.memory_space<vmem>>
      %dma_start3A_31 = tpu.memref_squeeze %dma_start3A_30 : memref<1x128xi32, #tpu.memory_space<vmem>> -> memref<128xi32, #tpu.memory_space<vmem>>
      %dma_start3A_32 = arith.constant 0 : i32
      %dma_start3A_33 = arith.constant 0 : i32
      %dma_start3A_34 = tpu.memref_slice %arg2[%dma_start3A_32, %dma_start3A_33] : memref<10000x128xf32, #tpu.memory_space<hbm>> -> memref<10000x128xf32, #tpu.memory_space<hbm>>
      tpu.enqueue_indirect_dma source(%dma_start3A_34 : memref<10000x128xf32, #tpu.memory_space<hbm>>) target(%arg8 : memref<128x128xf32, #tpu.memory_space<vmem>>) offsets(%dma_start3A_31 : memref<128xi32, #tpu.memory_space<vmem>>) semaphore(%arg10 : memref<!tpu.dma_semaphore, #tpu.memory_space<semaphore_mem>>)
      %dma_wait3A = arith.constant 0 : i32
      %dma_wait3A_35 = tpu.memref_slice %arg6[%scan3A_28, %dma_wait3A] : memref<79x128xi32, #tpu.memory_space<vmem>> -> memref<1x128xi32, #tpu.memory_space<vmem>>
      %dma_wait3A_36 = tpu.memref_squeeze %dma_wait3A_35 : memref<1x128xi32, #tpu.memory_space<vmem>> -> memref<128xi32, #tpu.memory_space<vmem>>
      %dma_wait3A_37 = arith.constant 0 : i32
      %dma_wait3A_38 = arith.constant 0 : i32
      %dma_wait3A_39 = tpu.memref_slice %arg2[%dma_wait3A_37, %dma_wait3A_38] : memref<10000x128xf32, #tpu.memory_space<hbm>> -> memref<10000x128xf32, #tpu.memory_space<hbm>>
      tpu.wait_indirect_dma semaphore(%arg10 : memref<!tpu.dma_semaphore, #tpu.memory_space<semaphore_mem>>) src(%dma_wait3A_39 : memref<10000x128xf32, #tpu.memory_space<hbm>>) dst(%arg8 : memref<128x128xf32, #tpu.memory_space<vmem>>)
      "tpu.region"() ({
        %run_scoped3A = tpu.sem_alloc : memref<!tpu.dma_semaphore, #tpu.memory_space<semaphore_mem>>
        %dma_start3A_41 = arith.constant 0 : i32
        %dma_start3A_42 = tpu.memref_slice %arg7[%scan3A_28, %dma_start3A_41] : memref<79x128xi32, #tpu.memory_space<vmem>> -> memref<1x128xi32, #tpu.memory_space<vmem>>
        %dma_start3A_43 = tpu.memref_squeeze %dma_start3A_42 : memref<1x128xi32, #tpu.memory_space<vmem>> -> memref<128xi32, #tpu.memory_space<vmem>>
        %dma_start3A_44 = arith.constant 0 : i32
        %dma_start3A_45 = arith.constant 0 : i32
        %dma_start3A_46 = tpu.memref_slice %arg9[%dma_start3A_44, %dma_start3A_45] : memref<10240x128xf32, #tpu.memory_space<vmem_shared>> -> memref<10240x128xf32, #tpu.memory_space<vmem_shared>>
        tpu.enqueue_indirect_dma source(%arg8 : memref<128x128xf32, #tpu.memory_space<vmem>>) target(%dma_start3A_46 : memref<10240x128xf32, #tpu.memory_space<vmem_shared>>) offsets(%dma_start3A_43 : memref<128xi32, #tpu.memory_space<vmem>>) semaphore(%run_scoped3A : memref<!tpu.dma_semaphore, #tpu.memory_space<semaphore_mem>>) {add = true}
        %dma_wait3A_47 = arith.constant 0 : i32
        %dma_wait3A_48 = tpu.memref_slice %arg7[%scan3A_28, %dma_wait3A_47] : memref<79x128xi32, #tpu.memory_space<vmem>> -> memref<1x128xi32, #tpu.memory_space<vmem>>
        %dma_wait3A_49 = tpu.memref_squeeze %dma_wait3A_48 : memref<1x128xi32, #tpu.memory_space<vmem>> -> memref<128xi32, #tpu.memory_space<vmem>>
        %dma_wait3A_50 = arith.constant 0 : i32
        %dma_wait3A_51 = arith.constant 0 : i32
        %dma_wait3A_52 = tpu.memref_slice %arg9[%dma_wait3A_50, %dma_wait3A_51] : memref<10240x128xf32, #tpu.memory_space<vmem_shared>> -> memref<10240x128xf32, #tpu.memory_space<vmem_shared>>
        tpu.wait_indirect_dma semaphore(%run_scoped3A : memref<!tpu.dma_semaphore, #tpu.memory_space<semaphore_mem>>) src(%arg8 : memref<128x128xf32, #tpu.memory_space<vmem>>) dst(%dma_wait3A_52 : memref<10240x128xf32, #tpu.memory_space<vmem_shared>>)
        tpu.yield
      }) : () -> ()
      %scan3A_40 = arith.constant 0 : i32
      scf.yield %scan3A_40 : i32
    }
    %scan3A_26 = arith.constant 79 : i32
    %barrier3A_27 = arith.constant 0 : index
    tpu.barrier barrier_id(%barrier3A_27)
    "tpu.region"() ({
      %run_scoped3A = tpu.sem_alloc : memref<!tpu.dma_semaphore, #tpu.memory_space<semaphore_mem>>
      %dma_start3A = arith.constant 0 : i32
      %dma_start3A_28 = tpu.memref_slice %arg5[%arg0, %mul3A_9, %dma_start3A] : memref<2x10240x128xf32, #tpu.memory_space<hbm>> -> memref<1x640x128xf32, #tpu.memory_space<hbm>>
      %dma_start3A_29 = tpu.memref_squeeze %dma_start3A_28 : memref<1x640x128xf32, #tpu.memory_space<hbm>> -> memref<640x128xf32, #tpu.memory_space<hbm>>
      %dma_start3A_30 = arith.constant 0 : i32
      %dma_start3A_31 = tpu.memref_slice %arg9[%mul3A_9, %dma_start3A_30] : memref<10240x128xf32, #tpu.memory_space<vmem_shared>> -> memref<640x128xf32, #tpu.memory_space<vmem_shared>>
      tpu.enqueue_dma source(%dma_start3A_31 : memref<640x128xf32, #tpu.memory_space<vmem_shared>>) target(%dma_start3A_29 : memref<640x128xf32, #tpu.memory_space<hbm>>) target_semaphore(%run_scoped3A : memref<!tpu.dma_semaphore, #tpu.memory_space<semaphore_mem>>)
      %dma_wait3A = arith.constant 0 : i32
      %dma_wait3A_32 = tpu.memref_slice %arg5[%arg0, %mul3A_9, %dma_wait3A] : memref<2x10240x128xf32, #tpu.memory_space<hbm>> -> memref<1x640x128xf32, #tpu.memory_space<hbm>>
      %dma_wait3A_33 = tpu.memref_squeeze %dma_wait3A_32 : memref<1x640x128xf32, #tpu.memory_space<hbm>> -> memref<640x128xf32, #tpu.memory_space<hbm>>
      %dma_wait3A_34 = arith.constant 0 : i32
      %dma_wait3A_35 = tpu.memref_slice %arg9[%mul3A_9, %dma_wait3A_34] : memref<10240x128xf32, #tpu.memory_space<vmem_shared>> -> memref<640x128xf32, #tpu.memory_space<vmem_shared>>
      tpu.wait_dma2 semaphore(%run_scoped3A : memref<!tpu.dma_semaphore, #tpu.memory_space<semaphore_mem>>) src(%dma_wait3A_35 : memref<640x128xf32, #tpu.memory_space<vmem_shared>>) dst(%dma_wait3A_33 : memref<640x128xf32, #tpu.memory_space<hbm>>)
      tpu.yield
    }) : () -> ()
    return
  }
}

#map = affine_map<(d0, d1) -> (0, 0)>
#map1 = affine_map<(d0, d1) -> (0, 0, 0)>
module attributes {stable_mosaic.version = 14 : i64} {
  func.func @_seg_body(%arg0: i32, %arg1: i32, %arg2: memref<10000x128xf32, #tpu.memory_space<hbm>>, %arg3: memref<32x79x128xi32, #tpu.memory_space<hbm>>, %arg4: memref<32x79x128xi32, #tpu.memory_space<hbm>>, %arg5: memref<2x10240x128xf32, #tpu.memory_space<hbm>>, %arg6: memref<79x128xi32, #tpu.memory_space<vmem>>, %arg7: memref<79x128xi32, #tpu.memory_space<vmem>>, %arg8: memref<128x128xf32, #tpu.memory_space<vmem>>, %arg9: memref<10240x128xf32, #tpu.memory_space<vmem_shared>>, %arg10: memref<!tpu.dma_semaphore, #tpu.memory_space<semaphore_mem>>) attributes {dimension_semantics = [#tpu.dimension_semantics<core_parallel>, #tpu.dimension_semantics<subcore_parallel>], iteration_bounds = array<i64: 2, 16>, scalar_prefetch = 0 : i64, scratch_operands = 5 : i64, tpu.core_type = #tpu.core_type<sc_vector_subcore>, window_params = [{transform_indices = #map}, {transform_indices = #map1}, {transform_indices = #map1}, {transform_indices = #map1}]} {
    %mul3A = arith.constant 2 : i32
    %mul3A_0 = arith.muli %arg1, %mul3A : i32
    %add3A = arith.addi %mul3A_0, %arg0 : i32
    %broadcast_in_dim3A = arith.constant 0.000000e+00 : f32
    %broadcast_in_dim3A_1 = vector.broadcast %broadcast_in_dim3A : f32 to vector<16xf32>
    %scan3A = arith.constant 0 : i32
    %scan3A_2 = arith.constant 0 : i32
    %scan3A_3 = arith.constant 128 : i32
    %scan3A_4 = arith.addi %scan3A_2, %scan3A_3 : i32
    %scan3A_5 = arith.constant 1 : i32
    %scan3A_6 = scf.for %scan3A_28 = %scan3A_2 to %scan3A_4 step %scan3A_5 iter_args(%scan3A_29 = %scan3A) -> (i32)  : i32 {
      %swap3A = arith.index_cast %scan3A_28 : i32 to index
      %swap3A_30 = arith.constant 0 : index
      %swap3A_31 = tpu.vector_load %arg8[%swap3A, %swap3A_30] {strides = array<i32>} : memref<128x128xf32, #tpu.memory_space<vmem>>, vector<1x16xf32>,
      %swap3A_32 = vector.shape_cast %swap3A_31 : vector<1x16xf32> to vector<16xf32>
      %swap3A_33 = vector.shape_cast %broadcast_in_dim3A_1 : vector<16xf32> to vector<1x16xf32>
      tpu.vector_store %arg8[%swap3A, %swap3A_30], %swap3A_33 {strides = array<i32>} : memref<128x128xf32, #tpu.memory_space<vmem>>, vector<1x16xf32>,
      %swap3A_34 = arith.index_cast %scan3A_28 : i32 to index
      %swap3A_35 = arith.constant 16 : index
      %swap3A_36 = tpu.vector_load %arg8[%swap3A_34, %swap3A_35] {strides = array<i32>} : memref<128x128xf32, #tpu.memory_space<vmem>>, vector<1x16xf32>,
      %swap3A_37 = vector.shape_cast %swap3A_36 : vector<1x16xf32> to vector<16xf32>
      %swap3A_38 = vector.shape_cast %broadcast_in_dim3A_1 : vector<16xf32> to vector<1x16xf32>
      tpu.vector_store %arg8[%swap3A_34, %swap3A_35], %swap3A_38 {strides = array<i32>} : memref<128x128xf32, #tpu.memory_space<vmem>>, vector<1x16xf32>,
      %swap3A_39 = arith.index_cast %scan3A_28 : i32 to index
      %swap3A_40 = arith.constant 32 : index
      %swap3A_41 = tpu.vector_load %arg8[%swap3A_39, %swap3A_40] {strides = array<i32>} : memref<128x128xf32, #tpu.memory_space<vmem>>, vector<1x16xf32>,
      %swap3A_42 = vector.shape_cast %swap3A_41 : vector<1x16xf32> to vector<16xf32>
      %swap3A_43 = vector.shape_cast %broadcast_in_dim3A_1 : vector<16xf32> to vector<1x16xf32>
      tpu.vector_store %arg8[%swap3A_39, %swap3A_40], %swap3A_43 {strides = array<i32>} : memref<128x128xf32, #tpu.memory_space<vmem>>, vector<1x16xf32>,
      %swap3A_44 = arith.index_cast %scan3A_28 : i32 to index
      %swap3A_45 = arith.constant 48 : index
      %swap3A_46 = tpu.vector_load %arg8[%swap3A_44, %swap3A_45] {strides = array<i32>} : memref<128x128xf32, #tpu.memory_space<vmem>>, vector<1x16xf32>,
      %swap3A_47 = vector.shape_cast %swap3A_46 : vector<1x16xf32> to vector<16xf32>
      %swap3A_48 = vector.shape_cast %broadcast_in_dim3A_1 : vector<16xf32> to vector<1x16xf32>
      tpu.vector_store %arg8[%swap3A_44, %swap3A_45], %swap3A_48 {strides = array<i32>} : memref<128x128xf32, #tpu.memory_space<vmem>>, vector<1x16xf32>,
      %swap3A_49 = arith.index_cast %scan3A_28 : i32 to index
      %swap3A_50 = arith.constant 64 : index
      %swap3A_51 = tpu.vector_load %arg8[%swap3A_49, %swap3A_50] {strides = array<i32>} : memref<128x128xf32, #tpu.memory_space<vmem>>, vector<1x16xf32>,
      %swap3A_52 = vector.shape_cast %swap3A_51 : vector<1x16xf32> to vector<16xf32>
      %swap3A_53 = vector.shape_cast %broadcast_in_dim3A_1 : vector<16xf32> to vector<1x16xf32>
      tpu.vector_store %arg8[%swap3A_49, %swap3A_50], %swap3A_53 {strides = array<i32>} : memref<128x128xf32, #tpu.memory_space<vmem>>, vector<1x16xf32>,
      %swap3A_54 = arith.index_cast %scan3A_28 : i32 to index
      %swap3A_55 = arith.constant 80 : index
      %swap3A_56 = tpu.vector_load %arg8[%swap3A_54, %swap3A_55] {strides = array<i32>} : memref<128x128xf32, #tpu.memory_space<vmem>>, vector<1x16xf32>,
      %swap3A_57 = vector.shape_cast %swap3A_56 : vector<1x16xf32> to vector<16xf32>
      %swap3A_58 = vector.shape_cast %broadcast_in_dim3A_1 : vector<16xf32> to vector<1x16xf32>
      tpu.vector_store %arg8[%swap3A_54, %swap3A_55], %swap3A_58 {strides = array<i32>} : memref<128x128xf32, #tpu.memory_space<vmem>>, vector<1x16xf32>,
      %swap3A_59 = arith.index_cast %scan3A_28 : i32 to index
      %swap3A_60 = arith.constant 96 : index
      %swap3A_61 = tpu.vector_load %arg8[%swap3A_59, %swap3A_60] {strides = array<i32>} : memref<128x128xf32, #tpu.memory_space<vmem>>, vector<1x16xf32>,
      %swap3A_62 = vector.shape_cast %swap3A_61 : vector<1x16xf32> to vector<16xf32>
      %swap3A_63 = vector.shape_cast %broadcast_in_dim3A_1 : vector<16xf32> to vector<1x16xf32>
      tpu.vector_store %arg8[%swap3A_59, %swap3A_60], %swap3A_63 {strides = array<i32>} : memref<128x128xf32, #tpu.memory_space<vmem>>, vector<1x16xf32>,
      %swap3A_64 = arith.index_cast %scan3A_28 : i32 to index
      %swap3A_65 = arith.constant 112 : index
      %swap3A_66 = tpu.vector_load %arg8[%swap3A_64, %swap3A_65] {strides = array<i32>} : memref<128x128xf32, #tpu.memory_space<vmem>>, vector<1x16xf32>,
      %swap3A_67 = vector.shape_cast %swap3A_66 : vector<1x16xf32> to vector<16xf32>
      %swap3A_68 = vector.shape_cast %broadcast_in_dim3A_1 : vector<16xf32> to vector<1x16xf32>
      tpu.vector_store %arg8[%swap3A_64, %swap3A_65], %swap3A_68 {strides = array<i32>} : memref<128x128xf32, #tpu.memory_space<vmem>>, vector<1x16xf32>,
      %scan3A_69 = arith.constant 0 : i32
      scf.yield %scan3A_69 : i32
    }
    %scan3A_7 = arith.constant 128 : i32
    %mul3A_8 = arith.constant 640 : i32
    %mul3A_9 = arith.muli %arg1, %mul3A_8 : i32
    %add3A_10 = arith.constant 0 : i32
    %add3A_11 = arith.addi %mul3A_9, %add3A_10 : i32
    "tpu.region"() ({
      %run_scoped3A = tpu.sem_alloc : memref<!tpu.dma_semaphore, #tpu.memory_space<semaphore_mem>>
      %dma_start3A = arith.constant 0 : i32
      %dma_start3A_28 = tpu.memref_slice %arg9[%add3A_11, %dma_start3A] : memref<10240x128xf32, #tpu.memory_space<vmem_shared>> -> memref<128x128xf32, #tpu.memory_space<vmem_shared>>
      %dma_start3A_29 = arith.constant 0 : i32
      %dma_start3A_30 = tpu.memref_slice %arg9[%add3A_11, %dma_start3A_29] : memref<10240x128xf32, #tpu.memory_space<vmem_shared>> -> memref<128x128xf32, #tpu.memory_space<vmem_shared>>
      tpu.enqueue_dma source(%arg8 : memref<128x128xf32, #tpu.memory_space<vmem>>) target(%dma_start3A_30 : memref<128x128xf32, #tpu.memory_space<vmem_shared>>) target_semaphore(%run_scoped3A : memref<!tpu.dma_semaphore, #tpu.memory_space<semaphore_mem>>)
      %dma_wait3A = arith.constant 0 : i32
      %dma_wait3A_31 = tpu.memref_slice %arg9[%add3A_11, %dma_wait3A] : memref<10240x128xf32, #tpu.memory_space<vmem_shared>> -> memref<128x128xf32, #tpu.memory_space<vmem_shared>>
      %dma_wait3A_32 = arith.constant 0 : i32
      %dma_wait3A_33 = tpu.memref_slice %arg9[%add3A_11, %dma_wait3A_32] : memref<10240x128xf32, #tpu.memory_space<vmem_shared>> -> memref<128x128xf32, #tpu.memory_space<vmem_shared>>
      tpu.wait_dma2 semaphore(%run_scoped3A : memref<!tpu.dma_semaphore, #tpu.memory_space<semaphore_mem>>) src(%arg8 : memref<128x128xf32, #tpu.memory_space<vmem>>) dst(%dma_wait3A_33 : memref<128x128xf32, #tpu.memory_space<vmem_shared>>)
      tpu.yield
    }) : () -> ()
    %add3A_12 = arith.constant 128 : i32
    %add3A_13 = arith.addi %mul3A_9, %add3A_12 : i32
    "tpu.region"() ({
      %run_scoped3A = tpu.sem_alloc : memref<!tpu.dma_semaphore, #tpu.memory_space<semaphore_mem>>
      %dma_start3A = arith.constant 0 : i32
      %dma_start3A_28 = tpu.memref_slice %arg9[%add3A_13, %dma_start3A] : memref<10240x128xf32, #tpu.memory_space<vmem_shared>> -> memref<128x128xf32, #tpu.memory_space<vmem_shared>>
      %dma_start3A_29 = arith.constant 0 : i32
      %dma_start3A_30 = tpu.memref_slice %arg9[%add3A_13, %dma_start3A_29] : memref<10240x128xf32, #tpu.memory_space<vmem_shared>> -> memref<128x128xf32, #tpu.memory_space<vmem_shared>>
      tpu.enqueue_dma source(%arg8 : memref<128x128xf32, #tpu.memory_space<vmem>>) target(%dma_start3A_30 : memref<128x128xf32, #tpu.memory_space<vmem_shared>>) target_semaphore(%run_scoped3A : memref<!tpu.dma_semaphore, #tpu.memory_space<semaphore_mem>>)
      %dma_wait3A = arith.constant 0 : i32
      %dma_wait3A_31 = tpu.memref_slice %arg9[%add3A_13, %dma_wait3A] : memref<10240x128xf32, #tpu.memory_space<vmem_shared>> -> memref<128x128xf32, #tpu.memory_space<vmem_shared>>
      %dma_wait3A_32 = arith.constant 0 : i32
      %dma_wait3A_33 = tpu.memref_slice %arg9[%add3A_13, %dma_wait3A_32] : memref<10240x128xf32, #tpu.memory_space<vmem_shared>> -> memref<128x128xf32, #tpu.memory_space<vmem_shared>>
      tpu.wait_dma2 semaphore(%run_scoped3A : memref<!tpu.dma_semaphore, #tpu.memory_space<semaphore_mem>>) src(%arg8 : memref<128x128xf32, #tpu.memory_space<vmem>>) dst(%dma_wait3A_33 : memref<128x128xf32, #tpu.memory_space<vmem_shared>>)
      tpu.yield
    }) : () -> ()
    %add3A_14 = arith.constant 256 : i32
    %add3A_15 = arith.addi %mul3A_9, %add3A_14 : i32
    "tpu.region"() ({
      %run_scoped3A = tpu.sem_alloc : memref<!tpu.dma_semaphore, #tpu.memory_space<semaphore_mem>>
      %dma_start3A = arith.constant 0 : i32
      %dma_start3A_28 = tpu.memref_slice %arg9[%add3A_15, %dma_start3A] : memref<10240x128xf32, #tpu.memory_space<vmem_shared>> -> memref<128x128xf32, #tpu.memory_space<vmem_shared>>
      %dma_start3A_29 = arith.constant 0 : i32
      %dma_start3A_30 = tpu.memref_slice %arg9[%add3A_15, %dma_start3A_29] : memref<10240x128xf32, #tpu.memory_space<vmem_shared>> -> memref<128x128xf32, #tpu.memory_space<vmem_shared>>
      tpu.enqueue_dma source(%arg8 : memref<128x128xf32, #tpu.memory_space<vmem>>) target(%dma_start3A_30 : memref<128x128xf32, #tpu.memory_space<vmem_shared>>) target_semaphore(%run_scoped3A : memref<!tpu.dma_semaphore, #tpu.memory_space<semaphore_mem>>)
      %dma_wait3A = arith.constant 0 : i32
      %dma_wait3A_31 = tpu.memref_slice %arg9[%add3A_15, %dma_wait3A] : memref<10240x128xf32, #tpu.memory_space<vmem_shared>> -> memref<128x128xf32, #tpu.memory_space<vmem_shared>>
      %dma_wait3A_32 = arith.constant 0 : i32
      %dma_wait3A_33 = tpu.memref_slice %arg9[%add3A_15, %dma_wait3A_32] : memref<10240x128xf32, #tpu.memory_space<vmem_shared>> -> memref<128x128xf32, #tpu.memory_space<vmem_shared>>
      tpu.wait_dma2 semaphore(%run_scoped3A : memref<!tpu.dma_semaphore, #tpu.memory_space<semaphore_mem>>) src(%arg8 : memref<128x128xf32, #tpu.memory_space<vmem>>) dst(%dma_wait3A_33 : memref<128x128xf32, #tpu.memory_space<vmem_shared>>)
      tpu.yield
    }) : () -> ()
    %add3A_16 = arith.constant 384 : i32
    %add3A_17 = arith.addi %mul3A_9, %add3A_16 : i32
    "tpu.region"() ({
      %run_scoped3A = tpu.sem_alloc : memref<!tpu.dma_semaphore, #tpu.memory_space<semaphore_mem>>
      %dma_start3A = arith.constant 0 : i32
      %dma_start3A_28 = tpu.memref_slice %arg9[%add3A_17, %dma_start3A] : memref<10240x128xf32, #tpu.memory_space<vmem_shared>> -> memref<128x128xf32, #tpu.memory_space<vmem_shared>>
      %dma_start3A_29 = arith.constant 0 : i32
      %dma_start3A_30 = tpu.memref_slice %arg9[%add3A_17, %dma_start3A_29] : memref<10240x128xf32, #tpu.memory_space<vmem_shared>> -> memref<128x128xf32, #tpu.memory_space<vmem_shared>>
      tpu.enqueue_dma source(%arg8 : memref<128x128xf32, #tpu.memory_space<vmem>>) target(%dma_start3A_30 : memref<128x128xf32, #tpu.memory_space<vmem_shared>>) target_semaphore(%run_scoped3A : memref<!tpu.dma_semaphore, #tpu.memory_space<semaphore_mem>>)
      %dma_wait3A = arith.constant 0 : i32
      %dma_wait3A_31 = tpu.memref_slice %arg9[%add3A_17, %dma_wait3A] : memref<10240x128xf32, #tpu.memory_space<vmem_shared>> -> memref<128x128xf32, #tpu.memory_space<vmem_shared>>
      %dma_wait3A_32 = arith.constant 0 : i32
      %dma_wait3A_33 = tpu.memref_slice %arg9[%add3A_17, %dma_wait3A_32] : memref<10240x128xf32, #tpu.memory_space<vmem_shared>> -> memref<128x128xf32, #tpu.memory_space<vmem_shared>>
      tpu.wait_dma2 semaphore(%run_scoped3A : memref<!tpu.dma_semaphore, #tpu.memory_space<semaphore_mem>>) src(%arg8 : memref<128x128xf32, #tpu.memory_space<vmem>>) dst(%dma_wait3A_33 : memref<128x128xf32, #tpu.memory_space<vmem_shared>>)
      tpu.yield
    }) : () -> ()
    %add3A_18 = arith.constant 512 : i32
    %add3A_19 = arith.addi %mul3A_9, %add3A_18 : i32
    "tpu.region"() ({
      %run_scoped3A = tpu.sem_alloc : memref<!tpu.dma_semaphore, #tpu.memory_space<semaphore_mem>>
      %dma_start3A = arith.constant 0 : i32
      %dma_start3A_28 = tpu.memref_slice %arg9[%add3A_19, %dma_start3A] : memref<10240x128xf32, #tpu.memory_space<vmem_shared>> -> memref<128x128xf32, #tpu.memory_space<vmem_shared>>
      %dma_start3A_29 = arith.constant 0 : i32
      %dma_start3A_30 = tpu.memref_slice %arg9[%add3A_19, %dma_start3A_29] : memref<10240x128xf32, #tpu.memory_space<vmem_shared>> -> memref<128x128xf32, #tpu.memory_space<vmem_shared>>
      tpu.enqueue_dma source(%arg8 : memref<128x128xf32, #tpu.memory_space<vmem>>) target(%dma_start3A_30 : memref<128x128xf32, #tpu.memory_space<vmem_shared>>) target_semaphore(%run_scoped3A : memref<!tpu.dma_semaphore, #tpu.memory_space<semaphore_mem>>)
      %dma_wait3A = arith.constant 0 : i32
      %dma_wait3A_31 = tpu.memref_slice %arg9[%add3A_19, %dma_wait3A] : memref<10240x128xf32, #tpu.memory_space<vmem_shared>> -> memref<128x128xf32, #tpu.memory_space<vmem_shared>>
      %dma_wait3A_32 = arith.constant 0 : i32
      %dma_wait3A_33 = tpu.memref_slice %arg9[%add3A_19, %dma_wait3A_32] : memref<10240x128xf32, #tpu.memory_space<vmem_shared>> -> memref<128x128xf32, #tpu.memory_space<vmem_shared>>
      tpu.wait_dma2 semaphore(%run_scoped3A : memref<!tpu.dma_semaphore, #tpu.memory_space<semaphore_mem>>) src(%arg8 : memref<128x128xf32, #tpu.memory_space<vmem>>) dst(%dma_wait3A_33 : memref<128x128xf32, #tpu.memory_space<vmem_shared>>)
      tpu.yield
    }) : () -> ()
    %barrier3A = arith.constant 0 : index
    tpu.barrier barrier_id(%barrier3A)
    "tpu.region"() ({
      %run_scoped3A = tpu.sem_alloc : memref<!tpu.dma_semaphore, #tpu.memory_space<semaphore_mem>>
      %dma_start3A = arith.constant 0 : i32
      %dma_start3A_28 = arith.constant 0 : i32
      %dma_start3A_29 = tpu.memref_slice %arg3[%add3A, %dma_start3A, %dma_start3A_28] : memref<32x79x128xi32, #tpu.memory_space<hbm>> -> memref<1x79x128xi32, #tpu.memory_space<hbm>>
      %dma_start3A_30 = tpu.memref_squeeze %dma_start3A_29 : memref<1x79x128xi32, #tpu.memory_space<hbm>> -> memref<79x128xi32, #tpu.memory_space<hbm>>
      %dma_start3A_31 = arith.constant 0 : i32
      %dma_start3A_32 = arith.constant 0 : i32
      %dma_start3A_33 = tpu.memref_slice %arg3[%add3A, %dma_start3A_31, %dma_start3A_32] : memref<32x79x128xi32, #tpu.memory_space<hbm>> -> memref<1x79x128xi32, #tpu.memory_space<hbm>>
      %dma_start3A_34 = tpu.memref_squeeze %dma_start3A_33 : memref<1x79x128xi32, #tpu.memory_space<hbm>> -> memref<79x128xi32, #tpu.memory_space<hbm>>
      tpu.enqueue_dma source(%dma_start3A_34 : memref<79x128xi32, #tpu.memory_space<hbm>>) target(%arg6 : memref<79x128xi32, #tpu.memory_space<vmem>>) target_semaphore(%run_scoped3A : memref<!tpu.dma_semaphore, #tpu.memory_space<semaphore_mem>>)
      %dma_wait3A = arith.constant 0 : i32
      %dma_wait3A_35 = arith.constant 0 : i32
      %dma_wait3A_36 = tpu.memref_slice %arg3[%add3A, %dma_wait3A, %dma_wait3A_35] : memref<32x79x128xi32, #tpu.memory_space<hbm>> -> memref<1x79x128xi32, #tpu.memory_space<hbm>>
      %dma_wait3A_37 = tpu.memref_squeeze %dma_wait3A_36 : memref<1x79x128xi32, #tpu.memory_space<hbm>> -> memref<79x128xi32, #tpu.memory_space<hbm>>
      %dma_wait3A_38 = arith.constant 0 : i32
      %dma_wait3A_39 = arith.constant 0 : i32
      %dma_wait3A_40 = tpu.memref_slice %arg3[%add3A, %dma_wait3A_38, %dma_wait3A_39] : memref<32x79x128xi32, #tpu.memory_space<hbm>> -> memref<1x79x128xi32, #tpu.memory_space<hbm>>
      %dma_wait3A_41 = tpu.memref_squeeze %dma_wait3A_40 : memref<1x79x128xi32, #tpu.memory_space<hbm>> -> memref<79x128xi32, #tpu.memory_space<hbm>>
      tpu.wait_dma2 semaphore(%run_scoped3A : memref<!tpu.dma_semaphore, #tpu.memory_space<semaphore_mem>>) src(%dma_wait3A_41 : memref<79x128xi32, #tpu.memory_space<hbm>>) dst(%arg6 : memref<79x128xi32, #tpu.memory_space<vmem>>)
      tpu.yield
    }) : () -> ()
    "tpu.region"() ({
      %run_scoped3A = tpu.sem_alloc : memref<!tpu.dma_semaphore, #tpu.memory_space<semaphore_mem>>
      %dma_start3A = arith.constant 0 : i32
      %dma_start3A_28 = arith.constant 0 : i32
      %dma_start3A_29 = tpu.memref_slice %arg4[%add3A, %dma_start3A, %dma_start3A_28] : memref<32x79x128xi32, #tpu.memory_space<hbm>> -> memref<1x79x128xi32, #tpu.memory_space<hbm>>
      %dma_start3A_30 = tpu.memref_squeeze %dma_start3A_29 : memref<1x79x128xi32, #tpu.memory_space<hbm>> -> memref<79x128xi32, #tpu.memory_space<hbm>>
      %dma_start3A_31 = arith.constant 0 : i32
      %dma_start3A_32 = arith.constant 0 : i32
      %dma_start3A_33 = tpu.memref_slice %arg4[%add3A, %dma_start3A_31, %dma_start3A_32] : memref<32x79x128xi32, #tpu.memory_space<hbm>> -> memref<1x79x128xi32, #tpu.memory_space<hbm>>
      %dma_start3A_34 = tpu.memref_squeeze %dma_start3A_33 : memref<1x79x128xi32, #tpu.memory_space<hbm>> -> memref<79x128xi32, #tpu.memory_space<hbm>>
      tpu.enqueue_dma source(%dma_start3A_34 : memref<79x128xi32, #tpu.memory_space<hbm>>) target(%arg7 : memref<79x128xi32, #tpu.memory_space<vmem>>) target_semaphore(%run_scoped3A : memref<!tpu.dma_semaphore, #tpu.memory_space<semaphore_mem>>)
      %dma_wait3A = arith.constant 0 : i32
      %dma_wait3A_35 = arith.constant 0 : i32
      %dma_wait3A_36 = tpu.memref_slice %arg4[%add3A, %dma_wait3A, %dma_wait3A_35] : memref<32x79x128xi32, #tpu.memory_space<hbm>> -> memref<1x79x128xi32, #tpu.memory_space<hbm>>
      %dma_wait3A_37 = tpu.memref_squeeze %dma_wait3A_36 : memref<1x79x128xi32, #tpu.memory_space<hbm>> -> memref<79x128xi32, #tpu.memory_space<hbm>>
      %dma_wait3A_38 = arith.constant 0 : i32
      %dma_wait3A_39 = arith.constant 0 : i32
      %dma_wait3A_40 = tpu.memref_slice %arg4[%add3A, %dma_wait3A_38, %dma_wait3A_39] : memref<32x79x128xi32, #tpu.memory_space<hbm>> -> memref<1x79x128xi32, #tpu.memory_space<hbm>>
      %dma_wait3A_41 = tpu.memref_squeeze %dma_wait3A_40 : memref<1x79x128xi32, #tpu.memory_space<hbm>> -> memref<79x128xi32, #tpu.memory_space<hbm>>
      tpu.wait_dma2 semaphore(%run_scoped3A : memref<!tpu.dma_semaphore, #tpu.memory_space<semaphore_mem>>) src(%dma_wait3A_41 : memref<79x128xi32, #tpu.memory_space<hbm>>) dst(%arg7 : memref<79x128xi32, #tpu.memory_space<vmem>>)
      tpu.yield
    }) : () -> ()
    %scan3A_20 = arith.constant 0 : i32
    %scan3A_21 = arith.constant 0 : i32
    %scan3A_22 = arith.constant 79 : i32
    %scan3A_23 = arith.addi %scan3A_21, %scan3A_22 : i32
    %scan3A_24 = arith.constant 1 : i32
    %scan3A_25 = scf.for %scan3A_28 = %scan3A_21 to %scan3A_23 step %scan3A_24 iter_args(%scan3A_29 = %scan3A_20) -> (i32)  : i32 {
      %dma_start3A = arith.constant 0 : i32
      %dma_start3A_30 = tpu.memref_slice %arg6[%scan3A_28, %dma_start3A] : memref<79x128xi32, #tpu.memory_space<vmem>> -> memref<1x128xi32, #tpu.memory_space<vmem>>
      %dma_start3A_31 = tpu.memref_squeeze %dma_start3A_30 : memref<1x128xi32, #tpu.memory_space<vmem>> -> memref<128xi32, #tpu.memory_space<vmem>>
      %dma_start3A_32 = arith.constant 0 : i32
      %dma_start3A_33 = arith.constant 0 : i32
      %dma_start3A_34 = tpu.memref_slice %arg2[%dma_start3A_32, %dma_start3A_33] : memref<10000x128xf32, #tpu.memory_space<hbm>> -> memref<10000x128xf32, #tpu.memory_space<hbm>>
      tpu.enqueue_indirect_dma source(%dma_start3A_34 : memref<10000x128xf32, #tpu.memory_space<hbm>>) target(%arg8 : memref<128x128xf32, #tpu.memory_space<vmem>>) offsets(%dma_start3A_31 : memref<128xi32, #tpu.memory_space<vmem>>) semaphore(%arg10 : memref<!tpu.dma_semaphore, #tpu.memory_space<semaphore_mem>>)
      %dma_wait3A = arith.constant 0 : i32
      %dma_wait3A_35 = tpu.memref_slice %arg6[%scan3A_28, %dma_wait3A] : memref<79x128xi32, #tpu.memory_space<vmem>> -> memref<1x128xi32, #tpu.memory_space<vmem>>
      %dma_wait3A_36 = tpu.memref_squeeze %dma_wait3A_35 : memref<1x128xi32, #tpu.memory_space<vmem>> -> memref<128xi32, #tpu.memory_space<vmem>>
      %dma_wait3A_37 = arith.constant 0 : i32
      %dma_wait3A_38 = arith.constant 0 : i32
      %dma_wait3A_39 = tpu.memref_slice %arg2[%dma_wait3A_37, %dma_wait3A_38] : memref<10000x128xf32, #tpu.memory_space<hbm>> -> memref<10000x128xf32, #tpu.memory_space<hbm>>
      tpu.wait_indirect_dma semaphore(%arg10 : memref<!tpu.dma_semaphore, #tpu.memory_space<semaphore_mem>>) src(%dma_wait3A_39 : memref<10000x128xf32, #tpu.memory_space<hbm>>) dst(%arg8 : memref<128x128xf32, #tpu.memory_space<vmem>>)
      "tpu.region"() ({
        %run_scoped3A = tpu.sem_alloc : memref<!tpu.dma_semaphore, #tpu.memory_space<semaphore_mem>>
        %dma_start3A_41 = arith.constant 0 : i32
        %dma_start3A_42 = tpu.memref_slice %arg7[%scan3A_28, %dma_start3A_41] : memref<79x128xi32, #tpu.memory_space<vmem>> -> memref<1x128xi32, #tpu.memory_space<vmem>>
        %dma_start3A_43 = tpu.memref_squeeze %dma_start3A_42 : memref<1x128xi32, #tpu.memory_space<vmem>> -> memref<128xi32, #tpu.memory_space<vmem>>
        %dma_start3A_44 = arith.constant 0 : i32
        %dma_start3A_45 = arith.constant 0 : i32
        %dma_start3A_46 = tpu.memref_slice %arg9[%dma_start3A_44, %dma_start3A_45] : memref<10240x128xf32, #tpu.memory_space<vmem_shared>> -> memref<10240x128xf32, #tpu.memory_space<vmem_shared>>
        tpu.enqueue_indirect_dma source(%arg8 : memref<128x128xf32, #tpu.memory_space<vmem>>) target(%dma_start3A_46 : memref<10240x128xf32, #tpu.memory_space<vmem_shared>>) offsets(%dma_start3A_43 : memref<128xi32, #tpu.memory_space<vmem>>) semaphore(%run_scoped3A : memref<!tpu.dma_semaphore, #tpu.memory_space<semaphore_mem>>) {add = true}
        %dma_wait3A_47 = arith.constant 0 : i32
        %dma_wait3A_48 = tpu.memref_slice %arg7[%scan3A_28, %dma_wait3A_47] : memref<79x128xi32, #tpu.memory_space<vmem>> -> memref<1x128xi32, #tpu.memory_space<vmem>>
        %dma_wait3A_49 = tpu.memref_squeeze %dma_wait3A_48 : memref<1x128xi32, #tpu.memory_space<vmem>> -> memref<128xi32, #tpu.memory_space<vmem>>
        %dma_wait3A_50 = arith.constant 0 : i32
        %dma_wait3A_51 = arith.constant 0 : i32
        %dma_wait3A_52 = tpu.memref_slice %arg9[%dma_wait3A_50, %dma_wait3A_51] : memref<10240x128xf32, #tpu.memory_space<vmem_shared>> -> memref<10240x128xf32, #tpu.memory_space<vmem_shared>>
        tpu.wait_indirect_dma semaphore(%run_scoped3A : memref<!tpu.dma_semaphore, #tpu.memory_space<semaphore_mem>>) src(%arg8 : memref<128x128xf32, #tpu.memory_space<vmem>>) dst(%dma_wait3A_52 : memref<10240x128xf32, #tpu.memory_space<vmem_shared>>)
        tpu.yield
      }) : () -> ()
      %scan3A_40 = arith.constant 0 : i32
      scf.yield %scan3A_40 : i32
    }
    %scan3A_26 = arith.constant 79 : i32
    %barrier3A_27 = arith.constant 0 : index
    tpu.barrier barrier_id(%barrier3A_27)
    "tpu.region"() ({
      %run_scoped3A = tpu.sem_alloc : memref<!tpu.dma_semaphore, #tpu.memory_space<semaphore_mem>>
      %dma_start3A = arith.constant 0 : i32
      %dma_start3A_28 = tpu.memref_slice %arg5[%arg0, %mul3A_9, %dma_start3A] : memref<2x10240x128xf32, #tpu.memory_space<hbm>> -> memref<1x640x128xf32, #tpu.memory_space<hbm>>
      %dma_start3A_29 = tpu.memref_squeeze %dma_start3A_28 : memref<1x640x128xf32, #tpu.memory_space<hbm>> -> memref<640x128xf32, #tpu.memory_space<hbm>>
      %dma_start3A_30 = arith.constant 0 : i32
      %dma_start3A_31 = tpu.memref_slice %arg9[%mul3A_9, %dma_start3A_30] : memref<10240x128xf32, #tpu.memory_space<vmem_shared>> -> memref<640x128xf32, #tpu.memory_space<vmem_shared>>
      tpu.enqueue_dma source(%dma_start3A_31 : memref<640x128xf32, #tpu.memory_space<vmem_shared>>) target(%dma_start3A_29 : memref<640x128xf32, #tpu.memory_space<hbm>>) target_semaphore(%run_scoped3A : memref<!tpu.dma_semaphore, #tpu.memory_space<semaphore_mem>>)
      %dma_wait3A = arith.constant 0 : i32
      %dma_wait3A_32 = tpu.memref_slice %arg5[%arg0, %mul3A_9, %dma_wait3A] : memref<2x10240x128xf32, #tpu.memory_space<hbm>> -> memref<1x640x128xf32, #tpu.memory_space<hbm>>
      %dma_wait3A_33 = tpu.memref_squeeze %dma_wait3A_32 : memref<1x640x128xf32, #tpu.memory_space<hbm>> -> memref<640x128xf32, #tpu.memory_space<hbm>>
      %dma_wait3A_34 = arith.constant 0 : i32
      %dma_wait3A_35 = tpu.memref_slice %arg9[%mul3A_9, %dma_wait3A_34] : memref<10240x128xf32, #tpu.memory_space<vmem_shared>> -> memref<640x128xf32, #tpu.memory_space<vmem_shared>>
      tpu.wait_dma2 semaphore(%run_scoped3A : memref<!tpu.dma_semaphore, #tpu.memory_space<semaphore_mem>>) src(%dma_wait3A_35 : memref<640x128xf32, #tpu.memory_space<vmem_shared>>) dst(%dma_wait3A_33 : memref<640x128xf32, #tpu.memory_space<hbm>>)
      tpu.yield
    }) : () -> ()
    return
  }
}

#map = affine_map<(d0, d1) -> (0, 0)>
#map1 = affine_map<(d0, d1) -> (0, 0, 0)>
module attributes {stable_mosaic.version = 14 : i64} {
  func.func @_seg_body(%arg0: i32, %arg1: i32, %arg2: memref<10000x128xf32, #tpu.memory_space<hbm>>, %arg3: memref<32x79x128xi32, #tpu.memory_space<hbm>>, %arg4: memref<32x79x128xi32, #tpu.memory_space<hbm>>, %arg5: memref<2x10240x128xf32, #tpu.memory_space<hbm>>, %arg6: memref<79x128xi32, #tpu.memory_space<vmem>>, %arg7: memref<79x128xi32, #tpu.memory_space<vmem>>, %arg8: memref<128x128xf32, #tpu.memory_space<vmem>>, %arg9: memref<10240x128xf32, #tpu.memory_space<vmem_shared>>, %arg10: memref<!tpu.dma_semaphore, #tpu.memory_space<semaphore_mem>>) attributes {dimension_semantics = [#tpu.dimension_semantics<core_parallel>, #tpu.dimension_semantics<subcore_parallel>], iteration_bounds = array<i64: 2, 16>, scalar_prefetch = 0 : i64, scratch_operands = 5 : i64, tpu.core_type = #tpu.core_type<sc_vector_subcore>, window_params = [{transform_indices = #map}, {transform_indices = #map1}, {transform_indices = #map1}, {transform_indices = #map1}]} {
    %mul3A = arith.constant 2 : i32
    %mul3A_0 = arith.muli %arg1, %mul3A : i32
    %add3A = arith.addi %mul3A_0, %arg0 : i32
    %broadcast_in_dim3A = arith.constant 0.000000e+00 : f32
    %broadcast_in_dim3A_1 = vector.broadcast %broadcast_in_dim3A : f32 to vector<16xf32>
    %scan3A = arith.constant 0 : i32
    %scan3A_2 = arith.constant 0 : i32
    %scan3A_3 = arith.constant 128 : i32
    %scan3A_4 = arith.addi %scan3A_2, %scan3A_3 : i32
    %scan3A_5 = arith.constant 1 : i32
    %scan3A_6 = scf.for %scan3A_28 = %scan3A_2 to %scan3A_4 step %scan3A_5 iter_args(%scan3A_29 = %scan3A) -> (i32)  : i32 {
      %swap3A = arith.index_cast %scan3A_28 : i32 to index
      %swap3A_30 = arith.constant 0 : index
      %swap3A_31 = tpu.vector_load %arg8[%swap3A, %swap3A_30] {strides = array<i32>} : memref<128x128xf32, #tpu.memory_space<vmem>>, vector<1x16xf32>,
      %swap3A_32 = vector.shape_cast %swap3A_31 : vector<1x16xf32> to vector<16xf32>
      %swap3A_33 = vector.shape_cast %broadcast_in_dim3A_1 : vector<16xf32> to vector<1x16xf32>
      tpu.vector_store %arg8[%swap3A, %swap3A_30], %swap3A_33 {strides = array<i32>} : memref<128x128xf32, #tpu.memory_space<vmem>>, vector<1x16xf32>,
      %swap3A_34 = arith.index_cast %scan3A_28 : i32 to index
      %swap3A_35 = arith.constant 16 : index
      %swap3A_36 = tpu.vector_load %arg8[%swap3A_34, %swap3A_35] {strides = array<i32>} : memref<128x128xf32, #tpu.memory_space<vmem>>, vector<1x16xf32>,
      %swap3A_37 = vector.shape_cast %swap3A_36 : vector<1x16xf32> to vector<16xf32>
      %swap3A_38 = vector.shape_cast %broadcast_in_dim3A_1 : vector<16xf32> to vector<1x16xf32>
      tpu.vector_store %arg8[%swap3A_34, %swap3A_35], %swap3A_38 {strides = array<i32>} : memref<128x128xf32, #tpu.memory_space<vmem>>, vector<1x16xf32>,
      %swap3A_39 = arith.index_cast %scan3A_28 : i32 to index
      %swap3A_40 = arith.constant 32 : index
      %swap3A_41 = tpu.vector_load %arg8[%swap3A_39, %swap3A_40] {strides = array<i32>} : memref<128x128xf32, #tpu.memory_space<vmem>>, vector<1x16xf32>,
      %swap3A_42 = vector.shape_cast %swap3A_41 : vector<1x16xf32> to vector<16xf32>
      %swap3A_43 = vector.shape_cast %broadcast_in_dim3A_1 : vector<16xf32> to vector<1x16xf32>
      tpu.vector_store %arg8[%swap3A_39, %swap3A_40], %swap3A_43 {strides = array<i32>} : memref<128x128xf32, #tpu.memory_space<vmem>>, vector<1x16xf32>,
      %swap3A_44 = arith.index_cast %scan3A_28 : i32 to index
      %swap3A_45 = arith.constant 48 : index
      %swap3A_46 = tpu.vector_load %arg8[%swap3A_44, %swap3A_45] {strides = array<i32>} : memref<128x128xf32, #tpu.memory_space<vmem>>, vector<1x16xf32>,
      %swap3A_47 = vector.shape_cast %swap3A_46 : vector<1x16xf32> to vector<16xf32>
      %swap3A_48 = vector.shape_cast %broadcast_in_dim3A_1 : vector<16xf32> to vector<1x16xf32>
      tpu.vector_store %arg8[%swap3A_44, %swap3A_45], %swap3A_48 {strides = array<i32>} : memref<128x128xf32, #tpu.memory_space<vmem>>, vector<1x16xf32>,
      %swap3A_49 = arith.index_cast %scan3A_28 : i32 to index
      %swap3A_50 = arith.constant 64 : index
      %swap3A_51 = tpu.vector_load %arg8[%swap3A_49, %swap3A_50] {strides = array<i32>} : memref<128x128xf32, #tpu.memory_space<vmem>>, vector<1x16xf32>,
      %swap3A_52 = vector.shape_cast %swap3A_51 : vector<1x16xf32> to vector<16xf32>
      %swap3A_53 = vector.shape_cast %broadcast_in_dim3A_1 : vector<16xf32> to vector<1x16xf32>
      tpu.vector_store %arg8[%swap3A_49, %swap3A_50], %swap3A_53 {strides = array<i32>} : memref<128x128xf32, #tpu.memory_space<vmem>>, vector<1x16xf32>,
      %swap3A_54 = arith.index_cast %scan3A_28 : i32 to index
      %swap3A_55 = arith.constant 80 : index
      %swap3A_56 = tpu.vector_load %arg8[%swap3A_54, %swap3A_55] {strides = array<i32>} : memref<128x128xf32, #tpu.memory_space<vmem>>, vector<1x16xf32>,
      %swap3A_57 = vector.shape_cast %swap3A_56 : vector<1x16xf32> to vector<16xf32>
      %swap3A_58 = vector.shape_cast %broadcast_in_dim3A_1 : vector<16xf32> to vector<1x16xf32>
      tpu.vector_store %arg8[%swap3A_54, %swap3A_55], %swap3A_58 {strides = array<i32>} : memref<128x128xf32, #tpu.memory_space<vmem>>, vector<1x16xf32>,
      %swap3A_59 = arith.index_cast %scan3A_28 : i32 to index
      %swap3A_60 = arith.constant 96 : index
      %swap3A_61 = tpu.vector_load %arg8[%swap3A_59, %swap3A_60] {strides = array<i32>} : memref<128x128xf32, #tpu.memory_space<vmem>>, vector<1x16xf32>,
      %swap3A_62 = vector.shape_cast %swap3A_61 : vector<1x16xf32> to vector<16xf32>
      %swap3A_63 = vector.shape_cast %broadcast_in_dim3A_1 : vector<16xf32> to vector<1x16xf32>
      tpu.vector_store %arg8[%swap3A_59, %swap3A_60], %swap3A_63 {strides = array<i32>} : memref<128x128xf32, #tpu.memory_space<vmem>>, vector<1x16xf32>,
      %swap3A_64 = arith.index_cast %scan3A_28 : i32 to index
      %swap3A_65 = arith.constant 112 : index
      %swap3A_66 = tpu.vector_load %arg8[%swap3A_64, %swap3A_65] {strides = array<i32>} : memref<128x128xf32, #tpu.memory_space<vmem>>, vector<1x16xf32>,
      %swap3A_67 = vector.shape_cast %swap3A_66 : vector<1x16xf32> to vector<16xf32>
      %swap3A_68 = vector.shape_cast %broadcast_in_dim3A_1 : vector<16xf32> to vector<1x16xf32>
      tpu.vector_store %arg8[%swap3A_64, %swap3A_65], %swap3A_68 {strides = array<i32>} : memref<128x128xf32, #tpu.memory_space<vmem>>, vector<1x16xf32>,
      %scan3A_69 = arith.constant 0 : i32
      scf.yield %scan3A_69 : i32
    }
    %scan3A_7 = arith.constant 128 : i32
    %mul3A_8 = arith.constant 640 : i32
    %mul3A_9 = arith.muli %arg1, %mul3A_8 : i32
    %add3A_10 = arith.constant 0 : i32
    %add3A_11 = arith.addi %mul3A_9, %add3A_10 : i32
    "tpu.region"() ({
      %run_scoped3A = tpu.sem_alloc : memref<!tpu.dma_semaphore, #tpu.memory_space<semaphore_mem>>
      %dma_start3A = arith.constant 0 : i32
      %dma_start3A_28 = tpu.memref_slice %arg9[%add3A_11, %dma_start3A] : memref<10240x128xf32, #tpu.memory_space<vmem_shared>> -> memref<128x128xf32, #tpu.memory_space<vmem_shared>>
      %dma_start3A_29 = arith.constant 0 : i32
      %dma_start3A_30 = tpu.memref_slice %arg9[%add3A_11, %dma_start3A_29] : memref<10240x128xf32, #tpu.memory_space<vmem_shared>> -> memref<128x128xf32, #tpu.memory_space<vmem_shared>>
      tpu.enqueue_dma source(%arg8 : memref<128x128xf32, #tpu.memory_space<vmem>>) target(%dma_start3A_30 : memref<128x128xf32, #tpu.memory_space<vmem_shared>>) target_semaphore(%run_scoped3A : memref<!tpu.dma_semaphore, #tpu.memory_space<semaphore_mem>>)
      %dma_wait3A = arith.constant 0 : i32
      %dma_wait3A_31 = tpu.memref_slice %arg9[%add3A_11, %dma_wait3A] : memref<10240x128xf32, #tpu.memory_space<vmem_shared>> -> memref<128x128xf32, #tpu.memory_space<vmem_shared>>
      %dma_wait3A_32 = arith.constant 0 : i32
      %dma_wait3A_33 = tpu.memref_slice %arg9[%add3A_11, %dma_wait3A_32] : memref<10240x128xf32, #tpu.memory_space<vmem_shared>> -> memref<128x128xf32, #tpu.memory_space<vmem_shared>>
      tpu.wait_dma2 semaphore(%run_scoped3A : memref<!tpu.dma_semaphore, #tpu.memory_space<semaphore_mem>>) src(%arg8 : memref<128x128xf32, #tpu.memory_space<vmem>>) dst(%dma_wait3A_33 : memref<128x128xf32, #tpu.memory_space<vmem_shared>>)
      tpu.yield
    }) : () -> ()
    %add3A_12 = arith.constant 128 : i32
    %add3A_13 = arith.addi %mul3A_9, %add3A_12 : i32
    "tpu.region"() ({
      %run_scoped3A = tpu.sem_alloc : memref<!tpu.dma_semaphore, #tpu.memory_space<semaphore_mem>>
      %dma_start3A = arith.constant 0 : i32
      %dma_start3A_28 = tpu.memref_slice %arg9[%add3A_13, %dma_start3A] : memref<10240x128xf32, #tpu.memory_space<vmem_shared>> -> memref<128x128xf32, #tpu.memory_space<vmem_shared>>
      %dma_start3A_29 = arith.constant 0 : i32
      %dma_start3A_30 = tpu.memref_slice %arg9[%add3A_13, %dma_start3A_29] : memref<10240x128xf32, #tpu.memory_space<vmem_shared>> -> memref<128x128xf32, #tpu.memory_space<vmem_shared>>
      tpu.enqueue_dma source(%arg8 : memref<128x128xf32, #tpu.memory_space<vmem>>) target(%dma_start3A_30 : memref<128x128xf32, #tpu.memory_space<vmem_shared>>) target_semaphore(%run_scoped3A : memref<!tpu.dma_semaphore, #tpu.memory_space<semaphore_mem>>)
      %dma_wait3A = arith.constant 0 : i32
      %dma_wait3A_31 = tpu.memref_slice %arg9[%add3A_13, %dma_wait3A] : memref<10240x128xf32, #tpu.memory_space<vmem_shared>> -> memref<128x128xf32, #tpu.memory_space<vmem_shared>>
      %dma_wait3A_32 = arith.constant 0 : i32
      %dma_wait3A_33 = tpu.memref_slice %arg9[%add3A_13, %dma_wait3A_32] : memref<10240x128xf32, #tpu.memory_space<vmem_shared>> -> memref<128x128xf32, #tpu.memory_space<vmem_shared>>
      tpu.wait_dma2 semaphore(%run_scoped3A : memref<!tpu.dma_semaphore, #tpu.memory_space<semaphore_mem>>) src(%arg8 : memref<128x128xf32, #tpu.memory_space<vmem>>) dst(%dma_wait3A_33 : memref<128x128xf32, #tpu.memory_space<vmem_shared>>)
      tpu.yield
    }) : () -> ()
    %add3A_14 = arith.constant 256 : i32
    %add3A_15 = arith.addi %mul3A_9, %add3A_14 : i32
    "tpu.region"() ({
      %run_scoped3A = tpu.sem_alloc : memref<!tpu.dma_semaphore, #tpu.memory_space<semaphore_mem>>
      %dma_start3A = arith.constant 0 : i32
      %dma_start3A_28 = tpu.memref_slice %arg9[%add3A_15, %dma_start3A] : memref<10240x128xf32, #tpu.memory_space<vmem_shared>> -> memref<128x128xf32, #tpu.memory_space<vmem_shared>>
      %dma_start3A_29 = arith.constant 0 : i32
      %dma_start3A_30 = tpu.memref_slice %arg9[%add3A_15, %dma_start3A_29] : memref<10240x128xf32, #tpu.memory_space<vmem_shared>> -> memref<128x128xf32, #tpu.memory_space<vmem_shared>>
      tpu.enqueue_dma source(%arg8 : memref<128x128xf32, #tpu.memory_space<vmem>>) target(%dma_start3A_30 : memref<128x128xf32, #tpu.memory_space<vmem_shared>>) target_semaphore(%run_scoped3A : memref<!tpu.dma_semaphore, #tpu.memory_space<semaphore_mem>>)
      %dma_wait3A = arith.constant 0 : i32
      %dma_wait3A_31 = tpu.memref_slice %arg9[%add3A_15, %dma_wait3A] : memref<10240x128xf32, #tpu.memory_space<vmem_shared>> -> memref<128x128xf32, #tpu.memory_space<vmem_shared>>
      %dma_wait3A_32 = arith.constant 0 : i32
      %dma_wait3A_33 = tpu.memref_slice %arg9[%add3A_15, %dma_wait3A_32] : memref<10240x128xf32, #tpu.memory_space<vmem_shared>> -> memref<128x128xf32, #tpu.memory_space<vmem_shared>>
      tpu.wait_dma2 semaphore(%run_scoped3A : memref<!tpu.dma_semaphore, #tpu.memory_space<semaphore_mem>>) src(%arg8 : memref<128x128xf32, #tpu.memory_space<vmem>>) dst(%dma_wait3A_33 : memref<128x128xf32, #tpu.memory_space<vmem_shared>>)
      tpu.yield
    }) : () -> ()
    %add3A_16 = arith.constant 384 : i32
    %add3A_17 = arith.addi %mul3A_9, %add3A_16 : i32
    "tpu.region"() ({
      %run_scoped3A = tpu.sem_alloc : memref<!tpu.dma_semaphore, #tpu.memory_space<semaphore_mem>>
      %dma_start3A = arith.constant 0 : i32
      %dma_start3A_28 = tpu.memref_slice %arg9[%add3A_17, %dma_start3A] : memref<10240x128xf32, #tpu.memory_space<vmem_shared>> -> memref<128x128xf32, #tpu.memory_space<vmem_shared>>
      %dma_start3A_29 = arith.constant 0 : i32
      %dma_start3A_30 = tpu.memref_slice %arg9[%add3A_17, %dma_start3A_29] : memref<10240x128xf32, #tpu.memory_space<vmem_shared>> -> memref<128x128xf32, #tpu.memory_space<vmem_shared>>
      tpu.enqueue_dma source(%arg8 : memref<128x128xf32, #tpu.memory_space<vmem>>) target(%dma_start3A_30 : memref<128x128xf32, #tpu.memory_space<vmem_shared>>) target_semaphore(%run_scoped3A : memref<!tpu.dma_semaphore, #tpu.memory_space<semaphore_mem>>)
      %dma_wait3A = arith.constant 0 : i32
      %dma_wait3A_31 = tpu.memref_slice %arg9[%add3A_17, %dma_wait3A] : memref<10240x128xf32, #tpu.memory_space<vmem_shared>> -> memref<128x128xf32, #tpu.memory_space<vmem_shared>>
      %dma_wait3A_32 = arith.constant 0 : i32
      %dma_wait3A_33 = tpu.memref_slice %arg9[%add3A_17, %dma_wait3A_32] : memref<10240x128xf32, #tpu.memory_space<vmem_shared>> -> memref<128x128xf32, #tpu.memory_space<vmem_shared>>
      tpu.wait_dma2 semaphore(%run_scoped3A : memref<!tpu.dma_semaphore, #tpu.memory_space<semaphore_mem>>) src(%arg8 : memref<128x128xf32, #tpu.memory_space<vmem>>) dst(%dma_wait3A_33 : memref<128x128xf32, #tpu.memory_space<vmem_shared>>)
      tpu.yield
    }) : () -> ()
    %add3A_18 = arith.constant 512 : i32
    %add3A_19 = arith.addi %mul3A_9, %add3A_18 : i32
    "tpu.region"() ({
      %run_scoped3A = tpu.sem_alloc : memref<!tpu.dma_semaphore, #tpu.memory_space<semaphore_mem>>
      %dma_start3A = arith.constant 0 : i32
      %dma_start3A_28 = tpu.memref_slice %arg9[%add3A_19, %dma_start3A] : memref<10240x128xf32, #tpu.memory_space<vmem_shared>> -> memref<128x128xf32, #tpu.memory_space<vmem_shared>>
      %dma_start3A_29 = arith.constant 0 : i32
      %dma_start3A_30 = tpu.memref_slice %arg9[%add3A_19, %dma_start3A_29] : memref<10240x128xf32, #tpu.memory_space<vmem_shared>> -> memref<128x128xf32, #tpu.memory_space<vmem_shared>>
      tpu.enqueue_dma source(%arg8 : memref<128x128xf32, #tpu.memory_space<vmem>>) target(%dma_start3A_30 : memref<128x128xf32, #tpu.memory_space<vmem_shared>>) target_semaphore(%run_scoped3A : memref<!tpu.dma_semaphore, #tpu.memory_space<semaphore_mem>>)
      %dma_wait3A = arith.constant 0 : i32
      %dma_wait3A_31 = tpu.memref_slice %arg9[%add3A_19, %dma_wait3A] : memref<10240x128xf32, #tpu.memory_space<vmem_shared>> -> memref<128x128xf32, #tpu.memory_space<vmem_shared>>
      %dma_wait3A_32 = arith.constant 0 : i32
      %dma_wait3A_33 = tpu.memref_slice %arg9[%add3A_19, %dma_wait3A_32] : memref<10240x128xf32, #tpu.memory_space<vmem_shared>> -> memref<128x128xf32, #tpu.memory_space<vmem_shared>>
      tpu.wait_dma2 semaphore(%run_scoped3A : memref<!tpu.dma_semaphore, #tpu.memory_space<semaphore_mem>>) src(%arg8 : memref<128x128xf32, #tpu.memory_space<vmem>>) dst(%dma_wait3A_33 : memref<128x128xf32, #tpu.memory_space<vmem_shared>>)
      tpu.yield
    }) : () -> ()
    %barrier3A = arith.constant 0 : index
    tpu.barrier barrier_id(%barrier3A)
    "tpu.region"() ({
      %run_scoped3A = tpu.sem_alloc : memref<!tpu.dma_semaphore, #tpu.memory_space<semaphore_mem>>
      %dma_start3A = arith.constant 0 : i32
      %dma_start3A_28 = arith.constant 0 : i32
      %dma_start3A_29 = tpu.memref_slice %arg3[%add3A, %dma_start3A, %dma_start3A_28] : memref<32x79x128xi32, #tpu.memory_space<hbm>> -> memref<1x79x128xi32, #tpu.memory_space<hbm>>
      %dma_start3A_30 = tpu.memref_squeeze %dma_start3A_29 : memref<1x79x128xi32, #tpu.memory_space<hbm>> -> memref<79x128xi32, #tpu.memory_space<hbm>>
      %dma_start3A_31 = arith.constant 0 : i32
      %dma_start3A_32 = arith.constant 0 : i32
      %dma_start3A_33 = tpu.memref_slice %arg3[%add3A, %dma_start3A_31, %dma_start3A_32] : memref<32x79x128xi32, #tpu.memory_space<hbm>> -> memref<1x79x128xi32, #tpu.memory_space<hbm>>
      %dma_start3A_34 = tpu.memref_squeeze %dma_start3A_33 : memref<1x79x128xi32, #tpu.memory_space<hbm>> -> memref<79x128xi32, #tpu.memory_space<hbm>>
      tpu.enqueue_dma source(%dma_start3A_34 : memref<79x128xi32, #tpu.memory_space<hbm>>) target(%arg6 : memref<79x128xi32, #tpu.memory_space<vmem>>) target_semaphore(%run_scoped3A : memref<!tpu.dma_semaphore, #tpu.memory_space<semaphore_mem>>)
      %dma_wait3A = arith.constant 0 : i32
      %dma_wait3A_35 = arith.constant 0 : i32
      %dma_wait3A_36 = tpu.memref_slice %arg3[%add3A, %dma_wait3A, %dma_wait3A_35] : memref<32x79x128xi32, #tpu.memory_space<hbm>> -> memref<1x79x128xi32, #tpu.memory_space<hbm>>
      %dma_wait3A_37 = tpu.memref_squeeze %dma_wait3A_36 : memref<1x79x128xi32, #tpu.memory_space<hbm>> -> memref<79x128xi32, #tpu.memory_space<hbm>>
      %dma_wait3A_38 = arith.constant 0 : i32
      %dma_wait3A_39 = arith.constant 0 : i32
      %dma_wait3A_40 = tpu.memref_slice %arg3[%add3A, %dma_wait3A_38, %dma_wait3A_39] : memref<32x79x128xi32, #tpu.memory_space<hbm>> -> memref<1x79x128xi32, #tpu.memory_space<hbm>>
      %dma_wait3A_41 = tpu.memref_squeeze %dma_wait3A_40 : memref<1x79x128xi32, #tpu.memory_space<hbm>> -> memref<79x128xi32, #tpu.memory_space<hbm>>
      tpu.wait_dma2 semaphore(%run_scoped3A : memref<!tpu.dma_semaphore, #tpu.memory_space<semaphore_mem>>) src(%dma_wait3A_41 : memref<79x128xi32, #tpu.memory_space<hbm>>) dst(%arg6 : memref<79x128xi32, #tpu.memory_space<vmem>>)
      tpu.yield
    }) : () -> ()
    "tpu.region"() ({
      %run_scoped3A = tpu.sem_alloc : memref<!tpu.dma_semaphore, #tpu.memory_space<semaphore_mem>>
      %dma_start3A = arith.constant 0 : i32
      %dma_start3A_28 = arith.constant 0 : i32
      %dma_start3A_29 = tpu.memref_slice %arg4[%add3A, %dma_start3A, %dma_start3A_28] : memref<32x79x128xi32, #tpu.memory_space<hbm>> -> memref<1x79x128xi32, #tpu.memory_space<hbm>>
      %dma_start3A_30 = tpu.memref_squeeze %dma_start3A_29 : memref<1x79x128xi32, #tpu.memory_space<hbm>> -> memref<79x128xi32, #tpu.memory_space<hbm>>
      %dma_start3A_31 = arith.constant 0 : i32
      %dma_start3A_32 = arith.constant 0 : i32
      %dma_start3A_33 = tpu.memref_slice %arg4[%add3A, %dma_start3A_31, %dma_start3A_32] : memref<32x79x128xi32, #tpu.memory_space<hbm>> -> memref<1x79x128xi32, #tpu.memory_space<hbm>>
      %dma_start3A_34 = tpu.memref_squeeze %dma_start3A_33 : memref<1x79x128xi32, #tpu.memory_space<hbm>> -> memref<79x128xi32, #tpu.memory_space<hbm>>
      tpu.enqueue_dma source(%dma_start3A_34 : memref<79x128xi32, #tpu.memory_space<hbm>>) target(%arg7 : memref<79x128xi32, #tpu.memory_space<vmem>>) target_semaphore(%run_scoped3A : memref<!tpu.dma_semaphore, #tpu.memory_space<semaphore_mem>>)
      %dma_wait3A = arith.constant 0 : i32
      %dma_wait3A_35 = arith.constant 0 : i32
      %dma_wait3A_36 = tpu.memref_slice %arg4[%add3A, %dma_wait3A, %dma_wait3A_35] : memref<32x79x128xi32, #tpu.memory_space<hbm>> -> memref<1x79x128xi32, #tpu.memory_space<hbm>>
      %dma_wait3A_37 = tpu.memref_squeeze %dma_wait3A_36 : memref<1x79x128xi32, #tpu.memory_space<hbm>> -> memref<79x128xi32, #tpu.memory_space<hbm>>
      %dma_wait3A_38 = arith.constant 0 : i32
      %dma_wait3A_39 = arith.constant 0 : i32
      %dma_wait3A_40 = tpu.memref_slice %arg4[%add3A, %dma_wait3A_38, %dma_wait3A_39] : memref<32x79x128xi32, #tpu.memory_space<hbm>> -> memref<1x79x128xi32, #tpu.memory_space<hbm>>
      %dma_wait3A_41 = tpu.memref_squeeze %dma_wait3A_40 : memref<1x79x128xi32, #tpu.memory_space<hbm>> -> memref<79x128xi32, #tpu.memory_space<hbm>>
      tpu.wait_dma2 semaphore(%run_scoped3A : memref<!tpu.dma_semaphore, #tpu.memory_space<semaphore_mem>>) src(%dma_wait3A_41 : memref<79x128xi32, #tpu.memory_space<hbm>>) dst(%arg7 : memref<79x128xi32, #tpu.memory_space<vmem>>)
      tpu.yield
    }) : () -> ()
    %scan3A_20 = arith.constant 0 : i32
    %scan3A_21 = arith.constant 0 : i32
    %scan3A_22 = arith.constant 79 : i32
    %scan3A_23 = arith.addi %scan3A_21, %scan3A_22 : i32
    %scan3A_24 = arith.constant 1 : i32
    %scan3A_25 = scf.for %scan3A_28 = %scan3A_21 to %scan3A_23 step %scan3A_24 iter_args(%scan3A_29 = %scan3A_20) -> (i32)  : i32 {
      %dma_start3A = arith.constant 0 : i32
      %dma_start3A_30 = tpu.memref_slice %arg6[%scan3A_28, %dma_start3A] : memref<79x128xi32, #tpu.memory_space<vmem>> -> memref<1x128xi32, #tpu.memory_space<vmem>>
      %dma_start3A_31 = tpu.memref_squeeze %dma_start3A_30 : memref<1x128xi32, #tpu.memory_space<vmem>> -> memref<128xi32, #tpu.memory_space<vmem>>
      %dma_start3A_32 = arith.constant 0 : i32
      %dma_start3A_33 = arith.constant 0 : i32
      %dma_start3A_34 = tpu.memref_slice %arg2[%dma_start3A_32, %dma_start3A_33] : memref<10000x128xf32, #tpu.memory_space<hbm>> -> memref<10000x128xf32, #tpu.memory_space<hbm>>
      tpu.enqueue_indirect_dma source(%dma_start3A_34 : memref<10000x128xf32, #tpu.memory_space<hbm>>) target(%arg8 : memref<128x128xf32, #tpu.memory_space<vmem>>) offsets(%dma_start3A_31 : memref<128xi32, #tpu.memory_space<vmem>>) semaphore(%arg10 : memref<!tpu.dma_semaphore, #tpu.memory_space<semaphore_mem>>)
      %dma_wait3A = arith.constant 0 : i32
      %dma_wait3A_35 = tpu.memref_slice %arg6[%scan3A_28, %dma_wait3A] : memref<79x128xi32, #tpu.memory_space<vmem>> -> memref<1x128xi32, #tpu.memory_space<vmem>>
      %dma_wait3A_36 = tpu.memref_squeeze %dma_wait3A_35 : memref<1x128xi32, #tpu.memory_space<vmem>> -> memref<128xi32, #tpu.memory_space<vmem>>
      %dma_wait3A_37 = arith.constant 0 : i32
      %dma_wait3A_38 = arith.constant 0 : i32
      %dma_wait3A_39 = tpu.memref_slice %arg2[%dma_wait3A_37, %dma_wait3A_38] : memref<10000x128xf32, #tpu.memory_space<hbm>> -> memref<10000x128xf32, #tpu.memory_space<hbm>>
      tpu.wait_indirect_dma semaphore(%arg10 : memref<!tpu.dma_semaphore, #tpu.memory_space<semaphore_mem>>) src(%dma_wait3A_39 : memref<10000x128xf32, #tpu.memory_space<hbm>>) dst(%arg8 : memref<128x128xf32, #tpu.memory_space<vmem>>)
      "tpu.region"() ({
        %run_scoped3A = tpu.sem_alloc : memref<!tpu.dma_semaphore, #tpu.memory_space<semaphore_mem>>
        %dma_start3A_41 = arith.constant 0 : i32
        %dma_start3A_42 = tpu.memref_slice %arg7[%scan3A_28, %dma_start3A_41] : memref<79x128xi32, #tpu.memory_space<vmem>> -> memref<1x128xi32, #tpu.memory_space<vmem>>
        %dma_start3A_43 = tpu.memref_squeeze %dma_start3A_42 : memref<1x128xi32, #tpu.memory_space<vmem>> -> memref<128xi32, #tpu.memory_space<vmem>>
        %dma_start3A_44 = arith.constant 0 : i32
        %dma_start3A_45 = arith.constant 0 : i32
        %dma_start3A_46 = tpu.memref_slice %arg9[%dma_start3A_44, %dma_start3A_45] : memref<10240x128xf32, #tpu.memory_space<vmem_shared>> -> memref<10240x128xf32, #tpu.memory_space<vmem_shared>>
        tpu.enqueue_indirect_dma source(%arg8 : memref<128x128xf32, #tpu.memory_space<vmem>>) target(%dma_start3A_46 : memref<10240x128xf32, #tpu.memory_space<vmem_shared>>) offsets(%dma_start3A_43 : memref<128xi32, #tpu.memory_space<vmem>>) semaphore(%run_scoped3A : memref<!tpu.dma_semaphore, #tpu.memory_space<semaphore_mem>>) {add = true}
        %dma_wait3A_47 = arith.constant 0 : i32
        %dma_wait3A_48 = tpu.memref_slice %arg7[%scan3A_28, %dma_wait3A_47] : memref<79x128xi32, #tpu.memory_space<vmem>> -> memref<1x128xi32, #tpu.memory_space<vmem>>
        %dma_wait3A_49 = tpu.memref_squeeze %dma_wait3A_48 : memref<1x128xi32, #tpu.memory_space<vmem>> -> memref<128xi32, #tpu.memory_space<vmem>>
        %dma_wait3A_50 = arith.constant 0 : i32
        %dma_wait3A_51 = arith.constant 0 : i32
        %dma_wait3A_52 = tpu.memref_slice %arg9[%dma_wait3A_50, %dma_wait3A_51] : memref<10240x128xf32, #tpu.memory_space<vmem_shared>> -> memref<10240x128xf32, #tpu.memory_space<vmem_shared>>
        tpu.wait_indirect_dma semaphore(%run_scoped3A : memref<!tpu.dma_semaphore, #tpu.memory_space<semaphore_mem>>) src(%arg8 : memref<128x128xf32, #tpu.memory_space<vmem>>) dst(%dma_wait3A_52 : memref<10240x128xf32, #tpu.memory_space<vmem_shared>>)
        tpu.yield
      }) : () -> ()
      %scan3A_40 = arith.constant 0 : i32
      scf.yield %scan3A_40 : i32
    }
    %scan3A_26 = arith.constant 79 : i32
    %barrier3A_27 = arith.constant 0 : index
    tpu.barrier barrier_id(%barrier3A_27)
    "tpu.region"() ({
      %run_scoped3A = tpu.sem_alloc : memref<!tpu.dma_semaphore, #tpu.memory_space<semaphore_mem>>
      %dma_start3A = arith.constant 0 : i32
      %dma_start3A_28 = tpu.memref_slice %arg5[%arg0, %mul3A_9, %dma_start3A] : memref<2x10240x128xf32, #tpu.memory_space<hbm>> -> memref<1x640x128xf32, #tpu.memory_space<hbm>>
      %dma_start3A_29 = tpu.memref_squeeze %dma_start3A_28 : memref<1x640x128xf32, #tpu.memory_space<hbm>> -> memref<640x128xf32, #tpu.memory_space<hbm>>
      %dma_start3A_30 = arith.constant 0 : i32
      %dma_start3A_31 = tpu.memref_slice %arg9[%mul3A_9, %dma_start3A_30] : memref<10240x128xf32, #tpu.memory_space<vmem_shared>> -> memref<640x128xf32, #tpu.memory_space<vmem_shared>>
      tpu.enqueue_dma source(%dma_start3A_31 : memref<640x128xf32, #tpu.memory_space<vmem_shared>>) target(%dma_start3A_29 : memref<640x128xf32, #tpu.memory_space<hbm>>) target_semaphore(%run_scoped3A : memref<!tpu.dma_semaphore, #tpu.memory_space<semaphore_mem>>)
      %dma_wait3A = arith.constant 0 : i32
      %dma_wait3A_32 = tpu.memref_slice %arg5[%arg0, %mul3A_9, %dma_wait3A] : memref<2x10240x128xf32, #tpu.memory_space<hbm>> -> memref<1x640x128xf32, #tpu.memory_space<hbm>>
      %dma_wait3A_33 = tpu.memref_squeeze %dma_wait3A_32 : memref<1x640x128xf32, #tpu.memory_space<hbm>> -> memref<640x128xf32, #tpu.memory_space<hbm>>
      %dma_wait3A_34 = arith.constant 0 : i32
      %dma_wait3A_35 = tpu.memref_slice %arg9[%mul3A_9, %dma_wait3A_34] : memref<10240x128xf32, #tpu.memory_space<vmem_shared>> -> memref<640x128xf32, #tpu.memory_space<vmem_shared>>
      tpu.wait_dma2 semaphore(%run_scoped3A : memref<!tpu.dma_semaphore, #tpu.memory_space<semaphore_mem>>) src(%dma_wait3A_35 : memref<640x128xf32, #tpu.memory_space<vmem_shared>>) dst(%dma_wait3A_33 : memref<640x128xf32, #tpu.memory_space<hbm>>)
      tpu.yield
    }) : () -> ()
    return
  }
}

module attributes {stable_mosaic.version = 14 : i64} {
  func.func @_tc_layer_body(%arg0: memref<2x10240x128xf32, #tpu.memory_space<vmem>>, %arg1: memref<2x10240x128xf32, #tpu.memory_space<vmem>>, %arg2: memref<10000x128xf32, #tpu.memory_space<vmem>>, %arg3: memref<128x128xf32, #tpu.memory_space<vmem>>, %arg4: memref<128x128xf32, #tpu.memory_space<vmem>>, %arg5: memref<1x128xf32, #tpu.memory_space<vmem>>, %arg6: memref<1x128xf32, #tpu.memory_space<vmem>>, %arg7: memref<1x128xf32, #tpu.memory_space<vmem>>, %arg8: memref<10000x128xf32, #tpu.memory_space<vmem>>) attributes {dimension_semantics = [], scalar_prefetch = 0 : i64, scratch_operands = 0 : i64, tpu.core_type = #tpu.core_type<tc>} {
    %get3A = arith.constant 0 : index
    %get3A_0 = arith.constant 0 : index
    %get3A_1 = arith.constant 0 : index
    %get3A_2 = vector.load %arg1[%get3A, %get3A_0, %get3A_1] : memref<2x10240x128xf32, #tpu.memory_space<vmem>>, vector<1x10000x1xf32>
    %get3A_3 = vector.shape_cast %get3A_2 : vector<1x10000x1xf32> to vector<10000x1xf32>
    %get3A_4 = arith.constant 1 : index
    %get3A_5 = arith.constant 0 : index
    %get3A_6 = arith.constant 0 : index
    %get3A_7 = vector.load %arg1[%get3A_4, %get3A_5, %get3A_6] : memref<2x10240x128xf32, #tpu.memory_space<vmem>>, vector<1x10000x1xf32>
    %get3A_8 = vector.shape_cast %get3A_7 : vector<1x10000x1xf32> to vector<10000x1xf32>
    %add3A = arith.addf %get3A_3, %get3A_8 : vector<10000x1xf32>
    %max3A = arith.constant 1.000000e+00 : f32
    %max3A_9 = vector.broadcast %max3A : f32 to vector<10000x1xf32>
    %max3A_10 = arith.maximumf %add3A, %max3A_9 : vector<10000x1xf32>
    %div3A = arith.constant 1.000000e+00 : f32
    %div3A_11 = vector.broadcast %div3A : f32 to vector<10000x1xf32>
    %div3A_12 = arith.divf %div3A_11, %max3A_10 : vector<10000x1xf32>
    %get3A_13 = arith.constant 0 : index
    %get3A_14 = arith.constant 0 : index
    %get3A_15 = arith.constant 0 : index
    %get3A_16 = vector.load %arg0[%get3A_13, %get3A_14, %get3A_15] : memref<2x10240x128xf32, #tpu.memory_space<vmem>>, vector<1x10000x128xf32>
    %get3A_17 = vector.shape_cast %get3A_16 : vector<1x10000x128xf32> to vector<10000x128xf32>
    %get3A_18 = arith.constant 1 : index
    %get3A_19 = arith.constant 0 : index
    %get3A_20 = arith.constant 0 : index
    %get3A_21 = vector.load %arg0[%get3A_18, %get3A_19, %get3A_20] : memref<2x10240x128xf32, #tpu.memory_space<vmem>>, vector<1x10000x128xf32>
    %get3A_22 = vector.shape_cast %get3A_21 : vector<1x10000x128xf32> to vector<10000x128xf32>
    %add3A_23 = arith.addf %get3A_17, %get3A_22 : vector<10000x128xf32>
    %mul3A = vector.broadcast %div3A_12 : vector<10000x1xf32> to vector<10000x128xf32>
    %mul3A_24 = arith.mulf %add3A_23, %mul3A : vector<10000x128xf32>
    %get3A_25 = arith.constant 0 : index
    %get3A_26 = arith.constant 0 : index
    %get3A_27 = vector.load %arg3[%get3A_25, %get3A_26] : memref<128x128xf32, #tpu.memory_space<vmem>>, vector<128x128xf32>
    %dot_general3A = arith.constant dense<0.000000e+00> : vector<10000x128xf32>
    %dot_general3A_28 = tpu.matmul %mul3A_24, %get3A_27, %dot_general3A {dimension_numbers = #tpu.dot_dimension_numbers<[1], [0], [0], [1], [0, 0, 1, 1], [], []>, transpose_lhs_hint = false} : vector<10000x128xf32>, vector<128x128xf32>, vector<10000x128xf32> -> vector<10000x128xf32>
    %get3A_29 = arith.constant 0 : index
    %get3A_30 = arith.constant 0 : index
    %get3A_31 = vector.load %arg2[%get3A_29, %get3A_30] : memref<10000x128xf32, #tpu.memory_space<vmem>>, vector<10000x128xf32>
    %get3A_32 = arith.constant 0 : index
    %get3A_33 = arith.constant 0 : index
    %get3A_34 = vector.load %arg4[%get3A_32, %get3A_33] : memref<128x128xf32, #tpu.memory_space<vmem>>, vector<128x128xf32>
    %dot_general3A_35 = arith.constant dense<0.000000e+00> : vector<10000x128xf32>
    %dot_general3A_36 = tpu.matmul %get3A_31, %get3A_34, %dot_general3A_35 {dimension_numbers = #tpu.dot_dimension_numbers<[1], [0], [0], [1], [0, 0, 1, 1], [], []>, transpose_lhs_hint = false} : vector<10000x128xf32>, vector<128x128xf32>, vector<10000x128xf32> -> vector<10000x128xf32>
    %add3A_37 = arith.addf %dot_general3A_28, %dot_general3A_36 : vector<10000x128xf32>
    %get3A_38 = arith.constant 0 : index
    %get3A_39 = arith.constant 0 : index
    %get3A_40 = vector.load %arg5[%get3A_38, %get3A_39] : memref<1x128xf32, #tpu.memory_space<vmem>>, vector<1x128xf32>
    %add3A_41 = vector.broadcast %get3A_40 : vector<1x128xf32> to vector<10000x128xf32>
    %add3A_42 = arith.addf %add3A_37, %add3A_41 : vector<10000x128xf32>
    %reduce_sum3A = arith.constant dense<0.000000e+00> : vector<128xf32>
    %reduce_sum3A_43 = vector.multi_reduction <add>, %add3A_42, %reduce_sum3A [0] : vector<10000x128xf32> to vector<128xf32>
    %broadcast_in_dim3A = vector.shape_cast %reduce_sum3A_43 : vector<128xf32> to vector<1x128xf32>
    %div3A_44 = arith.constant 1.000000e+04 : f32
    %div3A_45 = vector.broadcast %div3A_44 : f32 to vector<1x128xf32>
    %div3A_46 = arith.divf %broadcast_in_dim3A, %div3A_45 : vector<1x128xf32>
    %sub3A = vector.broadcast %div3A_46 : vector<1x128xf32> to vector<10000x128xf32>
    %sub3A_47 = arith.subf %add3A_42, %sub3A : vector<10000x128xf32>
    %integer_pow3A = arith.mulf %sub3A_47, %sub3A_47 : vector<10000x128xf32>
    %reduce_sum3A_48 = arith.constant dense<0.000000e+00> : vector<128xf32>
    %reduce_sum3A_49 = vector.multi_reduction <add>, %integer_pow3A, %reduce_sum3A_48 [0] : vector<10000x128xf32> to vector<128xf32>
    %broadcast_in_dim3A_50 = vector.shape_cast %reduce_sum3A_49 : vector<128xf32> to vector<1x128xf32>
    %div3A_51 = arith.constant 1.000000e+04 : f32
    %div3A_52 = vector.broadcast %div3A_51 : f32 to vector<1x128xf32>
    %div3A_53 = arith.divf %broadcast_in_dim3A_50, %div3A_52 : vector<1x128xf32>
    %sub3A_54 = vector.broadcast %div3A_46 : vector<1x128xf32> to vector<10000x128xf32>
    %sub3A_55 = arith.subf %add3A_42, %sub3A_54 : vector<10000x128xf32>
    %add3A_56 = arith.constant 9.99999974E-6 : f32
    %add3A_57 = vector.broadcast %add3A_56 : f32 to vector<1x128xf32>
    %add3A_58 = arith.addf %div3A_53, %add3A_57 : vector<1x128xf32>
    %sqrt3A = math.sqrt %add3A_58 : vector<1x128xf32>
    %div3A_59 = vector.broadcast %sqrt3A : vector<1x128xf32> to vector<10000x128xf32>
    %div3A_60 = arith.divf %sub3A_55, %div3A_59 : vector<10000x128xf32>
    %get3A_61 = arith.constant 0 : index
    %get3A_62 = arith.constant 0 : index
    %get3A_63 = vector.load %arg6[%get3A_61, %get3A_62] : memref<1x128xf32, #tpu.memory_space<vmem>>, vector<1x128xf32>
    %mul3A_64 = vector.broadcast %get3A_63 : vector<1x128xf32> to vector<10000x128xf32>
    %mul3A_65 = arith.mulf %div3A_60, %mul3A_64 : vector<10000x128xf32>
    %get3A_66 = arith.constant 0 : index
    %get3A_67 = arith.constant 0 : index
    %get3A_68 = vector.load %arg7[%get3A_66, %get3A_67] : memref<1x128xf32, #tpu.memory_space<vmem>>, vector<1x128xf32>
    %add3A_69 = vector.broadcast %get3A_68 : vector<1x128xf32> to vector<10000x128xf32>
    %add3A_70 = arith.addf %mul3A_65, %add3A_69 : vector<10000x128xf32>
    %max3A_71 = arith.constant 0.000000e+00 : f32
    %max3A_72 = vector.broadcast %max3A_71 : f32 to vector<10000x128xf32>
    %max3A_73 = arith.maximumf %add3A_70, %max3A_72 : vector<10000x128xf32>
    %swap3A = arith.constant 0 : index
    %swap3A_74 = arith.constant 0 : index
    %swap3A_75 = vector.load %arg8[%swap3A, %swap3A_74] : memref<10000x128xf32, #tpu.memory_space<vmem>>, vector<10000x128xf32>
    tpu.vector_store %arg8[%swap3A, %swap3A_74], %max3A_73 {strides = array<i32>} : memref<10000x128xf32, #tpu.memory_space<vmem>>, vector<10000x128xf32>,
    return
  }
}

module attributes {stable_mosaic.version = 14 : i64} {
  func.func @_tc_last_body(%arg0: memref<2x10240x128xf32, #tpu.memory_space<vmem>>, %arg1: memref<2x10240x128xf32, #tpu.memory_space<vmem>>, %arg2: memref<10000x128xf32, #tpu.memory_space<vmem>>, %arg3: memref<128x128xf32, #tpu.memory_space<vmem>>, %arg4: memref<128x128xf32, #tpu.memory_space<vmem>>, %arg5: memref<1x128xf32, #tpu.memory_space<vmem>>, %arg6: memref<1x128xf32, #tpu.memory_space<vmem>>, %arg7: memref<1x128xf32, #tpu.memory_space<vmem>>, %arg8: memref<128x320xf32, #tpu.memory_space<vmem>>, %arg9: memref<1x320xf32, #tpu.memory_space<vmem>>, %arg10: memref<320x8xf32, #tpu.memory_space<vmem>>, %arg11: memref<1x8xf32, #tpu.memory_space<vmem>>, %arg12: memref<10000x8xf32, #tpu.memory_space<vmem>>) attributes {dimension_semantics = [], scalar_prefetch = 0 : i64, scratch_operands = 0 : i64, tpu.core_type = #tpu.core_type<tc>} {
    %get3A = arith.constant 0 : index
    %get3A_0 = arith.constant 0 : index
    %get3A_1 = arith.constant 0 : index
    %get3A_2 = vector.load %arg1[%get3A, %get3A_0, %get3A_1] : memref<2x10240x128xf32, #tpu.memory_space<vmem>>, vector<1x10000x1xf32>
    %get3A_3 = vector.shape_cast %get3A_2 : vector<1x10000x1xf32> to vector<10000x1xf32>
    %get3A_4 = arith.constant 1 : index
    %get3A_5 = arith.constant 0 : index
    %get3A_6 = arith.constant 0 : index
    %get3A_7 = vector.load %arg1[%get3A_4, %get3A_5, %get3A_6] : memref<2x10240x128xf32, #tpu.memory_space<vmem>>, vector<1x10000x1xf32>
    %get3A_8 = vector.shape_cast %get3A_7 : vector<1x10000x1xf32> to vector<10000x1xf32>
    %add3A = arith.addf %get3A_3, %get3A_8 : vector<10000x1xf32>
    %max3A = arith.constant 1.000000e+00 : f32
    %max3A_9 = vector.broadcast %max3A : f32 to vector<10000x1xf32>
    %max3A_10 = arith.maximumf %add3A, %max3A_9 : vector<10000x1xf32>
    %div3A = arith.constant 1.000000e+00 : f32
    %div3A_11 = vector.broadcast %div3A : f32 to vector<10000x1xf32>
    %div3A_12 = arith.divf %div3A_11, %max3A_10 : vector<10000x1xf32>
    %get3A_13 = arith.constant 0 : index
    %get3A_14 = arith.constant 0 : index
    %get3A_15 = arith.constant 0 : index
    %get3A_16 = vector.load %arg0[%get3A_13, %get3A_14, %get3A_15] : memref<2x10240x128xf32, #tpu.memory_space<vmem>>, vector<1x10000x128xf32>
    %get3A_17 = vector.shape_cast %get3A_16 : vector<1x10000x128xf32> to vector<10000x128xf32>
    %get3A_18 = arith.constant 1 : index
    %get3A_19 = arith.constant 0 : index
    %get3A_20 = arith.constant 0 : index
    %get3A_21 = vector.load %arg0[%get3A_18, %get3A_19, %get3A_20] : memref<2x10240x128xf32, #tpu.memory_space<vmem>>, vector<1x10000x128xf32>
    %get3A_22 = vector.shape_cast %get3A_21 : vector<1x10000x128xf32> to vector<10000x128xf32>
    %add3A_23 = arith.addf %get3A_17, %get3A_22 : vector<10000x128xf32>
    %mul3A = vector.broadcast %div3A_12 : vector<10000x1xf32> to vector<10000x128xf32>
    %mul3A_24 = arith.mulf %add3A_23, %mul3A : vector<10000x128xf32>
    %get3A_25 = arith.constant 0 : index
    %get3A_26 = arith.constant 0 : index
    %get3A_27 = vector.load %arg3[%get3A_25, %get3A_26] : memref<128x128xf32, #tpu.memory_space<vmem>>, vector<128x128xf32>
    %dot_general3A = arith.constant dense<0.000000e+00> : vector<10000x128xf32>
    %dot_general3A_28 = tpu.matmul %mul3A_24, %get3A_27, %dot_general3A {dimension_numbers = #tpu.dot_dimension_numbers<[1], [0], [0], [1], [0, 0, 1, 1], [], []>, transpose_lhs_hint = false} : vector<10000x128xf32>, vector<128x128xf32>, vector<10000x128xf32> -> vector<10000x128xf32>
    %get3A_29 = arith.constant 0 : index
    %get3A_30 = arith.constant 0 : index
    %get3A_31 = vector.load %arg2[%get3A_29, %get3A_30] : memref<10000x128xf32, #tpu.memory_space<vmem>>, vector<10000x128xf32>
    %get3A_32 = arith.constant 0 : index
    %get3A_33 = arith.constant 0 : index
    %get3A_34 = vector.load %arg4[%get3A_32, %get3A_33] : memref<128x128xf32, #tpu.memory_space<vmem>>, vector<128x128xf32>
    %dot_general3A_35 = arith.constant dense<0.000000e+00> : vector<10000x128xf32>
    %dot_general3A_36 = tpu.matmul %get3A_31, %get3A_34, %dot_general3A_35 {dimension_numbers = #tpu.dot_dimension_numbers<[1], [0], [0], [1], [0, 0, 1, 1], [], []>, transpose_lhs_hint = false} : vector<10000x128xf32>, vector<128x128xf32>, vector<10000x128xf32> -> vector<10000x128xf32>
    %add3A_37 = arith.addf %dot_general3A_28, %dot_general3A_36 : vector<10000x128xf32>
    %get3A_38 = arith.constant 0 : index
    %get3A_39 = arith.constant 0 : index
    %get3A_40 = vector.load %arg5[%get3A_38, %get3A_39] : memref<1x128xf32, #tpu.memory_space<vmem>>, vector<1x128xf32>
    %add3A_41 = vector.broadcast %get3A_40 : vector<1x128xf32> to vector<10000x128xf32>
    %add3A_42 = arith.addf %add3A_37, %add3A_41 : vector<10000x128xf32>
    %reduce_sum3A = arith.constant dense<0.000000e+00> : vector<128xf32>
    %reduce_sum3A_43 = vector.multi_reduction <add>, %add3A_42, %reduce_sum3A [0] : vector<10000x128xf32> to vector<128xf32>
    %broadcast_in_dim3A = vector.shape_cast %reduce_sum3A_43 : vector<128xf32> to vector<1x128xf32>
    %div3A_44 = arith.constant 1.000000e+04 : f32
    %div3A_45 = vector.broadcast %div3A_44 : f32 to vector<1x128xf32>
    %div3A_46 = arith.divf %broadcast_in_dim3A, %div3A_45 : vector<1x128xf32>
    %sub3A = vector.broadcast %div3A_46 : vector<1x128xf32> to vector<10000x128xf32>
    %sub3A_47 = arith.subf %add3A_42, %sub3A : vector<10000x128xf32>
    %integer_pow3A = arith.mulf %sub3A_47, %sub3A_47 : vector<10000x128xf32>
    %reduce_sum3A_48 = arith.constant dense<0.000000e+00> : vector<128xf32>
    %reduce_sum3A_49 = vector.multi_reduction <add>, %integer_pow3A, %reduce_sum3A_48 [0] : vector<10000x128xf32> to vector<128xf32>
    %broadcast_in_dim3A_50 = vector.shape_cast %reduce_sum3A_49 : vector<128xf32> to vector<1x128xf32>
    %div3A_51 = arith.constant 1.000000e+04 : f32
    %div3A_52 = vector.broadcast %div3A_51 : f32 to vector<1x128xf32>
    %div3A_53 = arith.divf %broadcast_in_dim3A_50, %div3A_52 : vector<1x128xf32>
    %sub3A_54 = vector.broadcast %div3A_46 : vector<1x128xf32> to vector<10000x128xf32>
    %sub3A_55 = arith.subf %add3A_42, %sub3A_54 : vector<10000x128xf32>
    %add3A_56 = arith.constant 9.99999974E-6 : f32
    %add3A_57 = vector.broadcast %add3A_56 : f32 to vector<1x128xf32>
    %add3A_58 = arith.addf %div3A_53, %add3A_57 : vector<1x128xf32>
    %sqrt3A = math.sqrt %add3A_58 : vector<1x128xf32>
    %div3A_59 = vector.broadcast %sqrt3A : vector<1x128xf32> to vector<10000x128xf32>
    %div3A_60 = arith.divf %sub3A_55, %div3A_59 : vector<10000x128xf32>
    %get3A_61 = arith.constant 0 : index
    %get3A_62 = arith.constant 0 : index
    %get3A_63 = vector.load %arg6[%get3A_61, %get3A_62] : memref<1x128xf32, #tpu.memory_space<vmem>>, vector<1x128xf32>
    %mul3A_64 = vector.broadcast %get3A_63 : vector<1x128xf32> to vector<10000x128xf32>
    %mul3A_65 = arith.mulf %div3A_60, %mul3A_64 : vector<10000x128xf32>
    %get3A_66 = arith.constant 0 : index
    %get3A_67 = arith.constant 0 : index
    %get3A_68 = vector.load %arg7[%get3A_66, %get3A_67] : memref<1x128xf32, #tpu.memory_space<vmem>>, vector<1x128xf32>
    %add3A_69 = vector.broadcast %get3A_68 : vector<1x128xf32> to vector<10000x128xf32>
    %add3A_70 = arith.addf %mul3A_65, %add3A_69 : vector<10000x128xf32>
    %max3A_71 = arith.constant 0.000000e+00 : f32
    %max3A_72 = vector.broadcast %max3A_71 : f32 to vector<10000x128xf32>
    %max3A_73 = arith.maximumf %add3A_70, %max3A_72 : vector<10000x128xf32>
    %get3A_74 = arith.constant 0 : index
    %get3A_75 = arith.constant 0 : index
    %get3A_76 = vector.load %arg8[%get3A_74, %get3A_75] : memref<128x320xf32, #tpu.memory_space<vmem>>, vector<128x320xf32>
    %dot_general3A_77 = arith.constant dense<0.000000e+00> : vector<10000x320xf32>
    %dot_general3A_78 = tpu.matmul %max3A_73, %get3A_76, %dot_general3A_77 {dimension_numbers = #tpu.dot_dimension_numbers<[1], [0], [0], [1], [0, 0, 1, 1], [], []>, transpose_lhs_hint = false} : vector<10000x128xf32>, vector<128x320xf32>, vector<10000x320xf32> -> vector<10000x320xf32>
    %get3A_79 = arith.constant 0 : index
    %get3A_80 = arith.constant 0 : index
    %get3A_81 = vector.load %arg9[%get3A_79, %get3A_80] : memref<1x320xf32, #tpu.memory_space<vmem>>, vector<1x320xf32>
    %add3A_82 = vector.broadcast %get3A_81 : vector<1x320xf32> to vector<10000x320xf32>
    %add3A_83 = arith.addf %dot_general3A_78, %add3A_82 : vector<10000x320xf32>
    %max3A_84 = arith.constant 0.000000e+00 : f32
    %max3A_85 = vector.broadcast %max3A_84 : f32 to vector<10000x320xf32>
    %max3A_86 = arith.maximumf %add3A_83, %max3A_85 : vector<10000x320xf32>
    %get3A_87 = arith.constant 0 : index
    %get3A_88 = arith.constant 0 : index
    %get3A_89 = vector.load %arg10[%get3A_87, %get3A_88] : memref<320x8xf32, #tpu.memory_space<vmem>>, vector<320x8xf32>
    %dot_general3A_90 = arith.constant dense<0.000000e+00> : vector<10000x8xf32>
    %dot_general3A_91 = tpu.matmul %max3A_86, %get3A_89, %dot_general3A_90 {dimension_numbers = #tpu.dot_dimension_numbers<[1], [0], [0], [1], [0, 0, 1, 1], [], []>, transpose_lhs_hint = false} : vector<10000x320xf32>, vector<320x8xf32>, vector<10000x8xf32> -> vector<10000x8xf32>
    %get3A_92 = arith.constant 0 : index
    %get3A_93 = arith.constant 0 : index
    %get3A_94 = vector.load %arg11[%get3A_92, %get3A_93] : memref<1x8xf32, #tpu.memory_space<vmem>>, vector<1x8xf32>
    %add3A_95 = vector.broadcast %get3A_94 : vector<1x8xf32> to vector<10000x8xf32>
    %add3A_96 = arith.addf %dot_general3A_91, %add3A_95 : vector<10000x8xf32>
    %logistic3A = arith.negf %add3A_96 : vector<10000x8xf32>
    %logistic3A_97 = math.exp %logistic3A : vector<10000x8xf32>
    %logistic3A_98 = arith.constant 1.000000e+00 : f32
    %logistic3A_99 = vector.broadcast %logistic3A_98 : f32 to vector<10000x8xf32>
    %logistic3A_100 = arith.addf %logistic3A_99, %logistic3A_97 : vector<10000x8xf32>
    %logistic3A_101 = arith.divf %logistic3A_99, %logistic3A_100 : vector<10000x8xf32>
    %swap3A = arith.constant 0 : index
    %swap3A_102 = arith.constant 0 : index
    %swap3A_103 = vector.load %arg12[%swap3A, %swap3A_102] : memref<10000x8xf32, #tpu.memory_space<vmem>>, vector<10000x8xf32>
    tpu.vector_store %arg12[%swap3A, %swap3A_102], %logistic3A_101 {strides = array<i32>} : memref<10000x8xf32, #tpu.memory_space<vmem>>, vector<10000x8xf32>,
    return
  }
}

</mosaic_0001>

<sc_bundles>
// kernel: kernel.11.cloned.1.call-start
scs
__scs_entry_jumppad:
0x0: {  	(pc) =	sbr.rel $0x88, $3  }
0x1: {  	(tag) =	ssettag $0x0;
	lr =	simm.s32 $0x1  }
0x2: {  	[smem:$0x3F96] =	sst lr;
	_ =	strace $0xD0000000  }
0x3: {  	_ = 	snop  }
0x4: {  	_ = 	snop  }
0x5: {  	_ = 	snop  }
0x6: {  	_ = 	snop  }
0x7: {  	_ = 	snop  }
__scs_overlays_trampoline_lowered:
0x8: {  	[smem:$0x3FA5] =	sst s0  }
0x9: {  	[smem:$0x3FA6] =	sst s1  }
0xa: {  	[smem:$0x3FA7] =	sst s2  }
0xb: {  	[smem:$0x3FA8] =	sst s3  }
0xc: {  	[smem:$0x3FA9] =	sst s4  }
0xd: {  	[smem:$0x3FAA] =	sst s5  }
0xe: {  	[smem:$0x3FAB] =	sst s6  }
0xf: {  	[smem:$0x3FAC] =	sst s7  }
0x10: {  	[smem:$0x3FAD] =	sst s8  }
0x11: {  	[smem:$0x3FAE] =	sst s9;
	s0 =	simm.s32 @!p0 $0x0  }
0x12: {  	s1 =	sld [smem:$0x3F94];
	s0 =	simm.s32 @p0 $0x1  }
0x13: {  	[smem:$0x3FAF] =	sst s0;
	s0 =	simm.s32 @!p1 $0x0  }
0x14: {  	s2 =	sld [smem:$0x3F93];
	s0 =	simm.s32 @p1 $0x1  }
0x15: {  	[smem:$0x3FB0] =	sst s0;
	s0 =	simm.s32 @!p2 $0x0  }
0x16: {  	s3 =	sld [smem:$0x3FDB];
	s0 =	simm.s32 @p2 $0x1  }
0x17: {  	s4 =	simm.s32 $0x1BF5;
	[smem:$0x3FB2] =	sst s0  }
0x18: {  	s0 =	sld [smem:$0x3F95];
	_ =	swait.ge [sflag:s4], $0x0  }
0x19: {  	s7 =	sld [smem:$0x3F96]  }
0x1a: {  	s8 =	sadd.s32 $0xFFFFE003, lr  }
0x1b: {  	s9 =	sadd.s32 $0xFFFFFEF7, lr;
	s5 =	simm.s32 $0xFFFFFFFF;
	p2 =	slt.u32 s8, $0xFFFFF086  }
0x1c: {  	p1 =	slt.u32 s9, $0xF7A;
	s5 =	simm.s32 @!p2 $0x0  }
0x1d: {  	s5 =	simm.s32 @p1 $0x1;
	p0 =	seq.s32 s7, s2  }
0x1e: {  	s7 =	smul.u32 @!p0 $0xF7A, s2;
	p2 =	seq.s32 @!p0 s5, $0x0  }
0x1f: {  	s9 =	smul.u32 $0xF7A, s1;
	s8 =	simm.s32 @!p0 $0x1BF5;
	p2 =	por !p2, p0  }
0x20: {  	[sflag:s8] =	ssyncset.s32 @!p0 $0xFFFFF086;
	s6 =	sadd.s32 @!p0 s3, s7;
	s7 =	simm.s32 @!p0 $0x108  }
0x21: {  	s3 =	sadd.s32 s3, s9;
	s6 =	sadd.s32 @!p0 $0x88, s6;
	s7 =	simm.s32 @p2 $0x1082  }
0x22: {  	[simem:s7], [sflag:s8] =	dma.local @!p0 [hbm:s6], $0xF7A  }
0x23: {  	s9 =	sor.u32 $0xD0000000, s2;
	s6 =	simm.s32 $0x108;
	_ =	swait.ge @!p0 [sflag:s8], $0x0  }
0x24: {  	s3 =	sadd.s32 $0x88, s3;
	s6 =	simm.s32 @!p1 $0x1082;
	[sflag:s4] =	ssyncset.s32 $0xFFFFF086  }
0x25: {  	[simem:s6], [sflag:s4] =	dma.local [hbm:s3], $0xF7A  }
0x26: {  	[smem:$0x3F96] =	sst s1;
	(tag) =	ssettag s2;
	_ =	strace s9  }
0x27: {  	s1 =	sld [smem:$0x3FA6]  }
0x28: {  	s2 =	sld [smem:$0x3FA7]  }
0x29: {  	s4 =	sld [smem:$0x3FA9]  }
0x2a: {  	p0 =	seq.s32 s5, $0x0;
	s5 =	sld [smem:$0x3FAA]  }
0x2b: {  	s6 =	sld [smem:$0x3FAB]  }
0x2c: {  	s7 =	sld [smem:$0x3FAC]  }
0x2d: {  	s3 =	simm.s32 $0x108;
	s8 =	sld [smem:$0x3FAD]  }
0x2e: {  	s3 =	simm.s32 @!p0 $0x1082;
	s9 =	sld [smem:$0x3FAE]  }
0x2f: {  	lr =	sadd.s32 s0, s3;
	s0 =	sld [smem:$0x3FA5]  }
0x30: {  	s3 =	sld [smem:$0x3FA8]  }
0x31: {  	[smem:$0x3FB1] =	sst s10  }
0x32: {  	s10 =	sld [smem:$0x3FAF];
	_ =	sdelay $0x3  }
0x33: {  	p0 =	seq.s32 s10, $0x1;
	s10 =	sld [smem:$0x3FB1];
	_ =	sdelay $0x3  }
0x34: {  	[smem:$0x3FB1] =	sst s10  }
0x35: {  	s10 =	sld [smem:$0x3FB0];
	_ =	sdelay $0x3  }
0x36: {  	p1 =	seq.s32 s10, $0x1;
	s10 =	sld [smem:$0x3FB1];
	_ =	sdelay $0x3  }
0x37: {  	[smem:$0x3FB1] =	sst s10  }
0x38: {  	s10 =	sld [smem:$0x3FB2]  }
0x39: {  	_ = 	snop;
	(pc) =	sbr.ind lr, $3  }
0x3a: {  	_ = 	snop  }
0x3b: {  	_ = 	snop  }
0x3c: {  	p2 =	seq.s32 s10, $0x1;
	s10 =	sld [smem:$0x3FB1]  }
0x3d: {  	_ =	shalt  }
0x3e: {  	_ =	shalt  }
0x3f: {  	_ =	shalt  }
0x40: {  	_ =	shalt  }
0x41: {  	_ =	shalt  }
0x42: {  	_ =	shalt  }
0x43: {  	_ =	shalt  }
0x44: {  	_ =	shalt  }
0x45: {  	_ =	shalt  }
0x46: {  	_ =	shalt  }
0x47: {  	_ =	shalt  }
0x48: {  	_ =	shalt  }
0x49: {  	_ =	shalt  }
0x4a: {  	_ =	shalt  }
0x4b: {  	_ =	shalt  }
0x4c: {  	_ =	shalt  }
0x4d: {  	_ =	shalt  }
0x4e: {  	_ =	shalt  }
0x4f: {  	_ =	shalt  }
0x50: {  	_ =	shalt  }
0x51: {  	_ =	shalt  }
0x52: {  	_ =	shalt  }
0x53: {  	_ =	shalt  }
0x54: {  	_ =	shalt  }
0x55: {  	_ =	shalt  }
0x56: {  	_ =	shalt  }
0x57: {  	_ =	shalt  }
0x58: {  	_ =	shalt  }
0x59: {  	_ =	shalt  }
0x5a: {  	_ =	shalt  }
0x5b: {  	_ =	shalt  }
0x5c: {  	_ =	shalt  }
0x5d: {  	_ =	shalt  }
0x5e: {  	_ =	shalt  }
0x5f: {  	_ =	shalt  }
0x60: {  	_ =	shalt  }
0x61: {  	_ =	shalt  }
0x62: {  	_ =	shalt  }
0x63: {  	_ =	shalt  }
0x64: {  	_ =	shalt  }
0x65: {  	_ =	shalt  }
0x66: {  	_ =	shalt  }
0x67: {  	_ =	shalt  }
0x68: {  	_ =	shalt  }
0x69: {  	_ =	shalt  }
0x6a: {  	_ =	shalt  }
0x6b: {  	_ =	shalt  }
0x6c: {  	_ =	shalt  }
0x6d: {  	_ =	shalt  }
0x6e: {  	_ =	shalt  }
0x6f: {  	_ =	shalt  }
0x70: {  	_ =	shalt  }
0x71: {  	_ =	shalt  }
0x72: {  	_ =	shalt  }
0x73: {  	_ =	shalt  }
0x74: {  	_ =	shalt  }
0x75: {  	_ =	shalt  }
0x76: {  	_ =	shalt  }
0x77: {  	_ =	shalt  }
0x78: {  	_ =	shalt  }
0x79: {  	_ =	shalt  }
0x7a: {  	_ =	shalt  }
0x7b: {  	_ =	shalt  }
0x7c: {  	_ =	shalt  }
0x7d: {  	_ =	shalt  }
0x7e: {  	_ =	shalt  }
0x7f: {  	_ =	shalt  }
0x80: {  	_ =	shalt  }
0x81: {  	_ =	shalt  }
0x82: {  	_ =	shalt  }
0x83: {  	_ =	shalt  }
0x84: {  	_ =	shalt  }
0x85: {  	_ =	shalt  }
0x86: {  	_ =	shalt  }
0x87: {  	_ =	shalt  }
.Lfunc_end0:
.L_simem_size_0:
called_computation_lowered:
.L_overlay_start_0:
0x88: {  	s2 =	sld [smem:$0x3FD9]  }
0x89: {  	s3 =	sld [smem:$0x3FFE];
	_ =	sdelay $0x1  }
0x8a: {  	s1 =	srdreg.scid  }
0x8b: {  	s0 =	sand.u32 $0x1, s1  }
0x8c: {  	s17 =	sshll.u32 s0, $0xA;
	s2 =	sadd.s32 s3, s2  }
0x8d: {  	s2 =	sadd.s32 s2, s17  }
0x8e: {  	[smem:$0x3FBD] =	sst s2  }
0x8f: {  	_ = 	snop  }
0x90: {  	(tm) =	ssettm $0x1  }
0x91: {  	s18 =	sld [smem:$0x3FFB];
	_ =	sdelay $0x3  }
0x92: {  	_ =	strace s18  }
0x93: {  	s2 =	sld [smem:$0x3FFC];
	_ =	sdelay $0x3  }
0x94: {  	_ =	strace s2  }
0x95: {  	s2 =	sld [smem:$0x3FFD];
	_ =	sdelay $0x3  }
0x96: {  	_ =	strace s2  }
0x97: {  	_ =	strace $0x8FFFFFFF  }
0x98: {  	s19 =	sld [smem:$0x3FDB];
	_ =	sdelay $0x1  }
0x99: {  	s20 =	simm.s32 $_scs_section_size  }
0x9a: {  	s4 =	simm.s32 $_size__tile_overlayer_lowered;
	s5 =	simm.s32 $_tile_overlayer_lowered  }
0x9b: {  	s6 =	simm.s32 $0x1BFF;
	s21 =	sshll.u32 s5, $0x1;
	s3 =	sadd.s32 s20, s19  }
0x9c: {  	s22 =	simm.s32 $0x0;
	s4 =	sshll.u32 s4, $0x1;
	s5 =	sadd.s32 s21, s3  }
0x9d: {  	[timem:s22], [sflag:s6] =	dma.local [hbm:s5], s4  }
0x9e: {  	_ =	swait.ge [sflag:s6], s4  }
0x9f: {  	s4 =	ssub.s32 $0x0, s4;
	[sflag:s6] =	ssyncset.done $0x0  }
0xa0: {  	[sflag:s6] =	ssyncadd.s32 s4;
	_ =	sdelay $0x1  }
0xa1: {  	s23 =	simm.s32 $0x1B8B  }
0xa2: {  	_ =	swait.ge [sflag:s23], $0x1  }
0xa3: {  	[sflag:s23] =	ssyncset.done $0x0  }
0xa4: {  	[sflag:s23] =	ssyncadd.s32 $0xFFFFFFFF  }
0xa5: {  	s4 =	sld [smem:$0x0]  }
0xa6: {  	s5 =	sand.u32 $0xFFFFFFFE, s1  }
0xa7: {  	p0 =	sne.s32 s1, s5  }
0xa8: {  	s5 =	sshll.u32 @p0 s5, $0xE  }
0xa9: {  	s5 =	sadd.s32 @p0 $0x11B8D, s5;
	s6 =	sshll.u32 @p0 s4, $0x11  }
0xaa: {  	s5 =	sor.u32 @p0 s6, s5  }
0xab: {  	[sflag:s5] =	ssyncadd.remote.s32 @p0 $0x1;
	_ =	sdelay $0x1  }
0xac: {  	s5 =	simm.s32 @p0 $0x1B8D  }
0xad: {  	_ =	swait.eq @p0 [sflag:s5], $0x1  }
0xae: {  	[sflag:s5] =	ssyncadd.s32 @p0 $0xFFFFFFFF  }
0xaf: {  	s6 =	sshll.u32 @!p0 s1, $0xE  }
0xb0: {  	s6 =	sor.u32 @!p0 $0x4000, s6;
	s5 =	simm.s32 @!p0 $0x1B8D  }
0xb1: {  	s4 =	sshll.u32 @!p0 s4, $0x11;
	s6 =	sadd.s32 @!p0 $0x11B8D, s6;
	_ =	swait.eq @!p0 [sflag:s5], $0x1  }
0xb2: {  	s4 =	sor.u32 @!p0 s4, s6;
	[sflag:s5] =	ssyncadd.s32 @!p0 $0xFFFFFFFF  }
0xb3: {  	s25 =	simm.s32 $0x1B8E;
	s24 =	sld [smem:$0x3FFE];
	[sflag:s4] =	ssyncadd.remote.s32 @!p0 $0x1  }
0xb4: {  	s26 =	simm.s32 $execute0_lowered;
	[smem:$0x3FD2] =	sst s25  }
0xb5: {  	s5 =	sshll.u32 s26, $0x1;
	_ =	strace $0x80000049;
	[dreg:$0x1] =	wrdreg $0xFFFFFFFF  }
0xb6: {  	s28 =	simm.s32 $_size_execute0_lowered;
	s3 =	sadd.s32 s3, s5;
	[dreg:$0x0] =	wrdreg $0x0  }
0xb7: {  	s5 =	sshll.u32 s28, $0x1;
	[dreg:$0x2] =	wrdreg s3  }
0xb8: {  	[dreg:$0x3] =	wrdreg s5  }
0xb9: {  	[dreg:$0x4] =	wrdreg $0xC0  }
0xba: {  	_ =	task [dreg:s22], $0x5FFFF  }
0xbb: {  	[dreg:$0x1] =	wrdreg $0xFFFFFFFF  }
0xbc: {  	[dreg:$0x0] =	wrdreg $0x60  }
0xbd: {  	[dreg:$0x2] =	wrdreg s24  }
0xbe: {  	[dreg:$0x3] =	wrdreg $0xA8000  }
0xbf: {  	[dreg:$0x4] =	wrdreg $0x9  }
0xc0: {  	_ =	task.clear_ibuf [dreg:s22], $0x5FFFF;
	_ =	strace $0x90000049  }
0xc1: {  	s29 =	simm.s32 $0x9;
	_ =	strace $0x8000004B  }
0xc2: {  	_ =	swait.ge [sflag:s29], $0x1  }
0xc3: {  	[sflag:s29] =	ssyncadd.s32 $0xFFFFFFFF  }
0xc4: {  	_ =	strace $0x9000004B  }
0xc5: {  	_ =	sfence  }
0xc6: {  	s30 =	sld [smem:$0x0];
	_ =	sdelay $0x2  }
0xc7: {  	s31 =	sshll.u32 s1, $0xD;
	s1 =	sshrl.u32 s1, $0x2  }
0xc8: {  	s4 =	sand.u32 $0x4000, s31;
	s1 =	sadd.s32 s1, s30  }
0xc9: {  	s0 =	sor.u32 s4, s0;
	s1 =	sshll.u32 s1, $0x11  }
0xca: {  	s0 =	sor.u32 s1, s0  }
0xcb: {  	s0 =	sadd.s32 $0x8F2B, s0  }
0xcc: {  	[sflag:s0] =	ssyncadd.remote.s32 $0x1  }
0xcd: {  	_ =	sfence.sel $0xFFFF  }
0xce: {  	[dreg:$0x0] =	wrdreg $0xFFFFFFFF;
	(pc) =	sbr.abs _section_cstart, $3  }
0xcf: {  	[dreg:$0x1] =	wrdreg $0xFFFFFFFF  }
0xd0: {  	_ =	task.clear_ibuf [dreg:s22], $0x2FFFF;
	_ =	strace $0x9FFFFFFF  }
0xd1: {  	(tm) =	ssettm $0x7FFFFFFF  }
tec
execute0_lowered:
.L_overlay_start_1:
0x0: {  	(tag) =	ssettag $0x1  }
0x1: {  	s1 =	srdreg.scid;
	s5 =	rddreg [dreg:$0x0]  }
0x2: {  	s0 =	stileid.u32;
	s2 =	rddreg [dreg:$0x1];
	s3 =	simm.s32 $0x0  }
0x3: {  	s13 =	simm.s32 $0x1;
	s14 =	simm.s32 $0x80;
	s15 =	simm.s32 $0x2800  }
0x4: {  	s4 =	sand.u32 $0x1, s1;
	s26 =	sshll.u32 s0, $0x1;
	s8 =	smul.u32 $0x14000, s0  }
0x5: {  	[smem:$0x7FF] =	sst s3;
	s9 =	smul.u32 $0x50000, s0;
	s16 =	sshll.u32 s0, $0x6  }
0x6: {  	s1 =	sor.u32 s4, s26;
	s7 =	smul.u32 $0x140000, s4;
	s29 =	ssub.s32 $0x2, s4  }
0x7: {  	s16 =	sor.u32 $0x1C01, s16;
	s6 =	smul.u32 $0x500, s1;
	s1 =	rddreg [dreg:$0x2]  }
0x8: {  	_ =	strace $0x8000004A;
	s30 =	sshrl.u32 s9, $0x2;
	s31 =	sshrl.u32 s29, $0x1  }
0x9: {  	s28 =	sadd.s32 s8, s7;
	s4 =	sadd.s32 s30, s2;
	s12 =	ssub.s32 s29, s31  }
0xa: {  	s10 =	sadd.s32 s6, s5;
	s6 =	sshrl.u32 s28, $0x3;
	s7 =	sadd.s32 $0xC000, s4  }
0xb: {  	s8 =	sadd.s32 $0x10000, s4;
	s17 =	sshrl.u32 s4, $0x3;
	s11 =	sadd.s32 s6, s5  }
0xc: {  	s5 =	sadd.s32 $0x4000, s4;
	s6 =	sadd.s32 $0x8000, s4;
	s9 =	sadd.s32 $0x4200, s10  }
0xd: {  	v0 =	vimm.f32 $0.0e+00;
	v1 =	vimm.f32 $1.000000000e+00;
	s10 =	sadd.s32 $0x68200, s11;
	s11 =	smax.u32 s12, $0x1;
	s12 =	simm.s32 $0x6800  }
.LBB2_1:
0xe: {  	s18 =	simm.s32 $0x0;
	s19 =	simm.s32 $0x200  }
.LBB2_2:
0xf: {  	p0 =	sne.s32 s19, $0xFE00;
	[tilespmem:s18+$0x6870] =	vst v0  }
0x10: {  	[tilespmem:s18+$0x6800] =	vst v0  }
0x11: {  	[tilespmem:s18+$0x6810] =	vst v0  }
.Ltmp0:
0x12: {  	[tilespmem:s18+$0x6820] =	vst v0;
	(pc) =	sbr.rel @p0 .LBB2_2-.Ltmp0, $4  }
0x13: {  	[tilespmem:s18+$0x6830] =	vst v0  }
0x14: {  	[tilespmem:s18+$0x6840] =	vst v0  }
0x15: {  	[tilespmem:s18+$0x6850] =	vst v0  }
0x16: {  	[tilespmem:s18+$0x6860] =	vst v0;
	s18 =	sshra.s32 s19, $0x2;
	s19 =	sadd.s32 $0x200, s19  }
0x17: {  	[tilespmem:s18+$0x6870] =	vst v0  }
0x18: {  	[tilespmem:s18+$0x6800] =	vst v0  }
0x19: {  	[tilespmem:s18+$0x6810] =	vst v0  }
0x1a: {  	[tilespmem:s18+$0x6820] =	vst v0  }
0x1b: {  	[tilespmem:s18+$0x6830] =	vst v0  }
0x1c: {  	[tilespmem:s18+$0x6840] =	vst v0  }
0x1d: {  	[tilespmem:s18+$0x6850] =	vst v0  }
0x1e: {  	[tilespmem:s18+$0x6860] =	vst v0;
	s18 =	simm.s32 $0x0;
	s19 =	simm.s32 $0x200  }
.LBB2_4:
0x1f: {  	p0 =	sne.s32 s19, $0xFE00;
	[tilespmem:s18+$0x2870] =	vst v1  }
0x20: {  	[tilespmem:s18+$0x2800] =	vst v1  }
0x21: {  	[tilespmem:s18+$0x2810] =	vst v1  }
.Ltmp1:
0x22: {  	[tilespmem:s18+$0x2820] =	vst v1;
	(pc) =	sbr.rel @p0 .LBB2_4-.Ltmp1, $4  }
0x23: {  	[tilespmem:s18+$0x2830] =	vst v1  }
0x24: {  	[tilespmem:s18+$0x2840] =	vst v1  }
0x25: {  	[tilespmem:s18+$0x2850] =	vst v1  }
0x26: {  	[tilespmem:s18+$0x2860] =	vst v1;
	s18 =	sshra.s32 s19, $0x2;
	s19 =	sadd.s32 $0x200, s19  }
0x27: {  	[tilespmem:s18+$0x2870] =	vst v1  }
0x28: {  	[tilespmem:s18+$0x2800] =	vst v1  }
0x29: {  	[tilespmem:s18+$0x2810] =	vst v1  }
0x2a: {  	[tilespmem:s18+$0x2820] =	vst v1  }
0x2b: {  	[tilespmem:s18+$0x2830] =	vst v1  }
0x2c: {  	[tilespmem:s18+$0x2840] =	vst v1  }
0x2d: {  	[tilespmem:s18+$0x2850] =	vst v1  }
0x2e: {  	[tilespmem:s18+$0x2860] =	vst v1  }
0x2f: {  	[spmem:s4] =	stream.linear.scatter [tilespmem:s12], [sflag:$0x1], $0x4000, $0x38;
	[tilespmem:$0x1E800] =	vst v63  }
0x30: {  	_ =	swait.ge [sflag:s13], $0x4000  }
0x31: {  	[sflag:s13] =	ssyncset.done $0x0  }
0x32: {  	[sflag:s13] =	ssyncadd.s32 $0xFFFFC000  }
0x33: {  	[spmem:s5] =	stream.linear.scatter [tilespmem:s12], [sflag:$0x1], $0x4000, $0x38;
	[tilespmem:$0x1E800] =	vst v63  }
0x34: {  	_ =	swait.ge [sflag:s13], $0x4000  }
0x35: {  	[sflag:s13] =	ssyncset.done $0x0  }
0x36: {  	[sflag:s13] =	ssyncadd.s32 $0xFFFFC000  }
0x37: {  	[spmem:s6] =	stream.linear.scatter [tilespmem:s12], [sflag:$0x1], $0x4000, $0x38;
	[tilespmem:$0x1E800] =	vst v63  }
0x38: {  	_ =	swait.ge [sflag:s13], $0x4000  }
0x39: {  	[sflag:s13] =	ssyncset.done $0x0  }
0x3a: {  	[sflag:s13] =	ssyncadd.s32 $0xFFFFC000  }
0x3b: {  	[spmem:s7] =	stream.linear.scatter [tilespmem:s12], [sflag:$0x1], $0x4000, $0x38;
	[tilespmem:$0x1E800] =	vst v63  }
0x3c: {  	_ =	swait.ge [sflag:s13], $0x4000  }
0x3d: {  	[sflag:s13] =	ssyncset.done $0x0  }
0x3e: {  	[sflag:s13] =	ssyncadd.s32 $0xFFFFC000  }
0x3f: {  	[spmem:s8] =	stream.linear.scatter [tilespmem:s12], [sflag:$0x1], $0x4000, $0x38;
	[tilespmem:$0x1E800] =	vst v63  }
0x40: {  	_ =	swait.ge [sflag:s13], $0x4000  }
0x41: {  	[sflag:s13] =	ssyncset.done $0x0  }
0x42: {  	[sflag:s13] =	ssyncadd.s32 $0xFFFFC000  }
0x43: {  	s30 =	simm.s32 $0x0;
	[bflag:$0x0] =	sbarrier.arrive $0xFFFF  }
0x44: {  	[tilespmem:s30], [sflag:$0x1] =	stream.linear.gather [hbm4b:s9+s30], $0x2780, $0x38;
	[tilespmem:$0x1E800] =	vst v63  }
0x45: {  	_ =	swait.ge [sflag:s13], $0x2780  }
0x46: {  	[sflag:s13] =	ssyncset.done $0x0  }
0x47: {  	s31 =	simm.s32 $0x0;
	[sflag:s13] =	ssyncadd.s32 $0xFFFFD880  }
0x48: {  	[spmem:s2] =	stream.indirect.scatter.add.f32 [tilespmem:s15], [sflag:$0x1], $0x80, s31, s14, $0xb8;
	[tilespmem:$0x1E800] =	vst v63  }
0x49: {  	_ =	swait.ge [sflag:s13], $0x4000  }
0x4a: {  	s18 =	simm.s32 $0x200;
	[sflag:s13] =	ssyncset.done $0x0  }
.LBB2_6:
0x4b: {  	s19 =	sshra.s32 s18, $0x2;
	[sflag:s13] =	ssyncadd.s32 $0xFFFFC000;
	p0 =	sne.s32 s18, $0x9C00  }
0x4c: {  	[spmem:s2] =	stream.indirect.scatter.add.f32 [tilespmem:s15], [sflag:$0x1], $0x80, s19, s14, $0xb8;
	[tilespmem:$0x1E800] =	vst v63  }
.Ltmp2:
0x4d: {  	_ = 	snop;
	(pc) =	sbr.rel @p0 .LBB2_6-.Ltmp2, $4  }
0x4e: {  	_ = 	snop  }
0x4f: {  	s18 =	sadd.s32 $0x200, s18  }
0x50: {  	_ =	swait.ge [sflag:s13], $0x4000  }
0x51: {  	[sflag:s13] =	ssyncset.done $0x0  }
0x52: {  	s3 =	sadd.s32 $0x1, s3  }
0x53: {  	[sflag:s13] =	ssyncadd.s32 $0xFFFFC000;
	p0 =	sne.s32 s3, s11  }
.Ltmp3:
0x54: {  	[bflag:$0x0] =	sbarrier.arrive $0xFFFF;
	(pc) =	sbr.rel @p0 .LBB2_1-.Ltmp3, $4  }
0x55: {  	[hbm:s10], [sflag:s16] =	dma.local [spmem:s17], $0x2800  }
0x56: {  	_ =	swait.ge [sflag:s13], $0x2800  }
0x57: {  	[sflag:s13] =	ssyncset.done $0x0  }
0x58: {  	[sflag:s13] =	ssyncadd.s32 $0xFFFFD800  }
0x59: {  	_ =	sfence.sel $0x180000  }
0x5a: {  	[bflag:$0x0] =	sbarrier.arrive $0xFFFF  }
0x5b: {  	p0 =	sne.s32 s0, $0x0;
	_ =	strace $0x9000004A  }
0x5c: {  	s0 =	sadd.s32 @!p0 $0x100000, s1;
	[bflag:$0x2] =	sbarrier.arrive $0xFFFF  }
0x5d: {  	[sflag:s0] =	ssyncadd.tile.s32 @!p0 $0x1;
	_ =	shalt  }
.Lfunc_end2:
_tile_overlayer_lowered:
.L_overlay_start_2:
0x5e: {  	(tag) =	ssettag $0x2  }
0x5f: {  	s0 =	rddreg [dreg:$0x0];
	s2 =	stileid.u32  }
0x60: {  	s1 =	rddreg [dreg:$0x1];
	p0 =	sne.s32 s2, $0x0  }
0x61: {  	s3 =	rddreg [dreg:$0x2];
	[bflag:$0x3] =	sbarrier.arrive $0xFFFF;
	s2 =	simm.s32 @!p0 $0x1C01  }
0x62: {  	[timem:s3], [sflag:s2] =	dma.local @!p0 [hbm:s0], s1  }
0x63: {  	s0 =	simm.s32 @!p0 $0x1  }
0x64: {  	_ =	swait.ge @!p0 [sflag:s0], s1  }
0x65: {  	s1 =	ssub.s32 @!p0 $0x0, s1;
	[sflag:s0] =	ssyncset.done @!p0 $0x0  }
0x66: {  	[sflag:s0] =	ssyncadd.s32 @!p0 s1  }
0x67: {  	[bflag:$0x3] =	sbarrier.arrive $0xFFFF  }
0x68: {  	_ =	shalt  }

// kernel: kernel.14.cloned.1.call-start
scs
__scs_entry_jumppad:
0x0: {  	(pc) =	sbr.rel $0x88, $3  }
0x1: {  	(tag) =	ssettag $0x0;
	lr =	simm.s32 $0x1  }
0x2: {  	[smem:$0x3F96] =	sst lr;
	_ =	strace $0xD0000000  }
0x3: {  	_ = 	snop  }
0x4: {  	_ = 	snop  }
0x5: {  	_ = 	snop  }
0x6: {  	_ = 	snop  }
0x7: {  	_ = 	snop  }
__scs_overlays_trampoline_lowered:
0x8: {  	[smem:$0x3FA5] =	sst s0  }
0x9: {  	[smem:$0x3FA6] =	sst s1  }
0xa: {  	[smem:$0x3FA7] =	sst s2  }
0xb: {  	[smem:$0x3FA8] =	sst s3  }
0xc: {  	[smem:$0x3FA9] =	sst s4  }
0xd: {  	[smem:$0x3FAA] =	sst s5  }
0xe: {  	[smem:$0x3FAB] =	sst s6  }
0xf: {  	[smem:$0x3FAC] =	sst s7  }
0x10: {  	[smem:$0x3FAD] =	sst s8  }
0x11: {  	[smem:$0x3FAE] =	sst s9;
	s0 =	simm.s32 @!p0 $0x0  }
0x12: {  	s1 =	sld [smem:$0x3F94];
	s0 =	simm.s32 @p0 $0x1  }
0x13: {  	[smem:$0x3FAF] =	sst s0;
	s0 =	simm.s32 @!p1 $0x0  }
0x14: {  	s2 =	sld [smem:$0x3F93];
	s0 =	simm.s32 @p1 $0x1  }
0x15: {  	[smem:$0x3FB0] =	sst s0;
	s0 =	simm.s32 @!p2 $0x0  }
0x16: {  	s3 =	sld [smem:$0x3FDB];
	s0 =	simm.s32 @p2 $0x1  }
0x17: {  	s4 =	simm.s32 $0x1BF5;
	[smem:$0x3FB2] =	sst s0  }
0x18: {  	s0 =	sld [smem:$0x3F95];
	_ =	swait.ge [sflag:s4], $0x0  }
0x19: {  	s7 =	sld [smem:$0x3F96]  }
0x1a: {  	s8 =	sadd.s32 $0xFFFFE003, lr  }
0x1b: {  	s9 =	sadd.s32 $0xFFFFFEF7, lr;
	s5 =	simm.s32 $0xFFFFFFFF;
	p2 =	slt.u32 s8, $0xFFFFF086  }
0x1c: {  	p1 =	slt.u32 s9, $0xF7A;
	s5 =	simm.s32 @!p2 $0x0  }
0x1d: {  	s5 =	simm.s32 @p1 $0x1;
	p0 =	seq.s32 s7, s2  }
0x1e: {  	s7 =	smul.u32 @!p0 $0xF7A, s2;
	p2 =	seq.s32 @!p0 s5, $0x0  }
0x1f: {  	s9 =	smul.u32 $0xF7A, s1;
	s8 =	simm.s32 @!p0 $0x1BF5;
	p2 =	por !p2, p0  }
0x20: {  	[sflag:s8] =	ssyncset.s32 @!p0 $0xFFFFF086;
	s6 =	sadd.s32 @!p0 s3, s7;
	s7 =	simm.s32 @!p0 $0x108  }
0x21: {  	s3 =	sadd.s32 s3, s9;
	s6 =	sadd.s32 @!p0 $0x88, s6;
	s7 =	simm.s32 @p2 $0x1082  }
0x22: {  	[simem:s7], [sflag:s8] =	dma.local @!p0 [hbm:s6], $0xF7A  }
0x23: {  	s9 =	sor.u32 $0xD0000000, s2;
	s6 =	simm.s32 $0x108;
	_ =	swait.ge @!p0 [sflag:s8], $0x0  }
0x24: {  	s3 =	sadd.s32 $0x88, s3;
	s6 =	simm.s32 @!p1 $0x1082;
	[sflag:s4] =	ssyncset.s32 $0xFFFFF086  }
0x25: {  	[simem:s6], [sflag:s4] =	dma.local [hbm:s3], $0xF7A  }
0x26: {  	[smem:$0x3F96] =	sst s1;
	(tag) =	ssettag s2;
	_ =	strace s9  }
0x27: {  	s1 =	sld [smem:$0x3FA6]  }
0x28: {  	s2 =	sld [smem:$0x3FA7]  }
0x29: {  	s4 =	sld [smem:$0x3FA9]  }
0x2a: {  	p0 =	seq.s32 s5, $0x0;
	s5 =	sld [smem:$0x3FAA]  }
0x2b: {  	s6 =	sld [smem:$0x3FAB]  }
0x2c: {  	s7 =	sld [smem:$0x3FAC]  }
0x2d: {  	s3 =	simm.s32 $0x108;
	s8 =	sld [smem:$0x3FAD]  }
0x2e: {  	s3 =	simm.s32 @!p0 $0x1082;
	s9 =	sld [smem:$0x3FAE]  }
0x2f: {  	lr =	sadd.s32 s0, s3;
	s0 =	sld [smem:$0x3FA5]  }
0x30: {  	s3 =	sld [smem:$0x3FA8]  }
0x31: {  	[smem:$0x3FB1] =	sst s10  }
0x32: {  	s10 =	sld [smem:$0x3FAF];
	_ =	sdelay $0x3  }
0x33: {  	p0 =	seq.s32 s10, $0x1;
	s10 =	sld [smem:$0x3FB1];
	_ =	sdelay $0x3  }
0x34: {  	[smem:$0x3FB1] =	sst s10  }
0x35: {  	s10 =	sld [smem:$0x3FB0];
	_ =	sdelay $0x3  }
0x36: {  	p1 =	seq.s32 s10, $0x1;
	s10 =	sld [smem:$0x3FB1];
	_ =	sdelay $0x3  }
0x37: {  	[smem:$0x3FB1] =	sst s10  }
0x38: {  	s10 =	sld [smem:$0x3FB2]  }
0x39: {  	_ = 	snop;
	(pc) =	sbr.ind lr, $3  }
0x3a: {  	_ = 	snop  }
0x3b: {  	_ = 	snop  }
0x3c: {  	p2 =	seq.s32 s10, $0x1;
	s10 =	sld [smem:$0x3FB1]  }
0x3d: {  	_ =	shalt  }
0x3e: {  	_ =	shalt  }
0x3f: {  	_ =	shalt  }
0x40: {  	_ =	shalt  }
0x41: {  	_ =	shalt  }
0x42: {  	_ =	shalt  }
0x43: {  	_ =	shalt  }
0x44: {  	_ =	shalt  }
0x45: {  	_ =	shalt  }
0x46: {  	_ =	shalt  }
0x47: {  	_ =	shalt  }
0x48: {  	_ =	shalt  }
0x49: {  	_ =	shalt  }
0x4a: {  	_ =	shalt  }
0x4b: {  	_ =	shalt  }
0x4c: {  	_ =	shalt  }
0x4d: {  	_ =	shalt  }
0x4e: {  	_ =	shalt  }
0x4f: {  	_ =	shalt  }
0x50: {  	_ =	shalt  }
0x51: {  	_ =	shalt  }
0x52: {  	_ =	shalt  }
0x53: {  	_ =	shalt  }
0x54: {  	_ =	shalt  }
0x55: {  	_ =	shalt  }
0x56: {  	_ =	shalt  }
0x57: {  	_ =	shalt  }
0x58: {  	_ =	shalt  }
0x59: {  	_ =	shalt  }
0x5a: {  	_ =	shalt  }
0x5b: {  	_ =	shalt  }
0x5c: {  	_ =	shalt  }
0x5d: {  	_ =	shalt  }
0x5e: {  	_ =	shalt  }
0x5f: {  	_ =	shalt  }
0x60: {  	_ =	shalt  }
0x61: {  	_ =	shalt  }
0x62: {  	_ =	shalt  }
0x63: {  	_ =	shalt  }
0x64: {  	_ =	shalt  }
0x65: {  	_ =	shalt  }
0x66: {  	_ =	shalt  }
0x67: {  	_ =	shalt  }
0x68: {  	_ =	shalt  }
0x69: {  	_ =	shalt  }
0x6a: {  	_ =	shalt  }
0x6b: {  	_ =	shalt  }
0x6c: {  	_ =	shalt  }
0x6d: {  	_ =	shalt  }
0x6e: {  	_ =	shalt  }
0x6f: {  	_ =	shalt  }
0x70: {  	_ =	shalt  }
0x71: {  	_ =	shalt  }
0x72: {  	_ =	shalt  }
0x73: {  	_ =	shalt  }
0x74: {  	_ =	shalt  }
0x75: {  	_ =	shalt  }
0x76: {  	_ =	shalt  }
0x77: {  	_ =	shalt  }
0x78: {  	_ =	shalt  }
0x79: {  	_ =	shalt  }
0x7a: {  	_ =	shalt  }
0x7b: {  	_ =	shalt  }
0x7c: {  	_ =	shalt  }
0x7d: {  	_ =	shalt  }
0x7e: {  	_ =	shalt  }
0x7f: {  	_ =	shalt  }
0x80: {  	_ =	shalt  }
0x81: {  	_ =	shalt  }
0x82: {  	_ =	shalt  }
0x83: {  	_ =	shalt  }
0x84: {  	_ =	shalt  }
0x85: {  	_ =	shalt  }
0x86: {  	_ =	shalt  }
0x87: {  	_ =	shalt  }
.Lfunc_end0:
.L_simem_size_0:
called_computation.1_lowered:
.L_overlay_start_0:
0x88: {  	s2 =	sld [smem:$0x3FD9]  }
0x89: {  	s3 =	sld [smem:$0x3FFE];
	_ =	sdelay $0x1  }
0x8a: {  	s1 =	srdreg.scid  }
0x8b: {  	s0 =	sand.u32 $0x1, s1  }
0x8c: {  	s17 =	sshll.u32 s0, $0xA;
	s2 =	sadd.s32 s3, s2  }
0x8d: {  	s2 =	sadd.s32 s2, s17  }
0x8e: {  	[smem:$0x3FBD] =	sst s2  }
0x8f: {  	_ = 	snop  }
0x90: {  	s2 =	sld [smem:$0x3FC9];
	(tm) =	ssettm $0x1  }
0x91: {  	s18 =	sld [smem:$0x3FFB];
	_ =	sdelay $0x3  }
0x92: {  	_ =	strace s18  }
0x93: {  	s3 =	sld [smem:$0x3FFC];
	_ =	sdelay $0x3  }
0x94: {  	_ =	strace s3  }
0x95: {  	s3 =	sld [smem:$0x3FFD];
	_ =	sdelay $0x3  }
0x96: {  	_ =	strace s3  }
0x97: {  	_ =	strace $0x8FFFFFFF  }
0x98: {  	s19 =	sld [smem:$0x3FDB];
	_ =	sdelay $0x1  }
0x99: {  	s4 =	simm.s32 $_scs_section_size  }
0x9a: {  	s5 =	simm.s32 $_size__tile_overlayer_lowered;
	s6 =	simm.s32 $_tile_overlayer_lowered  }
0x9b: {  	s22 =	simm.s32 $0x1BFF;
	s21 =	sshll.u32 s6, $0x1;
	s3 =	sadd.s32 s4, s19  }
0x9c: {  	s7 =	simm.s32 $0x0;
	s20 =	sshll.u32 s5, $0x1;
	s5 =	sadd.s32 s21, s3  }
0x9d: {  	[timem:s7], [sflag:s22] =	dma.local [hbm:s5], s20  }
0x9e: {  	_ =	swait.ge [sflag:s22], s20  }
0x9f: {  	s4 =	ssub.s32 $0x0, s20;
	[sflag:s22] =	ssyncset.done $0x0  }
0xa0: {  	[sflag:s22] =	ssyncadd.s32 s4;
	_ =	sdelay $0x1  }
0xa1: {  	s23 =	simm.s32 $0x1B8B  }
0xa2: {  	_ =	swait.ge [sflag:s23], $0x1  }
0xa3: {  	[sflag:s23] =	ssyncset.done $0x0  }
0xa4: {  	s25 =	simm.s32 $0x1B8E;
	s24 =	sld [smem:$0x3FFE];
	[sflag:s23] =	ssyncadd.s32 $0xFFFFFFFF  }
0xa5: {  	s26 =	simm.s32 $execute0_lowered;
	[smem:$0x3FD2] =	sst s25  }
0xa6: {  	s5 =	sshll.u32 s26, $0x1;
	_ =	strace $0x80000046;
	[dreg:$0x1] =	wrdreg $0xFFFFFFFF  }
0xa7: {  	s28 =	simm.s32 $_size_execute0_lowered;
	s3 =	sadd.s32 s3, s5;
	[dreg:$0x0] =	wrdreg $0x0  }
0xa8: {  	s5 =	sshll.u32 s28, $0x1;
	[dreg:$0x2] =	wrdreg s3  }
0xa9: {  	[dreg:$0x3] =	wrdreg s5  }
0xaa: {  	[dreg:$0x4] =	wrdreg $0xC0  }
0xab: {  	_ =	task [dreg:s7], $0x5FFFF  }
0xac: {  	[dreg:$0x1] =	wrdreg $0xFFFFFFFF  }
0xad: {  	[dreg:$0x0] =	wrdreg $0x60  }
0xae: {  	[dreg:$0x2] =	wrdreg s2  }
0xaf: {  	[dreg:$0x3] =	wrdreg s24  }
0xb0: {  	[dreg:$0x4] =	wrdreg $0x90000  }
0xb1: {  	[dreg:$0x5] =	wrdreg $0xA  }
0xb2: {  	_ =	task.clear_ibuf [dreg:s7], $0x6FFFF;
	_ =	strace $0x90000046  }
0xb3: {  	s29 =	simm.s32 $0xA;
	_ =	strace $0x80000048  }
0xb4: {  	_ =	swait.ge [sflag:s29], $0x1  }
0xb5: {  	[sflag:s29] =	ssyncadd.s32 $0xFFFFFFFF  }
0xb6: {  	_ =	strace $0x90000048  }
0xb7: {  	_ =	sfence  }
0xb8: {  	s30 =	sld [smem:$0x0];
	_ =	sdelay $0x2  }
0xb9: {  	s31 =	sshll.u32 s1, $0xD;
	s1 =	sshrl.u32 s1, $0x2  }
0xba: {  	s3 =	sand.u32 $0x4000, s31;
	s1 =	sadd.s32 s1, s30  }
0xbb: {  	s0 =	sor.u32 s3, s0;
	s1 =	sshll.u32 s1, $0x11  }
0xbc: {  	s0 =	sor.u32 s1, s0  }
0xbd: {  	s0 =	sadd.s32 $0x8F2B, s0  }
0xbe: {  	[sflag:s0] =	ssyncadd.remote.s32 $0x1  }
0xbf: {  	_ =	sfence.sel $0xFFFF  }
0xc0: {  	[dreg:$0x0] =	wrdreg $0xFFFFFFFF;
	(pc) =	sbr.abs _section_cstart, $3  }
0xc1: {  	[dreg:$0x1] =	wrdreg $0xFFFFFFFF  }
0xc2: {  	_ =	task.clear_ibuf [dreg:s7], $0x2FFFF;
	_ =	strace $0x9FFFFFFF  }
0xc3: {  	(tm) =	ssettm $0x7FFFFFFF  }
tec
execute0_lowered:
.L_overlay_start_1:
0x0: {  	(tag) =	ssettag $0x1  }
0x1: {  	s2 =	rddreg [dreg:$0x0]  }
0x2: {  	s1 =	srdreg.scid;
	s6 =	rddreg [dreg:$0x1]  }
0x3: {  	s0 =	stileid.u32;
	s3 =	rddreg [dreg:$0x2]  }
0x4: {  	s4 =	simm.s32 $0x0;
	s14 =	simm.s32 $0x5000;
	s15 =	simm.s32 $0x2  }
0x5: {  	s16 =	simm.s32 $0x2800;
	s17 =	simm.s32 $0x80;
	s18 =	simm.s32 $0x1  }
0x6: {  	s5 =	sand.u32 $0x1, s1;
	s26 =	sshll.u32 s0, $0x1;
	s9 =	smul.u32 $0x14000, s0  }
0x7: {  	[smem:$0x7FF] =	sst s4;
	s10 =	smul.u32 $0x50000, s0;
	s19 =	sshll.u32 s0, $0x6  }
0x8: {  	s1 =	sor.u32 s5, s26;
	s8 =	smul.u32 $0x140000, s5;
	s29 =	ssub.s32 $0x2, s5  }
0x9: {  	s19 =	sor.u32 $0x1C02, s19;
	s7 =	smul.u32 $0x500, s1;
	s1 =	rddreg [dreg:$0x3]  }
0xa: {  	_ =	strace $0x80000047;
	s30 =	sshrl.u32 s10, $0x2;
	s31 =	sshrl.u32 s29, $0x1  }
0xb: {  	s28 =	sadd.s32 s9, s8;
	s5 =	sadd.s32 s30, s3;
	s13 =	ssub.s32 s29, s31  }
0xc: {  	s11 =	sadd.s32 s7, s6;
	s7 =	sshrl.u32 s28, $0x3;
	s8 =	sadd.s32 $0xC000, s5  }
0xd: {  	s9 =	sadd.s32 $0x10000, s5;
	s13 =	smax.u32 s13, $0x1;
	s20 =	sshrl.u32 s5, $0x3  }
0xe: {  	s12 =	sadd.s32 s7, s6;
	s6 =	sadd.s32 $0x4000, s5;
	s7 =	sadd.s32 $0x8000, s5  }
0xf: {  	v0 =	vimm.f32 $0.0e+00;
	s10 =	sadd.s32 $0xE200, s11;
	s11 =	sadd.s32 $0x4200, s11;
	s12 =	sadd.s32 $0x18200, s12  }
.LBB2_1:
0x10: {  	s21 =	simm.s32 $0x0;
	s22 =	simm.s32 $0x200  }
.LBB2_2:
0x11: {  	p0 =	sne.s32 s22, $0xFE00;
	[tilespmem:s21+$0x5070] =	vst v0  }
0x12: {  	[tilespmem:s21+$0x5000] =	vst v0  }
0x13: {  	[tilespmem:s21+$0x5010] =	vst v0  }
.Ltmp0:
0x14: {  	[tilespmem:s21+$0x5020] =	vst v0;
	(pc) =	sbr.rel @p0 .LBB2_2-.Ltmp0, $4  }
0x15: {  	[tilespmem:s21+$0x5030] =	vst v0  }
0x16: {  	[tilespmem:s21+$0x5040] =	vst v0  }
0x17: {  	[tilespmem:s21+$0x5050] =	vst v0  }
0x18: {  	[tilespmem:s21+$0x5060] =	vst v0;
	s21 =	sshra.s32 s22, $0x2;
	s22 =	sadd.s32 $0x200, s22  }
0x19: {  	[tilespmem:s21+$0x5070] =	vst v0  }
0x1a: {  	[tilespmem:s21+$0x5000] =	vst v0  }
0x1b: {  	[tilespmem:s21+$0x5010] =	vst v0  }
0x1c: {  	[tilespmem:s21+$0x5020] =	vst v0  }
0x1d: {  	[tilespmem:s21+$0x5030] =	vst v0  }
0x1e: {  	[tilespmem:s21+$0x5040] =	vst v0  }
0x1f: {  	[tilespmem:s21+$0x5050] =	vst v0  }
0x20: {  	[tilespmem:s21+$0x5060] =	vst v0  }
0x21: {  	[spmem:s5] =	stream.linear.scatter [tilespmem:s14], [sflag:$0x2], $0x4000, $0x38;
	[tilespmem:$0x1D000] =	vst v63  }
0x22: {  	_ =	swait.ge [sflag:s15], $0x4000  }
0x23: {  	[sflag:s15] =	ssyncset.done $0x0  }
0x24: {  	[sflag:s15] =	ssyncadd.s32 $0xFFFFC000  }
0x25: {  	[spmem:s6] =	stream.linear.scatter [tilespmem:s14], [sflag:$0x2], $0x4000, $0x38;
	[tilespmem:$0x1D000] =	vst v63  }
0x26: {  	_ =	swait.ge [sflag:s15], $0x4000  }
0x27: {  	[sflag:s15] =	ssyncset.done $0x0  }
0x28: {  	[sflag:s15] =	ssyncadd.s32 $0xFFFFC000  }
0x29: {  	[spmem:s7] =	stream.linear.scatter [tilespmem:s14], [sflag:$0x2], $0x4000, $0x38;
	[tilespmem:$0x1D000] =	vst v63  }
0x2a: {  	_ =	swait.ge [sflag:s15], $0x4000  }
0x2b: {  	[sflag:s15] =	ssyncset.done $0x0  }
0x2c: {  	[sflag:s15] =	ssyncadd.s32 $0xFFFFC000  }
0x2d: {  	[spmem:s8] =	stream.linear.scatter [tilespmem:s14], [sflag:$0x2], $0x4000, $0x38;
	[tilespmem:$0x1D000] =	vst v63  }
0x2e: {  	_ =	swait.ge [sflag:s15], $0x4000  }
0x2f: {  	[sflag:s15] =	ssyncset.done $0x0  }
0x30: {  	[sflag:s15] =	ssyncadd.s32 $0xFFFFC000  }
0x31: {  	[spmem:s9] =	stream.linear.scatter [tilespmem:s14], [sflag:$0x2], $0x4000, $0x38;
	[tilespmem:$0x1D000] =	vst v63  }
0x32: {  	_ =	swait.ge [sflag:s15], $0x4000  }
0x33: {  	[sflag:s15] =	ssyncset.done $0x0  }
0x34: {  	[sflag:s15] =	ssyncadd.s32 $0xFFFFC000  }
0x35: {  	s29 =	simm.s32 $0x0;
	[bflag:$0x0] =	sbarrier.arrive $0xFFFF  }
0x36: {  	[tilespmem:s29], [sflag:$0x2] =	stream.linear.gather [hbm4b:s10+s29], $0x2780, $0x38;
	[tilespmem:$0x1D000] =	vst v63  }
0x37: {  	_ =	swait.ge [sflag:s15], $0x2780  }
0x38: {  	[sflag:s15] =	ssyncset.done $0x0  }
0x39: {  	[sflag:s15] =	ssyncadd.s32 $0xFFFFD880  }
0x3a: {  	[tilespmem:s16], [sflag:$0x2] =	stream.linear.gather [hbm4b:s11+s29], $0x2780, $0x38;
	[tilespmem:$0x1D000] =	vst v63  }
0x3b: {  	_ =	swait.ge [sflag:s15], $0x2780  }
0x3c: {  	[sflag:s15] =	ssyncset.done $0x0  }
0x3d: {  	s30 =	simm.s32 $0x0;
	[sflag:s15] =	ssyncadd.s32 $0xFFFFD880  }
0x3e: {  	[tilespmem:s14], [sflag:$0x1] =	stream.indirect.gather [hbm4b:s2+s17], $0x80, s30, s17, $0xb8;
	[tilespmem:$0x1D000] =	vst v63  }
0x3f: {  	_ =	swait.ge [sflag:s18], $0x4000  }
0x40: {  	[sflag:s18] =	ssyncset.done $0x0  }
0x41: {  	s31 =	simm.s32 $0x2800;
	[sflag:s18] =	ssyncadd.s32 $0xFFFFC000  }
0x42: {  	[spmem:s3] =	stream.indirect.scatter.add.f32 [tilespmem:s14], [sflag:$0x2], $0x80, s31, s17, $0xb8;
	[tilespmem:$0x1D000] =	vst v63  }
0x43: {  	_ =	swait.ge [sflag:s15], $0x4000  }
0x44: {  	s21 =	simm.s32 $0x200;
	s22 =	simm.s32 $0x400;
	[sflag:s15] =	ssyncset.done $0x0  }
.LBB2_4:
0x45: {  	s23 =	sshra.s32 s21, $0x2  }
0x46: {  	[sflag:s15] =	ssyncadd.s32 $0xFFFFC000;
	s21 =	smov.u32 s22;
	s24 =	sadd.s32 $0x200, s22  }
0x47: {  	[tilespmem:s14], [sflag:$0x1] =	stream.indirect.gather [hbm4b:s2+s17], $0x80, s23, s17, $0xb8;
	[tilespmem:$0x1D000] =	vst v63  }
0x48: {  	p0 =	sne.s32 s22, $0x9C00;
	_ =	swait.ge [sflag:s18], $0x4000  }
.Ltmp1:
0x49: {  	[sflag:s18] =	ssyncset.done $0x0;
	(pc) =	sbr.rel @p0 .LBB2_4-.Ltmp1, $4  }
0x4a: {  	s22 =	sadd.s32 $0x2800, s23;
	[sflag:s18] =	ssyncadd.s32 $0xFFFFC000  }
0x4b: {  	[spmem:s3] =	stream.indirect.scatter.add.f32 [tilespmem:s14], [sflag:$0x2], $0x80, s22, s17, $0xb8;
	[tilespmem:$0x1D000] =	vst v63  }
0x4c: {  	_ =	swait.ge [sflag:s15], $0x4000  }
0x4d: {  	s22 =	smov.u32 s24;
	[sflag:s15] =	ssyncset.done $0x0  }
0x4e: {  	s21 =	sshra.s32 s21, $0x2;
	[sflag:s15] =	ssyncadd.s32 $0xFFFFC000  }
0x4f: {  	[tilespmem:s14], [sflag:$0x1] =	stream.indirect.gather [hbm4b:s2+s17], $0x80, s21, s17, $0xb8;
	[tilespmem:$0x1D000] =	vst v63  }
0x50: {  	_ =	swait.ge [sflag:s18], $0x4000  }
0x51: {  	[sflag:s18] =	ssyncset.done $0x0  }
0x52: {  	s21 =	sadd.s32 $0x2800, s21;
	[sflag:s18] =	ssyncadd.s32 $0xFFFFC000  }
0x53: {  	[spmem:s3] =	stream.indirect.scatter.add.f32 [tilespmem:s14], [sflag:$0x2], $0x80, s21, s17, $0xb8;
	[tilespmem:$0x1D000] =	vst v63  }
0x54: {  	_ =	swait.ge [sflag:s15], $0x4000  }
0x55: {  	s4 =	sadd.s32 $0x1, s4;
	[sflag:s15] =	ssyncset.done $0x0  }
0x56: {  	p0 =	sne.s32 s4, s13;
	[sflag:s15] =	ssyncadd.s32 $0xFFFFC000  }
.Ltmp2:
0x57: {  	[bflag:$0x0] =	sbarrier.arrive $0xFFFF;
	(pc) =	sbr.rel @p0 .LBB2_1-.Ltmp2, $4  }
0x58: {  	[hbm:s12], [sflag:s19] =	dma.local [spmem:s20], $0x2800  }
0x59: {  	_ =	swait.ge [sflag:s15], $0x2800  }
0x5a: {  	[sflag:s15] =	ssyncset.done $0x0  }
0x5b: {  	[sflag:s15] =	ssyncadd.s32 $0xFFFFD800  }
0x5c: {  	_ =	sfence.sel $0x180000  }
0x5d: {  	[bflag:$0x0] =	sbarrier.arrive $0xFFFF  }
0x5e: {  	p0 =	sne.s32 s0, $0x0;
	_ =	strace $0x90000047  }
0x5f: {  	s0 =	sadd.s32 @!p0 $0x100000, s1;
	[bflag:$0x2] =	sbarrier.arrive $0xFFFF  }
0x60: {  	[sflag:s0] =	ssyncadd.tile.s32 @!p0 $0x1;
	_ =	shalt  }
.Lfunc_end2:
_tile_overlayer_lowered:
.L_overlay_start_2:
0x61: {  	(tag) =	ssettag $0x2  }
0x62: {  	s0 =	rddreg [dreg:$0x0];
	s2 =	stileid.u32  }
0x63: {  	s1 =	rddreg [dreg:$0x1];
	p0 =	sne.s32 s2, $0x0  }
0x64: {  	s3 =	rddreg [dreg:$0x2];
	[bflag:$0x3] =	sbarrier.arrive $0xFFFF;
	s2 =	simm.s32 @!p0 $0x1C02  }
0x65: {  	[timem:s3], [sflag:s2] =	dma.local @!p0 [hbm:s0], s1  }
0x66: {  	s0 =	simm.s32 @!p0 $0x2  }
0x67: {  	_ =	swait.ge @!p0 [sflag:s0], s1  }
0x68: {  	s1 =	ssub.s32 @!p0 $0x0, s1;
	[sflag:s0] =	ssyncset.done @!p0 $0x0  }
0x69: {  	[sflag:s0] =	ssyncadd.s32 @!p0 s1  }
0x6a: {  	[bflag:$0x3] =	sbarrier.arrive $0xFFFF  }
0x6b: {  	_ =	shalt  }

// kernel: kernel.17.cloned.1.call-start
scs
__scs_entry_jumppad:
0x0: {  	(pc) =	sbr.rel $0x88, $3  }
0x1: {  	(tag) =	ssettag $0x0;
	lr =	simm.s32 $0x1  }
0x2: {  	[smem:$0x3F96] =	sst lr;
	_ =	strace $0xD0000000  }
0x3: {  	_ = 	snop  }
0x4: {  	_ = 	snop  }
0x5: {  	_ = 	snop  }
0x6: {  	_ = 	snop  }
0x7: {  	_ = 	snop  }
__scs_overlays_trampoline_lowered:
0x8: {  	[smem:$0x3FA5] =	sst s0  }
0x9: {  	[smem:$0x3FA6] =	sst s1  }
0xa: {  	[smem:$0x3FA7] =	sst s2  }
0xb: {  	[smem:$0x3FA8] =	sst s3  }
0xc: {  	[smem:$0x3FA9] =	sst s4  }
0xd: {  	[smem:$0x3FAA] =	sst s5  }
0xe: {  	[smem:$0x3FAB] =	sst s6  }
0xf: {  	[smem:$0x3FAC] =	sst s7  }
0x10: {  	[smem:$0x3FAD] =	sst s8  }
0x11: {  	[smem:$0x3FAE] =	sst s9;
	s0 =	simm.s32 @!p0 $0x0  }
0x12: {  	s1 =	sld [smem:$0x3F94];
	s0 =	simm.s32 @p0 $0x1  }
0x13: {  	[smem:$0x3FAF] =	sst s0;
	s0 =	simm.s32 @!p1 $0x0  }
0x14: {  	s2 =	sld [smem:$0x3F93];
	s0 =	simm.s32 @p1 $0x1  }
0x15: {  	[smem:$0x3FB0] =	sst s0;
	s0 =	simm.s32 @!p2 $0x0  }
0x16: {  	s3 =	sld [smem:$0x3FDB];
	s0 =	simm.s32 @p2 $0x1  }
0x17: {  	s4 =	simm.s32 $0x1BF5;
	[smem:$0x3FB2] =	sst s0  }
0x18: {  	s0 =	sld [smem:$0x3F95];
	_ =	swait.ge [sflag:s4], $0x0  }
0x19: {  	s7 =	sld [smem:$0x3F96]  }
0x1a: {  	s8 =	sadd.s32 $0xFFFFE003, lr  }
0x1b: {  	s9 =	sadd.s32 $0xFFFFFEF7, lr;
	s5 =	simm.s32 $0xFFFFFFFF;
	p2 =	slt.u32 s8, $0xFFFFF086  }
0x1c: {  	p1 =	slt.u32 s9, $0xF7A;
	s5 =	simm.s32 @!p2 $0x0  }
0x1d: {  	s5 =	simm.s32 @p1 $0x1;
	p0 =	seq.s32 s7, s2  }
0x1e: {  	s7 =	smul.u32 @!p0 $0xF7A, s2;
	p2 =	seq.s32 @!p0 s5, $0x0  }
0x1f: {  	s9 =	smul.u32 $0xF7A, s1;
	s8 =	simm.s32 @!p0 $0x1BF5;
	p2 =	por !p2, p0  }
0x20: {  	[sflag:s8] =	ssyncset.s32 @!p0 $0xFFFFF086;
	s6 =	sadd.s32 @!p0 s3, s7;
	s7 =	simm.s32 @!p0 $0x108  }
0x21: {  	s3 =	sadd.s32 s3, s9;
	s6 =	sadd.s32 @!p0 $0x88, s6;
	s7 =	simm.s32 @p2 $0x1082  }
0x22: {  	[simem:s7], [sflag:s8] =	dma.local @!p0 [hbm:s6], $0xF7A  }
0x23: {  	s9 =	sor.u32 $0xD0000000, s2;
	s6 =	simm.s32 $0x108;
	_ =	swait.ge @!p0 [sflag:s8], $0x0  }
0x24: {  	s3 =	sadd.s32 $0x88, s3;
	s6 =	simm.s32 @!p1 $0x1082;
	[sflag:s4] =	ssyncset.s32 $0xFFFFF086  }
0x25: {  	[simem:s6], [sflag:s4] =	dma.local [hbm:s3], $0xF7A  }
0x26: {  	[smem:$0x3F96] =	sst s1;
	(tag) =	ssettag s2;
	_ =	strace s9  }
0x27: {  	s1 =	sld [smem:$0x3FA6]  }
0x28: {  	s2 =	sld [smem:$0x3FA7]  }
0x29: {  	s4 =	sld [smem:$0x3FA9]  }
0x2a: {  	p0 =	seq.s32 s5, $0x0;
	s5 =	sld [smem:$0x3FAA]  }
0x2b: {  	s6 =	sld [smem:$0x3FAB]  }
0x2c: {  	s7 =	sld [smem:$0x3FAC]  }
0x2d: {  	s3 =	simm.s32 $0x108;
	s8 =	sld [smem:$0x3FAD]  }
0x2e: {  	s3 =	simm.s32 @!p0 $0x1082;
	s9 =	sld [smem:$0x3FAE]  }
0x2f: {  	lr =	sadd.s32 s0, s3;
	s0 =	sld [smem:$0x3FA5]  }
0x30: {  	s3 =	sld [smem:$0x3FA8]  }
0x31: {  	[smem:$0x3FB1] =	sst s10  }
0x32: {  	s10 =	sld [smem:$0x3FAF];
	_ =	sdelay $0x3  }
0x33: {  	p0 =	seq.s32 s10, $0x1;
	s10 =	sld [smem:$0x3FB1];
	_ =	sdelay $0x3  }
0x34: {  	[smem:$0x3FB1] =	sst s10  }
0x35: {  	s10 =	sld [smem:$0x3FB0];
	_ =	sdelay $0x3  }
0x36: {  	p1 =	seq.s32 s10, $0x1;
	s10 =	sld [smem:$0x3FB1];
	_ =	sdelay $0x3  }
0x37: {  	[smem:$0x3FB1] =	sst s10  }
0x38: {  	s10 =	sld [smem:$0x3FB2]  }
0x39: {  	_ = 	snop;
	(pc) =	sbr.ind lr, $3  }
0x3a: {  	_ = 	snop  }
0x3b: {  	_ = 	snop  }
0x3c: {  	p2 =	seq.s32 s10, $0x1;
	s10 =	sld [smem:$0x3FB1]  }
0x3d: {  	_ =	shalt  }
0x3e: {  	_ =	shalt  }
0x3f: {  	_ =	shalt  }
0x40: {  	_ =	shalt  }
0x41: {  	_ =	shalt  }
0x42: {  	_ =	shalt  }
0x43: {  	_ =	shalt  }
0x44: {  	_ =	shalt  }
0x45: {  	_ =	shalt  }
0x46: {  	_ =	shalt  }
0x47: {  	_ =	shalt  }
0x48: {  	_ =	shalt  }
0x49: {  	_ =	shalt  }
0x4a: {  	_ =	shalt  }
0x4b: {  	_ =	shalt  }
0x4c: {  	_ =	shalt  }
0x4d: {  	_ =	shalt  }
0x4e: {  	_ =	shalt  }
0x4f: {  	_ =	shalt  }
0x50: {  	_ =	shalt  }
0x51: {  	_ =	shalt  }
0x52: {  	_ =	shalt  }
0x53: {  	_ =	shalt  }
0x54: {  	_ =	shalt  }
0x55: {  	_ =	shalt  }
0x56: {  	_ =	shalt  }
0x57: {  	_ =	shalt  }
0x58: {  	_ =	shalt  }
0x59: {  	_ =	shalt  }
0x5a: {  	_ =	shalt  }
0x5b: {  	_ =	shalt  }
0x5c: {  	_ =	shalt  }
0x5d: {  	_ =	shalt  }
0x5e: {  	_ =	shalt  }
0x5f: {  	_ =	shalt  }
0x60: {  	_ =	shalt  }
0x61: {  	_ =	shalt  }
0x62: {  	_ =	shalt  }
0x63: {  	_ =	shalt  }
0x64: {  	_ =	shalt  }
0x65: {  	_ =	shalt  }
0x66: {  	_ =	shalt  }
0x67: {  	_ =	shalt  }
0x68: {  	_ =	shalt  }
0x69: {  	_ =	shalt  }
0x6a: {  	_ =	shalt  }
0x6b: {  	_ =	shalt  }
0x6c: {  	_ =	shalt  }
0x6d: {  	_ =	shalt  }
0x6e: {  	_ =	shalt  }
0x6f: {  	_ =	shalt  }
0x70: {  	_ =	shalt  }
0x71: {  	_ =	shalt  }
0x72: {  	_ =	shalt  }
0x73: {  	_ =	shalt  }
0x74: {  	_ =	shalt  }
0x75: {  	_ =	shalt  }
0x76: {  	_ =	shalt  }
0x77: {  	_ =	shalt  }
0x78: {  	_ =	shalt  }
0x79: {  	_ =	shalt  }
0x7a: {  	_ =	shalt  }
0x7b: {  	_ =	shalt  }
0x7c: {  	_ =	shalt  }
0x7d: {  	_ =	shalt  }
0x7e: {  	_ =	shalt  }
0x7f: {  	_ =	shalt  }
0x80: {  	_ =	shalt  }
0x81: {  	_ =	shalt  }
0x82: {  	_ =	shalt  }
0x83: {  	_ =	shalt  }
0x84: {  	_ =	shalt  }
0x85: {  	_ =	shalt  }
0x86: {  	_ =	shalt  }
0x87: {  	_ =	shalt  }
.Lfunc_end0:
.L_simem_size_0:
called_computation.2_lowered:
.L_overlay_start_0:
0x88: {  	s2 =	sld [smem:$0x3FD9]  }
0x89: {  	s3 =	sld [smem:$0x3FFE];
	_ =	sdelay $0x1  }
0x8a: {  	s1 =	srdreg.scid  }
0x8b: {  	s0 =	sand.u32 $0x1, s1  }
0x8c: {  	s16 =	sshll.u32 s0, $0xA;
	s2 =	sadd.s32 s3, s2  }
0x8d: {  	s2 =	sadd.s32 s2, s16  }
0x8e: {  	[smem:$0x3FBD] =	sst s2  }
0x8f: {  	_ = 	snop  }
0x90: {  	(tm) =	ssettm $0x1  }
0x91: {  	s17 =	sld [smem:$0x3FFB];
	_ =	sdelay $0x3  }
0x92: {  	_ =	strace s17  }
0x93: {  	s2 =	sld [smem:$0x3FFC];
	_ =	sdelay $0x3  }
0x94: {  	_ =	strace s2  }
0x95: {  	s2 =	sld [smem:$0x3FFD];
	_ =	sdelay $0x3  }
0x96: {  	_ =	strace s2  }
0x97: {  	_ =	strace $0x8FFFFFFF  }
0x98: {  	s18 =	sld [smem:$0x3FDB];
	_ =	sdelay $0x1  }
0x99: {  	s19 =	simm.s32 $_scs_section_size  }
0x9a: {  	s4 =	simm.s32 $_size__tile_overlayer_lowered;
	s5 =	simm.s32 $_tile_overlayer_lowered  }
0x9b: {  	s22 =	simm.s32 $0x1BFF;
	s21 =	sshll.u32 s5, $0x1;
	s2 =	sadd.s32 s19, s18  }
0x9c: {  	s6 =	simm.s32 $0x0;
	s20 =	sshll.u32 s4, $0x1;
	s4 =	sadd.s32 s21, s2  }
0x9d: {  	[timem:s6], [sflag:s22] =	dma.local [hbm:s4], s20  }
0x9e: {  	_ =	swait.ge [sflag:s22], s20  }
0x9f: {  	s3 =	ssub.s32 $0x0, s20;
	[sflag:s22] =	ssyncset.done $0x0  }
0xa0: {  	[sflag:s22] =	ssyncadd.s32 s3;
	_ =	sdelay $0x1  }
0xa1: {  	s23 =	simm.s32 $0x1B8B  }
0xa2: {  	_ =	swait.ge [sflag:s23], $0x1  }
0xa3: {  	[sflag:s23] =	ssyncset.done $0x0  }
0xa4: {  	s25 =	simm.s32 $0x1B8E;
	s24 =	sld [smem:$0x3FFE];
	[sflag:s23] =	ssyncadd.s32 $0xFFFFFFFF  }
0xa5: {  	s26 =	simm.s32 $execute0_lowered;
	[smem:$0x3FD2] =	sst s25  }
0xa6: {  	s4 =	sshll.u32 s26, $0x1;
	_ =	strace $0x8000004C;
	[dreg:$0x1] =	wrdreg $0xFFFFFFFF  }
0xa7: {  	s28 =	simm.s32 $_size_execute0_lowered;
	s2 =	sadd.s32 s2, s4;
	[dreg:$0x0] =	wrdreg $0x0  }
0xa8: {  	s4 =	sshll.u32 s28, $0x1;
	[dreg:$0x2] =	wrdreg s2  }
0xa9: {  	[dreg:$0x3] =	wrdreg s4  }
0xaa: {  	[dreg:$0x4] =	wrdreg $0xC0  }
0xab: {  	_ =	task [dreg:s6], $0x5FFFF  }
0xac: {  	[dreg:$0x1] =	wrdreg $0xFFFFFFFF  }
0xad: {  	[dreg:$0x0] =	wrdreg $0x60  }
0xae: {  	[dreg:$0x2] =	wrdreg s24  }
0xaf: {  	[dreg:$0x3] =	wrdreg $0x90000  }
0xb0: {  	[dreg:$0x4] =	wrdreg $0x9  }
0xb1: {  	_ =	task.clear_ibuf [dreg:s6], $0x5FFFF;
	_ =	strace $0x9000004C  }
0xb2: {  	s29 =	simm.s32 $0x9;
	_ =	strace $0x8000004E  }
0xb3: {  	_ =	swait.ge [sflag:s29], $0x1  }
0xb4: {  	[sflag:s29] =	ssyncadd.s32 $0xFFFFFFFF  }
0xb5: {  	_ =	strace $0x9000004E  }
0xb6: {  	_ =	sfence  }
0xb7: {  	s30 =	sld [smem:$0x0];
	_ =	sdelay $0x2  }
0xb8: {  	s31 =	sshll.u32 s1, $0xD;
	s1 =	sshrl.u32 s1, $0x2  }
0xb9: {  	s3 =	sand.u32 $0x4000, s31;
	s1 =	sadd.s32 s1, s30  }
0xba: {  	s0 =	sor.u32 s3, s0;
	s1 =	sshll.u32 s1, $0x11  }
0xbb: {  	s0 =	sor.u32 s1, s0  }
0xbc: {  	s0 =	sadd.s32 $0x8F2B, s0  }
0xbd: {  	[sflag:s0] =	ssyncadd.remote.s32 $0x1  }
0xbe: {  	_ =	sfence.sel $0xFFFF  }
0xbf: {  	[dreg:$0x0] =	wrdreg $0xFFFFFFFF;
	(pc) =	sbr.abs _section_cstart, $3  }
0xc0: {  	[dreg:$0x1] =	wrdreg $0xFFFFFFFF  }
0xc1: {  	_ =	task.clear_ibuf [dreg:s6], $0x2FFFF;
	_ =	strace $0x9FFFFFFF  }
0xc2: {  	(tm) =	ssettm $0x7FFFFFFF  }
0xc3: {  	_ =	shalt  }
tec
execute0_lowered:
.L_overlay_start_1:
0x0: {  	(tag) =	ssettag $0x1  }
0x1: {  	s1 =	srdreg.scid;
	s6 =	rddreg [dreg:$0x0]  }
0x2: {  	s0 =	stileid.u32;
	s2 =	rddreg [dreg:$0x1];
	s3 =	simm.s32 $0x0  }
0x3: {  	s14 =	simm.s32 $0x5000;
	s15 =	simm.s32 $0x2;
	s16 =	simm.s32 $0x2800  }
0x4: {  	s17 =	simm.s32 $0x80;
	s18 =	simm.s32 $0x1;
	s5 =	sand.u32 $0x1, s1  }
0x5: {  	s26 =	sshll.u32 s0, $0x1;
	s9 =	smul.u32 $0x14000, s0;
	[smem:$0x7FF] =	sst s3  }
0x6: {  	s10 =	smul.u32 $0x50000, s0;
	s4 =	sadd.s32 $0x18200, s6;
	s19 =	sshll.u32 s0, $0x6  }
0x7: {  	s1 =	sor.u32 s5, s26;
	s8 =	smul.u32 $0x140000, s5;
	s29 =	ssub.s32 $0x2, s5  }
0x8: {  	s19 =	sor.u32 $0x1C02, s19;
	s7 =	smul.u32 $0x500, s1;
	s1 =	rddreg [dreg:$0x2]  }
0x9: {  	_ =	strace $0x8000004D;
	s30 =	sshrl.u32 s10, $0x2;
	s31 =	sshrl.u32 s29, $0x1  }
0xa: {  	s28 =	sadd.s32 s9, s8;
	s5 =	sadd.s32 s30, s2;
	s13 =	ssub.s32 s29, s31  }
0xb: {  	s11 =	sadd.s32 s7, s6;
	s7 =	sshrl.u32 s28, $0x3;
	s8 =	sadd.s32 $0xC000, s5  }
0xc: {  	s9 =	sadd.s32 $0x10000, s5;
	s13 =	smax.u32 s13, $0x1;
	s20 =	sshrl.u32 s5, $0x3  }
0xd: {  	s12 =	sadd.s32 s7, s6;
	s6 =	sadd.s32 $0x4000, s5;
	s7 =	sadd.s32 $0x8000, s5  }
0xe: {  	v0 =	vimm.f32 $0.0e+00;
	s10 =	sadd.s32 $0xE200, s11;
	s11 =	sadd.s32 $0x4200, s11;
	s12 =	sadd.s32 $0xB8200, s12  }
.LBB2_1:
0xf: {  	s21 =	simm.s32 $0x0;
	s22 =	simm.s32 $0x200  }
.LBB2_2:
0x10: {  	p0 =	sne.s32 s22, $0xFE00;
	[tilespmem:s21+$0x5070] =	vst v0  }
0x11: {  	[tilespmem:s21+$0x5000] =	vst v0  }
0x12: {  	[tilespmem:s21+$0x5010] =	vst v0  }
.Ltmp0:
0x13: {  	[tilespmem:s21+$0x5020] =	vst v0;
	(pc) =	sbr.rel @p0 .LBB2_2-.Ltmp0, $4  }
0x14: {  	[tilespmem:s21+$0x5030] =	vst v0  }
0x15: {  	[tilespmem:s21+$0x5040] =	vst v0  }
0x16: {  	[tilespmem:s21+$0x5050] =	vst v0  }
0x17: {  	[tilespmem:s21+$0x5060] =	vst v0;
	s21 =	sshra.s32 s22, $0x2;
	s22 =	sadd.s32 $0x200, s22  }
0x18: {  	[tilespmem:s21+$0x5070] =	vst v0  }
0x19: {  	[tilespmem:s21+$0x5000] =	vst v0  }
0x1a: {  	[tilespmem:s21+$0x5010] =	vst v0  }
0x1b: {  	[tilespmem:s21+$0x5020] =	vst v0  }
0x1c: {  	[tilespmem:s21+$0x5030] =	vst v0  }
0x1d: {  	[tilespmem:s21+$0x5040] =	vst v0  }
0x1e: {  	[tilespmem:s21+$0x5050] =	vst v0  }
0x1f: {  	[tilespmem:s21+$0x5060] =	vst v0  }
0x20: {  	[spmem:s5] =	stream.linear.scatter [tilespmem:s14], [sflag:$0x2], $0x4000, $0x38;
	[tilespmem:$0x1D000] =	vst v63  }
0x21: {  	_ =	swait.ge [sflag:s15], $0x4000  }
0x22: {  	[sflag:s15] =	ssyncset.done $0x0  }
0x23: {  	[sflag:s15] =	ssyncadd.s32 $0xFFFFC000  }
0x24: {  	[spmem:s6] =	stream.linear.scatter [tilespmem:s14], [sflag:$0x2], $0x4000, $0x38;
	[tilespmem:$0x1D000] =	vst v63  }
0x25: {  	_ =	swait.ge [sflag:s15], $0x4000  }
0x26: {  	[sflag:s15] =	ssyncset.done $0x0  }
0x27: {  	[sflag:s15] =	ssyncadd.s32 $0xFFFFC000  }
0x28: {  	[spmem:s7] =	stream.linear.scatter [tilespmem:s14], [sflag:$0x2], $0x4000, $0x38;
	[tilespmem:$0x1D000] =	vst v63  }
0x29: {  	_ =	swait.ge [sflag:s15], $0x4000  }
0x2a: {  	[sflag:s15] =	ssyncset.done $0x0  }
0x2b: {  	[sflag:s15] =	ssyncadd.s32 $0xFFFFC000  }
0x2c: {  	[spmem:s8] =	stream.linear.scatter [tilespmem:s14], [sflag:$0x2], $0x4000, $0x38;
	[tilespmem:$0x1D000] =	vst v63  }
0x2d: {  	_ =	swait.ge [sflag:s15], $0x4000  }
0x2e: {  	[sflag:s15] =	ssyncset.done $0x0  }
0x2f: {  	[sflag:s15] =	ssyncadd.s32 $0xFFFFC000  }
0x30: {  	[spmem:s9] =	stream.linear.scatter [tilespmem:s14], [sflag:$0x2], $0x4000, $0x38;
	[tilespmem:$0x1D000] =	vst v63  }
0x31: {  	_ =	swait.ge [sflag:s15], $0x4000  }
0x32: {  	[sflag:s15] =	ssyncset.done $0x0  }
0x33: {  	[sflag:s15] =	ssyncadd.s32 $0xFFFFC000  }
0x34: {  	s29 =	simm.s32 $0x0;
	[bflag:$0x0] =	sbarrier.arrive $0xFFFF  }
0x35: {  	[tilespmem:s29], [sflag:$0x2] =	stream.linear.gather [hbm4b:s10+s29], $0x2780, $0x38;
	[tilespmem:$0x1D000] =	vst v63  }
0x36: {  	_ =	swait.ge [sflag:s15], $0x2780  }
0x37: {  	[sflag:s15] =	ssyncset.done $0x0  }
0x38: {  	[sflag:s15] =	ssyncadd.s32 $0xFFFFD880  }
0x39: {  	[tilespmem:s16], [sflag:$0x2] =	stream.linear.gather [hbm4b:s11+s29], $0x2780, $0x38;
	[tilespmem:$0x1D000] =	vst v63  }
0x3a: {  	_ =	swait.ge [sflag:s15], $0x2780  }
0x3b: {  	[sflag:s15] =	ssyncset.done $0x0  }
0x3c: {  	s30 =	simm.s32 $0x0;
	[sflag:s15] =	ssyncadd.s32 $0xFFFFD880  }
0x3d: {  	[tilespmem:s14], [sflag:$0x1] =	stream.indirect.gather [hbm4b:s4+s17], $0x80, s30, s17, $0xb8;
	[tilespmem:$0x1D000] =	vst v63  }
0x3e: {  	_ =	swait.ge [sflag:s18], $0x4000  }
0x3f: {  	[sflag:s18] =	ssyncset.done $0x0  }
0x40: {  	s31 =	simm.s32 $0x2800;
	[sflag:s18] =	ssyncadd.s32 $0xFFFFC000  }
0x41: {  	[spmem:s2] =	stream.indirect.scatter.add.f32 [tilespmem:s14], [sflag:$0x2], $0x80, s31, s17, $0xb8;
	[tilespmem:$0x1D000] =	vst v63  }
0x42: {  	_ =	swait.ge [sflag:s15], $0x4000  }
0x43: {  	s21 =	simm.s32 $0x200;
	s22 =	simm.s32 $0x400;
	[sflag:s15] =	ssyncset.done $0x0  }
.LBB2_4:
0x44: {  	s23 =	sshra.s32 s21, $0x2  }
0x45: {  	[sflag:s15] =	ssyncadd.s32 $0xFFFFC000;
	s21 =	smov.u32 s22;
	s24 =	sadd.s32 $0x200, s22  }
0x46: {  	[tilespmem:s14], [sflag:$0x1] =	stream.indirect.gather [hbm4b:s4+s17], $0x80, s23, s17, $0xb8;
	[tilespmem:$0x1D000] =	vst v63  }
0x47: {  	p0 =	sne.s32 s22, $0x9C00;
	_ =	swait.ge [sflag:s18], $0x4000  }
.Ltmp1:
0x48: {  	[sflag:s18] =	ssyncset.done $0x0;
	(pc) =	sbr.rel @p0 .LBB2_4-.Ltmp1, $4  }
0x49: {  	s22 =	sadd.s32 $0x2800, s23;
	[sflag:s18] =	ssyncadd.s32 $0xFFFFC000  }
0x4a: {  	[spmem:s2] =	stream.indirect.scatter.add.f32 [tilespmem:s14], [sflag:$0x2], $0x80, s22, s17, $0xb8;
	[tilespmem:$0x1D000] =	vst v63  }
0x4b: {  	_ =	swait.ge [sflag:s15], $0x4000  }
0x4c: {  	s22 =	smov.u32 s24;
	[sflag:s15] =	ssyncset.done $0x0  }
0x4d: {  	s21 =	sshra.s32 s21, $0x2;
	[sflag:s15] =	ssyncadd.s32 $0xFFFFC000  }
0x4e: {  	[tilespmem:s14], [sflag:$0x1] =	stream.indirect.gather [hbm4b:s4+s17], $0x80, s21, s17, $0xb8;
	[tilespmem:$0x1D000] =	vst v63  }
0x4f: {  	_ =	swait.ge [sflag:s18], $0x4000  }
0x50: {  	[sflag:s18] =	ssyncset.done $0x0  }
0x51: {  	s21 =	sadd.s32 $0x2800, s21;
	[sflag:s18] =	ssyncadd.s32 $0xFFFFC000  }
0x52: {  	[spmem:s2] =	stream.indirect.scatter.add.f32 [tilespmem:s14], [sflag:$0x2], $0x80, s21, s17, $0xb8;
	[tilespmem:$0x1D000] =	vst v63  }
0x53: {  	_ =	swait.ge [sflag:s15], $0x4000  }
0x54: {  	s3 =	sadd.s32 $0x1, s3;
	[sflag:s15] =	ssyncset.done $0x0  }
0x55: {  	p0 =	sne.s32 s3, s13;
	[sflag:s15] =	ssyncadd.s32 $0xFFFFC000  }
.Ltmp2:
0x56: {  	[bflag:$0x0] =	sbarrier.arrive $0xFFFF;
	(pc) =	sbr.rel @p0 .LBB2_1-.Ltmp2, $4  }
0x57: {  	[hbm:s12], [sflag:s19] =	dma.local [spmem:s20], $0x2800  }
0x58: {  	_ =	swait.ge [sflag:s15], $0x2800  }
0x59: {  	[sflag:s15] =	ssyncset.done $0x0  }
0x5a: {  	[sflag:s15] =	ssyncadd.s32 $0xFFFFD800  }
0x5b: {  	_ =	sfence.sel $0x180000  }
0x5c: {  	[bflag:$0x0] =	sbarrier.arrive $0xFFFF  }
0x5d: {  	p0 =	sne.s32 s0, $0x0;
	_ =	strace $0x9000004D  }
0x5e: {  	s0 =	sadd.s32 @!p0 $0x100000, s1;
	[bflag:$0x2] =	sbarrier.arrive $0xFFFF  }
0x5f: {  	[sflag:s0] =	ssyncadd.tile.s32 @!p0 $0x1;
	_ =	shalt  }
.Lfunc_end2:
_tile_overlayer_lowered:
.L_overlay_start_2:
0x60: {  	(tag) =	ssettag $0x2  }
0x61: {  	s0 =	rddreg [dreg:$0x0];
	s2 =	stileid.u32  }
0x62: {  	s1 =	rddreg [dreg:$0x1];
	p0 =	sne.s32 s2, $0x0  }
0x63: {  	s3 =	rddreg [dreg:$0x2];
	[bflag:$0x3] =	sbarrier.arrive $0xFFFF;
	s2 =	simm.s32 @!p0 $0x1C02  }
0x64: {  	[timem:s3], [sflag:s2] =	dma.local @!p0 [hbm:s0], s1  }
0x65: {  	s0 =	simm.s32 @!p0 $0x2  }
0x66: {  	_ =	swait.ge @!p0 [sflag:s0], s1  }
0x67: {  	s1 =	ssub.s32 @!p0 $0x0, s1;
	[sflag:s0] =	ssyncset.done @!p0 $0x0  }
0x68: {  	[sflag:s0] =	ssyncadd.s32 @!p0 s1  }
0x69: {  	[bflag:$0x3] =	sbarrier.arrive $0xFFFF  }
0x6a: {  	_ =	shalt  }

// kernel: kernel.20.cloned.1.call-start
scs
__scs_entry_jumppad:
0x0: {  	(pc) =	sbr.rel $0x88, $3  }
0x1: {  	(tag) =	ssettag $0x0;
	lr =	simm.s32 $0x1  }
0x2: {  	[smem:$0x3F96] =	sst lr;
	_ =	strace $0xD0000000  }
0x3: {  	_ = 	snop  }
0x4: {  	_ = 	snop  }
0x5: {  	_ = 	snop  }
0x6: {  	_ = 	snop  }
0x7: {  	_ = 	snop  }
__scs_overlays_trampoline_lowered:
0x8: {  	[smem:$0x3FA5] =	sst s0  }
0x9: {  	[smem:$0x3FA6] =	sst s1  }
0xa: {  	[smem:$0x3FA7] =	sst s2  }
0xb: {  	[smem:$0x3FA8] =	sst s3  }
0xc: {  	[smem:$0x3FA9] =	sst s4  }
0xd: {  	[smem:$0x3FAA] =	sst s5  }
0xe: {  	[smem:$0x3FAB] =	sst s6  }
0xf: {  	[smem:$0x3FAC] =	sst s7  }
0x10: {  	[smem:$0x3FAD] =	sst s8  }
0x11: {  	[smem:$0x3FAE] =	sst s9;
	s0 =	simm.s32 @!p0 $0x0  }
0x12: {  	s1 =	sld [smem:$0x3F94];
	s0 =	simm.s32 @p0 $0x1  }
0x13: {  	[smem:$0x3FAF] =	sst s0;
	s0 =	simm.s32 @!p1 $0x0  }
0x14: {  	s2 =	sld [smem:$0x3F93];
	s0 =	simm.s32 @p1 $0x1  }
0x15: {  	[smem:$0x3FB0] =	sst s0;
	s0 =	simm.s32 @!p2 $0x0  }
0x16: {  	s3 =	sld [smem:$0x3FDB];
	s0 =	simm.s32 @p2 $0x1  }
0x17: {  	s4 =	simm.s32 $0x1BF5;
	[smem:$0x3FB2] =	sst s0  }
0x18: {  	s0 =	sld [smem:$0x3F95];
	_ =	swait.ge [sflag:s4], $0x0  }
0x19: {  	s7 =	sld [smem:$0x3F96]  }
0x1a: {  	s8 =	sadd.s32 $0xFFFFE003, lr  }
0x1b: {  	s9 =	sadd.s32 $0xFFFFFEF7, lr;
	s5 =	simm.s32 $0xFFFFFFFF;
	p2 =	slt.u32 s8, $0xFFFFF086  }
0x1c: {  	p1 =	slt.u32 s9, $0xF7A;
	s5 =	simm.s32 @!p2 $0x0  }
0x1d: {  	s5 =	simm.s32 @p1 $0x1;
	p0 =	seq.s32 s7, s2  }
0x1e: {  	s7 =	smul.u32 @!p0 $0xF7A, s2;
	p2 =	seq.s32 @!p0 s5, $0x0  }
0x1f: {  	s9 =	smul.u32 $0xF7A, s1;
	s8 =	simm.s32 @!p0 $0x1BF5;
	p2 =	por !p2, p0  }
0x20: {  	[sflag:s8] =	ssyncset.s32 @!p0 $0xFFFFF086;
	s6 =	sadd.s32 @!p0 s3, s7;
	s7 =	simm.s32 @!p0 $0x108  }
0x21: {  	s3 =	sadd.s32 s3, s9;
	s6 =	sadd.s32 @!p0 $0x88, s6;
	s7 =	simm.s32 @p2 $0x1082  }
0x22: {  	[simem:s7], [sflag:s8] =	dma.local @!p0 [hbm:s6], $0xF7A  }
0x23: {  	s9 =	sor.u32 $0xD0000000, s2;
	s6 =	simm.s32 $0x108;
	_ =	swait.ge @!p0 [sflag:s8], $0x0  }
0x24: {  	s3 =	sadd.s32 $0x88, s3;
	s6 =	simm.s32 @!p1 $0x1082;
	[sflag:s4] =	ssyncset.s32 $0xFFFFF086  }
0x25: {  	[simem:s6], [sflag:s4] =	dma.local [hbm:s3], $0xF7A  }
0x26: {  	[smem:$0x3F96] =	sst s1;
	(tag) =	ssettag s2;
	_ =	strace s9  }
0x27: {  	s1 =	sld [smem:$0x3FA6]  }
0x28: {  	s2 =	sld [smem:$0x3FA7]  }
0x29: {  	s4 =	sld [smem:$0x3FA9]  }
0x2a: {  	p0 =	seq.s32 s5, $0x0;
	s5 =	sld [smem:$0x3FAA]  }
0x2b: {  	s6 =	sld [smem:$0x3FAB]  }
0x2c: {  	s7 =	sld [smem:$0x3FAC]  }
0x2d: {  	s3 =	simm.s32 $0x108;
	s8 =	sld [smem:$0x3FAD]  }
0x2e: {  	s3 =	simm.s32 @!p0 $0x1082;
	s9 =	sld [smem:$0x3FAE]  }
0x2f: {  	lr =	sadd.s32 s0, s3;
	s0 =	sld [smem:$0x3FA5]  }
0x30: {  	s3 =	sld [smem:$0x3FA8]  }
0x31: {  	[smem:$0x3FB1] =	sst s10  }
0x32: {  	s10 =	sld [smem:$0x3FAF];
	_ =	sdelay $0x3  }
0x33: {  	p0 =	seq.s32 s10, $0x1;
	s10 =	sld [smem:$0x3FB1];
	_ =	sdelay $0x3  }
0x34: {  	[smem:$0x3FB1] =	sst s10  }
0x35: {  	s10 =	sld [smem:$0x3FB0];
	_ =	sdelay $0x3  }
0x36: {  	p1 =	seq.s32 s10, $0x1;
	s10 =	sld [smem:$0x3FB1];
	_ =	sdelay $0x3  }
0x37: {  	[smem:$0x3FB1] =	sst s10  }
0x38: {  	s10 =	sld [smem:$0x3FB2]  }
0x39: {  	_ = 	snop;
	(pc) =	sbr.ind lr, $3  }
0x3a: {  	_ = 	snop  }
0x3b: {  	_ = 	snop  }
0x3c: {  	p2 =	seq.s32 s10, $0x1;
	s10 =	sld [smem:$0x3FB1]  }
0x3d: {  	_ =	shalt  }
0x3e: {  	_ =	shalt  }
0x3f: {  	_ =	shalt  }
0x40: {  	_ =	shalt  }
0x41: {  	_ =	shalt  }
0x42: {  	_ =	shalt  }
0x43: {  	_ =	shalt  }
0x44: {  	_ =	shalt  }
0x45: {  	_ =	shalt  }
0x46: {  	_ =	shalt  }
0x47: {  	_ =	shalt  }
0x48: {  	_ =	shalt  }
0x49: {  	_ =	shalt  }
0x4a: {  	_ =	shalt  }
0x4b: {  	_ =	shalt  }
0x4c: {  	_ =	shalt  }
0x4d: {  	_ =	shalt  }
0x4e: {  	_ =	shalt  }
0x4f: {  	_ =	shalt  }
0x50: {  	_ =	shalt  }
0x51: {  	_ =	shalt  }
0x52: {  	_ =	shalt  }
0x53: {  	_ =	shalt  }
0x54: {  	_ =	shalt  }
0x55: {  	_ =	shalt  }
0x56: {  	_ =	shalt  }
0x57: {  	_ =	shalt  }
0x58: {  	_ =	shalt  }
0x59: {  	_ =	shalt  }
0x5a: {  	_ =	shalt  }
0x5b: {  	_ =	shalt  }
0x5c: {  	_ =	shalt  }
0x5d: {  	_ =	shalt  }
0x5e: {  	_ =	shalt  }
0x5f: {  	_ =	shalt  }
0x60: {  	_ =	shalt  }
0x61: {  	_ =	shalt  }
0x62: {  	_ =	shalt  }
0x63: {  	_ =	shalt  }
0x64: {  	_ =	shalt  }
0x65: {  	_ =	shalt  }
0x66: {  	_ =	shalt  }
0x67: {  	_ =	shalt  }
0x68: {  	_ =	shalt  }
0x69: {  	_ =	shalt  }
0x6a: {  	_ =	shalt  }
0x6b: {  	_ =	shalt  }
0x6c: {  	_ =	shalt  }
0x6d: {  	_ =	shalt  }
0x6e: {  	_ =	shalt  }
0x6f: {  	_ =	shalt  }
0x70: {  	_ =	shalt  }
0x71: {  	_ =	shalt  }
0x72: {  	_ =	shalt  }
0x73: {  	_ =	shalt  }
0x74: {  	_ =	shalt  }
0x75: {  	_ =	shalt  }
0x76: {  	_ =	shalt  }
0x77: {  	_ =	shalt  }
0x78: {  	_ =	shalt  }
0x79: {  	_ =	shalt  }
0x7a: {  	_ =	shalt  }
0x7b: {  	_ =	shalt  }
0x7c: {  	_ =	shalt  }
0x7d: {  	_ =	shalt  }
0x7e: {  	_ =	shalt  }
0x7f: {  	_ =	shalt  }
0x80: {  	_ =	shalt  }
0x81: {  	_ =	shalt  }
0x82: {  	_ =	shalt  }
0x83: {  	_ =	shalt  }
0x84: {  	_ =	shalt  }
0x85: {  	_ =	shalt  }
0x86: {  	_ =	shalt  }
0x87: {  	_ =	shalt  }
.Lfunc_end0:
.L_simem_size_0:
called_computation.3_lowered:
.L_overlay_start_0:
0x88: {  	s2 =	sld [smem:$0x3FD9]  }
0x89: {  	s3 =	sld [smem:$0x3FFE];
	_ =	sdelay $0x1  }
0x8a: {  	s1 =	srdreg.scid  }
0x8b: {  	s0 =	sand.u32 $0x1, s1  }
0x8c: {  	s16 =	sshll.u32 s0, $0xA;
	s2 =	sadd.s32 s3, s2  }
0x8d: {  	s2 =	sadd.s32 s2, s16  }
0x8e: {  	[smem:$0x3FBD] =	sst s2  }
0x8f: {  	_ = 	snop  }
0x90: {  	(tm) =	ssettm $0x1  }
0x91: {  	s17 =	sld [smem:$0x3FFB];
	_ =	sdelay $0x3  }
0x92: {  	_ =	strace s17  }
0x93: {  	s2 =	sld [smem:$0x3FFC];
	_ =	sdelay $0x3  }
0x94: {  	_ =	strace s2  }
0x95: {  	s2 =	sld [smem:$0x3FFD];
	_ =	sdelay $0x3  }
0x96: {  	_ =	strace s2  }
0x97: {  	_ =	strace $0x8FFFFFFF  }
0x98: {  	s18 =	sld [smem:$0x3FDB];
	_ =	sdelay $0x1  }
0x99: {  	s19 =	simm.s32 $_scs_section_size  }
0x9a: {  	s4 =	simm.s32 $_size__tile_overlayer_lowered;
	s5 =	simm.s32 $_tile_overlayer_lowered  }
0x9b: {  	s22 =	simm.s32 $0x1BFF;
	s21 =	sshll.u32 s5, $0x1;
	s2 =	sadd.s32 s19, s18  }
0x9c: {  	s6 =	simm.s32 $0x0;
	s20 =	sshll.u32 s4, $0x1;
	s4 =	sadd.s32 s21, s2  }
0x9d: {  	[timem:s6], [sflag:s22] =	dma.local [hbm:s4], s20  }
0x9e: {  	_ =	swait.ge [sflag:s22], s20  }
0x9f: {  	s3 =	ssub.s32 $0x0, s20;
	[sflag:s22] =	ssyncset.done $0x0  }
0xa0: {  	[sflag:s22] =	ssyncadd.s32 s3;
	_ =	sdelay $0x1  }
0xa1: {  	s23 =	simm.s32 $0x1B8B  }
0xa2: {  	_ =	swait.ge [sflag:s23], $0x1  }
0xa3: {  	[sflag:s23] =	ssyncset.done $0x0  }
0xa4: {  	s25 =	simm.s32 $0x1B8E;
	s24 =	sld [smem:$0x3FFE];
	[sflag:s23] =	ssyncadd.s32 $0xFFFFFFFF  }
0xa5: {  	s26 =	simm.s32 $execute0_lowered;
	[smem:$0x3FD2] =	sst s25  }
0xa6: {  	s4 =	sshll.u32 s26, $0x1;
	_ =	strace $0x8000004F;
	[dreg:$0x1] =	wrdreg $0xFFFFFFFF  }
0xa7: {  	s28 =	simm.s32 $_size_execute0_lowered;
	s2 =	sadd.s32 s2, s4;
	[dreg:$0x0] =	wrdreg $0x0  }
0xa8: {  	s4 =	sshll.u32 s28, $0x1;
	[dreg:$0x2] =	wrdreg s2  }
0xa9: {  	[dreg:$0x3] =	wrdreg s4  }
0xaa: {  	[dreg:$0x4] =	wrdreg $0xC0  }
0xab: {  	_ =	task [dreg:s6], $0x5FFFF  }
0xac: {  	[dreg:$0x1] =	wrdreg $0xFFFFFFFF  }
0xad: {  	[dreg:$0x0] =	wrdreg $0x60  }
0xae: {  	[dreg:$0x2] =	wrdreg s24  }
0xaf: {  	[dreg:$0x3] =	wrdreg $0x90000  }
0xb0: {  	[dreg:$0x4] =	wrdreg $0x9  }
0xb1: {  	_ =	task.clear_ibuf [dreg:s6], $0x5FFFF;
	_ =	strace $0x9000004F  }
0xb2: {  	s29 =	simm.s32 $0x9;
	_ =	strace $0x80000051  }
0xb3: {  	_ =	swait.ge [sflag:s29], $0x1  }
0xb4: {  	[sflag:s29] =	ssyncadd.s32 $0xFFFFFFFF  }
0xb5: {  	_ =	strace $0x90000051  }
0xb6: {  	_ =	sfence  }
0xb7: {  	s30 =	sld [smem:$0x0];
	_ =	sdelay $0x2  }
0xb8: {  	s31 =	sshll.u32 s1, $0xD;
	s1 =	sshrl.u32 s1, $0x2  }
0xb9: {  	s3 =	sand.u32 $0x4000, s31;
	s1 =	sadd.s32 s1, s30  }
0xba: {  	s0 =	sor.u32 s3, s0;
	s1 =	sshll.u32 s1, $0x11  }
0xbb: {  	s0 =	sor.u32 s1, s0  }
0xbc: {  	s0 =	sadd.s32 $0x8F2B, s0  }
0xbd: {  	[sflag:s0] =	ssyncadd.remote.s32 $0x1  }
0xbe: {  	_ =	sfence.sel $0xFFFF  }
0xbf: {  	[dreg:$0x0] =	wrdreg $0xFFFFFFFF;
	(pc) =	sbr.abs _section_cstart, $3  }
0xc0: {  	[dreg:$0x1] =	wrdreg $0xFFFFFFFF  }
0xc1: {  	_ =	task.clear_ibuf [dreg:s6], $0x2FFFF;
	_ =	strace $0x9FFFFFFF  }
0xc2: {  	(tm) =	ssettm $0x7FFFFFFF  }
0xc3: {  	_ =	shalt  }
tec
execute0_lowered:
.L_overlay_start_1:
0x0: {  	(tag) =	ssettag $0x1  }
0x1: {  	s1 =	srdreg.scid;
	s6 =	rddreg [dreg:$0x0]  }
0x2: {  	s0 =	stileid.u32;
	s2 =	rddreg [dreg:$0x1];
	s3 =	simm.s32 $0x0  }
0x3: {  	s14 =	simm.s32 $0x5000;
	s15 =	simm.s32 $0x2;
	s16 =	simm.s32 $0x2800  }
0x4: {  	s17 =	simm.s32 $0x80;
	s18 =	simm.s32 $0x1;
	s5 =	sand.u32 $0x1, s1  }
0x5: {  	s26 =	sshll.u32 s0, $0x1;
	s9 =	smul.u32 $0x14000, s0;
	[smem:$0x7FF] =	sst s3  }
0x6: {  	s10 =	smul.u32 $0x50000, s0;
	s4 =	sadd.s32 $0x18200, s6;
	s19 =	sshll.u32 s0, $0x6  }
0x7: {  	s1 =	sor.u32 s5, s26;
	s8 =	smul.u32 $0x140000, s5;
	s29 =	ssub.s32 $0x2, s5  }
0x8: {  	s19 =	sor.u32 $0x1C02, s19;
	s7 =	smul.u32 $0x500, s1;
	s1 =	rddreg [dreg:$0x2]  }
0x9: {  	_ =	strace $0x80000050;
	s30 =	sshrl.u32 s10, $0x2;
	s31 =	sshrl.u32 s29, $0x1  }
0xa: {  	s28 =	sadd.s32 s9, s8;
	s5 =	sadd.s32 s30, s2;
	s13 =	ssub.s32 s29, s31  }
0xb: {  	s11 =	sadd.s32 s7, s6;
	s7 =	sshrl.u32 s28, $0x3;
	s8 =	sadd.s32 $0xC000, s5  }
0xc: {  	s9 =	sadd.s32 $0x10000, s5;
	s13 =	smax.u32 s13, $0x1;
	s20 =	sshrl.u32 s5, $0x3  }
0xd: {  	s12 =	sadd.s32 s7, s6;
	s6 =	sadd.s32 $0x4000, s5;
	s7 =	sadd.s32 $0x8000, s5  }
0xe: {  	v0 =	vimm.f32 $0.0e+00;
	s10 =	sadd.s32 $0xE200, s11;
	s11 =	sadd.s32 $0x4200, s11;
	s12 =	sadd.s32 $0xB8200, s12  }
.LBB2_1:
0xf: {  	s21 =	simm.s32 $0x0;
	s22 =	simm.s32 $0x200  }
.LBB2_2:
0x10: {  	p0 =	sne.s32 s22, $0xFE00;
	[tilespmem:s21+$0x5070] =	vst v0  }
0x11: {  	[tilespmem:s21+$0x5000] =	vst v0  }
0x12: {  	[tilespmem:s21+$0x5010] =	vst v0  }
.Ltmp0:
0x13: {  	[tilespmem:s21+$0x5020] =	vst v0;
	(pc) =	sbr.rel @p0 .LBB2_2-.Ltmp0, $4  }
0x14: {  	[tilespmem:s21+$0x5030] =	vst v0  }
0x15: {  	[tilespmem:s21+$0x5040] =	vst v0  }
0x16: {  	[tilespmem:s21+$0x5050] =	vst v0  }
0x17: {  	[tilespmem:s21+$0x5060] =	vst v0;
	s21 =	sshra.s32 s22, $0x2;
	s22 =	sadd.s32 $0x200, s22  }
0x18: {  	[tilespmem:s21+$0x5070] =	vst v0  }
0x19: {  	[tilespmem:s21+$0x5000] =	vst v0  }
0x1a: {  	[tilespmem:s21+$0x5010] =	vst v0  }
0x1b: {  	[tilespmem:s21+$0x5020] =	vst v0  }
0x1c: {  	[tilespmem:s21+$0x5030] =	vst v0  }
0x1d: {  	[tilespmem:s21+$0x5040] =	vst v0  }
0x1e: {  	[tilespmem:s21+$0x5050] =	vst v0  }
0x1f: {  	[tilespmem:s21+$0x5060] =	vst v0  }
0x20: {  	[spmem:s5] =	stream.linear.scatter [tilespmem:s14], [sflag:$0x2], $0x4000, $0x38;
	[tilespmem:$0x1D000] =	vst v63  }
0x21: {  	_ =	swait.ge [sflag:s15], $0x4000  }
0x22: {  	[sflag:s15] =	ssyncset.done $0x0  }
0x23: {  	[sflag:s15] =	ssyncadd.s32 $0xFFFFC000  }
0x24: {  	[spmem:s6] =	stream.linear.scatter [tilespmem:s14], [sflag:$0x2], $0x4000, $0x38;
	[tilespmem:$0x1D000] =	vst v63  }
0x25: {  	_ =	swait.ge [sflag:s15], $0x4000  }
0x26: {  	[sflag:s15] =	ssyncset.done $0x0  }
0x27: {  	[sflag:s15] =	ssyncadd.s32 $0xFFFFC000  }
0x28: {  	[spmem:s7] =	stream.linear.scatter [tilespmem:s14], [sflag:$0x2], $0x4000, $0x38;
	[tilespmem:$0x1D000] =	vst v63  }
0x29: {  	_ =	swait.ge [sflag:s15], $0x4000  }
0x2a: {  	[sflag:s15] =	ssyncset.done $0x0  }
0x2b: {  	[sflag:s15] =	ssyncadd.s32 $0xFFFFC000  }
0x2c: {  	[spmem:s8] =	stream.linear.scatter [tilespmem:s14], [sflag:$0x2], $0x4000, $0x38;
	[tilespmem:$0x1D000] =	vst v63  }
0x2d: {  	_ =	swait.ge [sflag:s15], $0x4000  }
0x2e: {  	[sflag:s15] =	ssyncset.done $0x0  }
0x2f: {  	[sflag:s15] =	ssyncadd.s32 $0xFFFFC000  }
0x30: {  	[spmem:s9] =	stream.linear.scatter [tilespmem:s14], [sflag:$0x2], $0x4000, $0x38;
	[tilespmem:$0x1D000] =	vst v63  }
0x31: {  	_ =	swait.ge [sflag:s15], $0x4000  }
0x32: {  	[sflag:s15] =	ssyncset.done $0x0  }
0x33: {  	[sflag:s15] =	ssyncadd.s32 $0xFFFFC000  }
0x34: {  	s29 =	simm.s32 $0x0;
	[bflag:$0x0] =	sbarrier.arrive $0xFFFF  }
0x35: {  	[tilespmem:s29], [sflag:$0x2] =	stream.linear.gather [hbm4b:s10+s29], $0x2780, $0x38;
	[tilespmem:$0x1D000] =	vst v63  }
0x36: {  	_ =	swait.ge [sflag:s15], $0x2780  }
0x37: {  	[sflag:s15] =	ssyncset.done $0x0  }
0x38: {  	[sflag:s15] =	ssyncadd.s32 $0xFFFFD880  }
0x39: {  	[tilespmem:s16], [sflag:$0x2] =	stream.linear.gather [hbm4b:s11+s29], $0x2780, $0x38;
	[tilespmem:$0x1D000] =	vst v63  }
0x3a: {  	_ =	swait.ge [sflag:s15], $0x2780  }
0x3b: {  	[sflag:s15] =	ssyncset.done $0x0  }
0x3c: {  	s30 =	simm.s32 $0x0;
	[sflag:s15] =	ssyncadd.s32 $0xFFFFD880  }
0x3d: {  	[tilespmem:s14], [sflag:$0x1] =	stream.indirect.gather [hbm4b:s4+s17], $0x80, s30, s17, $0xb8;
	[tilespmem:$0x1D000] =	vst v63  }
0x3e: {  	_ =	swait.ge [sflag:s18], $0x4000  }
0x3f: {  	[sflag:s18] =	ssyncset.done $0x0  }
0x40: {  	s31 =	simm.s32 $0x2800;
	[sflag:s18] =	ssyncadd.s32 $0xFFFFC000  }
0x41: {  	[spmem:s2] =	stream.indirect.scatter.add.f32 [tilespmem:s14], [sflag:$0x2], $0x80, s31, s17, $0xb8;
	[tilespmem:$0x1D000] =	vst v63  }
0x42: {  	_ =	swait.ge [sflag:s15], $0x4000  }
0x43: {  	s21 =	simm.s32 $0x200;
	s22 =	simm.s32 $0x400;
	[sflag:s15] =	ssyncset.done $0x0  }
.LBB2_4:
0x44: {  	s23 =	sshra.s32 s21, $0x2  }
0x45: {  	[sflag:s15] =	ssyncadd.s32 $0xFFFFC000;
	s21 =	smov.u32 s22;
	s24 =	sadd.s32 $0x200, s22  }
0x46: {  	[tilespmem:s14], [sflag:$0x1] =	stream.indirect.gather [hbm4b:s4+s17], $0x80, s23, s17, $0xb8;
	[tilespmem:$0x1D000] =	vst v63  }
0x47: {  	p0 =	sne.s32 s22, $0x9C00;
	_ =	swait.ge [sflag:s18], $0x4000  }
.Ltmp1:
0x48: {  	[sflag:s18] =	ssyncset.done $0x0;
	(pc) =	sbr.rel @p0 .LBB2_4-.Ltmp1, $4  }
0x49: {  	s22 =	sadd.s32 $0x2800, s23;
	[sflag:s18] =	ssyncadd.s32 $0xFFFFC000  }
0x4a: {  	[spmem:s2] =	stream.indirect.scatter.add.f32 [tilespmem:s14], [sflag:$0x2], $0x80, s22, s17, $0xb8;
	[tilespmem:$0x1D000] =	vst v63  }
0x4b: {  	_ =	swait.ge [sflag:s15], $0x4000  }
0x4c: {  	s22 =	smov.u32 s24;
	[sflag:s15] =	ssyncset.done $0x0  }
0x4d: {  	s21 =	sshra.s32 s21, $0x2;
	[sflag:s15] =	ssyncadd.s32 $0xFFFFC000  }
0x4e: {  	[tilespmem:s14], [sflag:$0x1] =	stream.indirect.gather [hbm4b:s4+s17], $0x80, s21, s17, $0xb8;
	[tilespmem:$0x1D000] =	vst v63  }
0x4f: {  	_ =	swait.ge [sflag:s18], $0x4000  }
0x50: {  	[sflag:s18] =	ssyncset.done $0x0  }
0x51: {  	s21 =	sadd.s32 $0x2800, s21;
	[sflag:s18] =	ssyncadd.s32 $0xFFFFC000  }
0x52: {  	[spmem:s2] =	stream.indirect.scatter.add.f32 [tilespmem:s14], [sflag:$0x2], $0x80, s21, s17, $0xb8;
	[tilespmem:$0x1D000] =	vst v63  }
0x53: {  	_ =	swait.ge [sflag:s15], $0x4000  }
0x54: {  	s3 =	sadd.s32 $0x1, s3;
	[sflag:s15] =	ssyncset.done $0x0  }
0x55: {  	p0 =	sne.s32 s3, s13;
	[sflag:s15] =	ssyncadd.s32 $0xFFFFC000  }
.Ltmp2:
0x56: {  	[bflag:$0x0] =	sbarrier.arrive $0xFFFF;
	(pc) =	sbr.rel @p0 .LBB2_1-.Ltmp2, $4  }
0x57: {  	[hbm:s12], [sflag:s19] =	dma.local [spmem:s20], $0x2800  }
0x58: {  	_ =	swait.ge [sflag:s15], $0x2800  }
0x59: {  	[sflag:s15] =	ssyncset.done $0x0  }
0x5a: {  	[sflag:s15] =	ssyncadd.s32 $0xFFFFD800  }
0x5b: {  	_ =	sfence.sel $0x180000  }
0x5c: {  	[bflag:$0x0] =	sbarrier.arrive $0xFFFF  }
0x5d: {  	p0 =	sne.s32 s0, $0x0;
	_ =	strace $0x90000050  }
0x5e: {  	s0 =	sadd.s32 @!p0 $0x100000, s1;
	[bflag:$0x2] =	sbarrier.arrive $0xFFFF  }
0x5f: {  	[sflag:s0] =	ssyncadd.tile.s32 @!p0 $0x1;
	_ =	shalt  }
.Lfunc_end2:
_tile_overlayer_lowered:
.L_overlay_start_2:
0x60: {  	(tag) =	ssettag $0x2  }
0x61: {  	s0 =	rddreg [dreg:$0x0];
	s2 =	stileid.u32  }
0x62: {  	s1 =	rddreg [dreg:$0x1];
	p0 =	sne.s32 s2, $0x0  }
0x63: {  	s3 =	rddreg [dreg:$0x2];
	[bflag:$0x3] =	sbarrier.arrive $0xFFFF;
	s2 =	simm.s32 @!p0 $0x1C02  }
0x64: {  	[timem:s3], [sflag:s2] =	dma.local @!p0 [hbm:s0], s1  }
0x65: {  	s0 =	simm.s32 @!p0 $0x2  }
0x66: {  	_ =	swait.ge @!p0 [sflag:s0], s1  }
0x67: {  	s1 =	ssub.s32 @!p0 $0x0, s1;
	[sflag:s0] =	ssyncset.done @!p0 $0x0  }
0x68: {  	[sflag:s0] =	ssyncadd.s32 @!p0 s1  }
0x69: {  	[bflag:$0x3] =	sbarrier.arrive $0xFFFF  }
0x6a: {  	_ =	shalt  }

// kernel: kernel.23.cloned.1.call-start
scs
__scs_entry_jumppad:
0x0: {  	(pc) =	sbr.rel $0x88, $3  }
0x1: {  	(tag) =	ssettag $0x0;
	lr =	simm.s32 $0x1  }
0x2: {  	[smem:$0x3F96] =	sst lr;
	_ =	strace $0xD0000000  }
0x3: {  	_ = 	snop  }
0x4: {  	_ = 	snop  }
0x5: {  	_ = 	snop  }
0x6: {  	_ = 	snop  }
0x7: {  	_ = 	snop  }
__scs_overlays_trampoline_lowered:
0x8: {  	[smem:$0x3FA5] =	sst s0  }
0x9: {  	[smem:$0x3FA6] =	sst s1  }
0xa: {  	[smem:$0x3FA7] =	sst s2  }
0xb: {  	[smem:$0x3FA8] =	sst s3  }
0xc: {  	[smem:$0x3FA9] =	sst s4  }
0xd: {  	[smem:$0x3FAA] =	sst s5  }
0xe: {  	[smem:$0x3FAB] =	sst s6  }
0xf: {  	[smem:$0x3FAC] =	sst s7  }
0x10: {  	[smem:$0x3FAD] =	sst s8  }
0x11: {  	[smem:$0x3FAE] =	sst s9;
	s0 =	simm.s32 @!p0 $0x0  }
0x12: {  	s1 =	sld [smem:$0x3F94];
	s0 =	simm.s32 @p0 $0x1  }
0x13: {  	[smem:$0x3FAF] =	sst s0;
	s0 =	simm.s32 @!p1 $0x0  }
0x14: {  	s2 =	sld [smem:$0x3F93];
	s0 =	simm.s32 @p1 $0x1  }
0x15: {  	[smem:$0x3FB0] =	sst s0;
	s0 =	simm.s32 @!p2 $0x0  }
0x16: {  	s3 =	sld [smem:$0x3FDB];
	s0 =	simm.s32 @p2 $0x1  }
0x17: {  	s4 =	simm.s32 $0x1BF5;
	[smem:$0x3FB2] =	sst s0  }
0x18: {  	s0 =	sld [smem:$0x3F95];
	_ =	swait.ge [sflag:s4], $0x0  }
0x19: {  	s7 =	sld [smem:$0x3F96]  }
0x1a: {  	s8 =	sadd.s32 $0xFFFFE003, lr  }
0x1b: {  	s9 =	sadd.s32 $0xFFFFFEF7, lr;
	s5 =	simm.s32 $0xFFFFFFFF;
	p2 =	slt.u32 s8, $0xFFFFF086  }
0x1c: {  	p1 =	slt.u32 s9, $0xF7A;
	s5 =	simm.s32 @!p2 $0x0  }
0x1d: {  	s5 =	simm.s32 @p1 $0x1;
	p0 =	seq.s32 s7, s2  }
0x1e: {  	s7 =	smul.u32 @!p0 $0xF7A, s2;
	p2 =	seq.s32 @!p0 s5, $0x0  }
0x1f: {  	s9 =	smul.u32 $0xF7A, s1;
	s8 =	simm.s32 @!p0 $0x1BF5;
	p2 =	por !p2, p0  }
0x20: {  	[sflag:s8] =	ssyncset.s32 @!p0 $0xFFFFF086;
	s6 =	sadd.s32 @!p0 s3, s7;
	s7 =	simm.s32 @!p0 $0x108  }
0x21: {  	s3 =	sadd.s32 s3, s9;
	s6 =	sadd.s32 @!p0 $0x88, s6;
	s7 =	simm.s32 @p2 $0x1082  }
0x22: {  	[simem:s7], [sflag:s8] =	dma.local @!p0 [hbm:s6], $0xF7A  }
0x23: {  	s9 =	sor.u32 $0xD0000000, s2;
	s6 =	simm.s32 $0x108;
	_ =	swait.ge @!p0 [sflag:s8], $0x0  }
0x24: {  	s3 =	sadd.s32 $0x88, s3;
	s6 =	simm.s32 @!p1 $0x1082;
	[sflag:s4] =	ssyncset.s32 $0xFFFFF086  }
0x25: {  	[simem:s6], [sflag:s4] =	dma.local [hbm:s3], $0xF7A  }
0x26: {  	[smem:$0x3F96] =	sst s1;
	(tag) =	ssettag s2;
	_ =	strace s9  }
0x27: {  	s1 =	sld [smem:$0x3FA6]  }
0x28: {  	s2 =	sld [smem:$0x3FA7]  }
0x29: {  	s4 =	sld [smem:$0x3FA9]  }
0x2a: {  	p0 =	seq.s32 s5, $0x0;
	s5 =	sld [smem:$0x3FAA]  }
0x2b: {  	s6 =	sld [smem:$0x3FAB]  }
0x2c: {  	s7 =	sld [smem:$0x3FAC]  }
0x2d: {  	s3 =	simm.s32 $0x108;
	s8 =	sld [smem:$0x3FAD]  }
0x2e: {  	s3 =	simm.s32 @!p0 $0x1082;
	s9 =	sld [smem:$0x3FAE]  }
0x2f: {  	lr =	sadd.s32 s0, s3;
	s0 =	sld [smem:$0x3FA5]  }
0x30: {  	s3 =	sld [smem:$0x3FA8]  }
0x31: {  	[smem:$0x3FB1] =	sst s10  }
0x32: {  	s10 =	sld [smem:$0x3FAF];
	_ =	sdelay $0x3  }
0x33: {  	p0 =	seq.s32 s10, $0x1;
	s10 =	sld [smem:$0x3FB1];
	_ =	sdelay $0x3  }
0x34: {  	[smem:$0x3FB1] =	sst s10  }
0x35: {  	s10 =	sld [smem:$0x3FB0];
	_ =	sdelay $0x3  }
0x36: {  	p1 =	seq.s32 s10, $0x1;
	s10 =	sld [smem:$0x3FB1];
	_ =	sdelay $0x3  }
0x37: {  	[smem:$0x3FB1] =	sst s10  }
0x38: {  	s10 =	sld [smem:$0x3FB2]  }
0x39: {  	_ = 	snop;
	(pc) =	sbr.ind lr, $3  }
0x3a: {  	_ = 	snop  }
0x3b: {  	_ = 	snop  }
0x3c: {  	p2 =	seq.s32 s10, $0x1;
	s10 =	sld [smem:$0x3FB1]  }
0x3d: {  	_ =	shalt  }
0x3e: {  	_ =	shalt  }
0x3f: {  	_ =	shalt  }
0x40: {  	_ =	shalt  }
0x41: {  	_ =	shalt  }
0x42: {  	_ =	shalt  }
0x43: {  	_ =	shalt  }
0x44: {  	_ =	shalt  }
0x45: {  	_ =	shalt  }
0x46: {  	_ =	shalt  }
0x47: {  	_ =	shalt  }
0x48: {  	_ =	shalt  }
0x49: {  	_ =	shalt  }
0x4a: {  	_ =	shalt  }
0x4b: {  	_ =	shalt  }
0x4c: {  	_ =	shalt  }
0x4d: {  	_ =	shalt  }
0x4e: {  	_ =	shalt  }
0x4f: {  	_ =	shalt  }
0x50: {  	_ =	shalt  }
0x51: {  	_ =	shalt  }
0x52: {  	_ =	shalt  }
0x53: {  	_ =	shalt  }
0x54: {  	_ =	shalt  }
0x55: {  	_ =	shalt  }
0x56: {  	_ =	shalt  }
0x57: {  	_ =	shalt  }
0x58: {  	_ =	shalt  }
0x59: {  	_ =	shalt  }
0x5a: {  	_ =	shalt  }
0x5b: {  	_ =	shalt  }
0x5c: {  	_ =	shalt  }
0x5d: {  	_ =	shalt  }
0x5e: {  	_ =	shalt  }
0x5f: {  	_ =	shalt  }
0x60: {  	_ =	shalt  }
0x61: {  	_ =	shalt  }
0x62: {  	_ =	shalt  }
0x63: {  	_ =	shalt  }
0x64: {  	_ =	shalt  }
0x65: {  	_ =	shalt  }
0x66: {  	_ =	shalt  }
0x67: {  	_ =	shalt  }
0x68: {  	_ =	shalt  }
0x69: {  	_ =	shalt  }
0x6a: {  	_ =	shalt  }
0x6b: {  	_ =	shalt  }
0x6c: {  	_ =	shalt  }
0x6d: {  	_ =	shalt  }
0x6e: {  	_ =	shalt  }
0x6f: {  	_ =	shalt  }
0x70: {  	_ =	shalt  }
0x71: {  	_ =	shalt  }
0x72: {  	_ =	shalt  }
0x73: {  	_ =	shalt  }
0x74: {  	_ =	shalt  }
0x75: {  	_ =	shalt  }
0x76: {  	_ =	shalt  }
0x77: {  	_ =	shalt  }
0x78: {  	_ =	shalt  }
0x79: {  	_ =	shalt  }
0x7a: {  	_ =	shalt  }
0x7b: {  	_ =	shalt  }
0x7c: {  	_ =	shalt  }
0x7d: {  	_ =	shalt  }
0x7e: {  	_ =	shalt  }
0x7f: {  	_ =	shalt  }
0x80: {  	_ =	shalt  }
0x81: {  	_ =	shalt  }
0x82: {  	_ =	shalt  }
0x83: {  	_ =	shalt  }
0x84: {  	_ =	shalt  }
0x85: {  	_ =	shalt  }
0x86: {  	_ =	shalt  }
0x87: {  	_ =	shalt  }
.Lfunc_end0:
.L_simem_size_0:
called_computation.4_lowered:
.L_overlay_start_0:
0x88: {  	s2 =	sld [smem:$0x3FD9]  }
0x89: {  	s3 =	sld [smem:$0x3FFE];
	_ =	sdelay $0x1  }
0x8a: {  	s1 =	srdreg.scid  }
0x8b: {  	s0 =	sand.u32 $0x1, s1  }
0x8c: {  	s16 =	sshll.u32 s0, $0xA;
	s2 =	sadd.s32 s3, s2  }
0x8d: {  	s2 =	sadd.s32 s2, s16  }
0x8e: {  	[smem:$0x3FBD] =	sst s2  }
0x8f: {  	_ = 	snop  }
0x90: {  	(tm) =	ssettm $0x1  }
0x91: {  	s17 =	sld [smem:$0x3FFB];
	_ =	sdelay $0x3  }
0x92: {  	_ =	strace s17  }
0x93: {  	s2 =	sld [smem:$0x3FFC];
	_ =	sdelay $0x3  }
0x94: {  	_ =	strace s2  }
0x95: {  	s2 =	sld [smem:$0x3FFD];
	_ =	sdelay $0x3  }
0x96: {  	_ =	strace s2  }
0x97: {  	_ =	strace $0x8FFFFFFF  }
0x98: {  	s18 =	sld [smem:$0x3FDB];
	_ =	sdelay $0x1  }
0x99: {  	s19 =	simm.s32 $_scs_section_size  }
0x9a: {  	s4 =	simm.s32 $_size__tile_overlayer_lowered;
	s5 =	simm.s32 $_tile_overlayer_lowered  }
0x9b: {  	s22 =	simm.s32 $0x1BFF;
	s21 =	sshll.u32 s5, $0x1;
	s2 =	sadd.s32 s19, s18  }
0x9c: {  	s6 =	simm.s32 $0x0;
	s20 =	sshll.u32 s4, $0x1;
	s4 =	sadd.s32 s21, s2  }
0x9d: {  	[timem:s6], [sflag:s22] =	dma.local [hbm:s4], s20  }
0x9e: {  	_ =	swait.ge [sflag:s22], s20  }
0x9f: {  	s3 =	ssub.s32 $0x0, s20;
	[sflag:s22] =	ssyncset.done $0x0  }
0xa0: {  	[sflag:s22] =	ssyncadd.s32 s3;
	_ =	sdelay $0x1  }
0xa1: {  	s23 =	simm.s32 $0x1B8B  }
0xa2: {  	_ =	swait.ge [sflag:s23], $0x1  }
0xa3: {  	[sflag:s23] =	ssyncset.done $0x0  }
0xa4: {  	s25 =	simm.s32 $0x1B8E;
	s24 =	sld [smem:$0x3FFE];
	[sflag:s23] =	ssyncadd.s32 $0xFFFFFFFF  }
0xa5: {  	s26 =	simm.s32 $execute0_lowered;
	[smem:$0x3FD2] =	sst s25  }
0xa6: {  	s4 =	sshll.u32 s26, $0x1;
	_ =	strace $0x80000052;
	[dreg:$0x1] =	wrdreg $0xFFFFFFFF  }
0xa7: {  	s28 =	simm.s32 $_size_execute0_lowered;
	s2 =	sadd.s32 s2, s4;
	[dreg:$0x0] =	wrdreg $0x0  }
0xa8: {  	s4 =	sshll.u32 s28, $0x1;
	[dreg:$0x2] =	wrdreg s2  }
0xa9: {  	[dreg:$0x3] =	wrdreg s4  }
0xaa: {  	[dreg:$0x4] =	wrdreg $0xC0  }
0xab: {  	_ =	task [dreg:s6], $0x5FFFF  }
0xac: {  	[dreg:$0x1] =	wrdreg $0xFFFFFFFF  }
0xad: {  	[dreg:$0x0] =	wrdreg $0x60  }
0xae: {  	[dreg:$0x2] =	wrdreg s24  }
0xaf: {  	[dreg:$0x3] =	wrdreg $0x90000  }
0xb0: {  	[dreg:$0x4] =	wrdreg $0x9  }
0xb1: {  	_ =	task.clear_ibuf [dreg:s6], $0x5FFFF;
	_ =	strace $0x90000052  }
0xb2: {  	s29 =	simm.s32 $0x9;
	_ =	strace $0x80000054  }
0xb3: {  	_ =	swait.ge [sflag:s29], $0x1  }
0xb4: {  	[sflag:s29] =	ssyncadd.s32 $0xFFFFFFFF  }
0xb5: {  	_ =	strace $0x90000054  }
0xb6: {  	_ =	sfence  }
0xb7: {  	s30 =	sld [smem:$0x0];
	_ =	sdelay $0x2  }
0xb8: {  	s31 =	sshll.u32 s1, $0xD;
	s1 =	sshrl.u32 s1, $0x2  }
0xb9: {  	s3 =	sand.u32 $0x4000, s31;
	s1 =	sadd.s32 s1, s30  }
0xba: {  	s0 =	sor.u32 s3, s0;
	s1 =	sshll.u32 s1, $0x11  }
0xbb: {  	s0 =	sor.u32 s1, s0  }
0xbc: {  	s0 =	sadd.s32 $0x8F2B, s0  }
0xbd: {  	[sflag:s0] =	ssyncadd.remote.s32 $0x1  }
0xbe: {  	_ =	sfence.sel $0xFFFF  }
0xbf: {  	[dreg:$0x0] =	wrdreg $0xFFFFFFFF;
	(pc) =	sbr.abs _section_cstart, $3  }
0xc0: {  	[dreg:$0x1] =	wrdreg $0xFFFFFFFF  }
0xc1: {  	_ =	task.clear_ibuf [dreg:s6], $0x2FFFF;
	_ =	strace $0x9FFFFFFF  }
0xc2: {  	(tm) =	ssettm $0x7FFFFFFF  }
0xc3: {  	_ =	shalt  }
tec
execute0_lowered:
.L_overlay_start_1:
0x0: {  	(tag) =	ssettag $0x1  }
0x1: {  	s1 =	srdreg.scid;
	s6 =	rddreg [dreg:$0x0]  }
0x2: {  	s0 =	stileid.u32;
	s2 =	rddreg [dreg:$0x1];
	s3 =	simm.s32 $0x0  }
0x3: {  	s14 =	simm.s32 $0x5000;
	s15 =	simm.s32 $0x2;
	s16 =	simm.s32 $0x2800  }
0x4: {  	s17 =	simm.s32 $0x80;
	s18 =	simm.s32 $0x1;
	s5 =	sand.u32 $0x1, s1  }
0x5: {  	s26 =	sshll.u32 s0, $0x1;
	s9 =	smul.u32 $0x14000, s0;
	[smem:$0x7FF] =	sst s3  }
0x6: {  	s10 =	smul.u32 $0x50000, s0;
	s4 =	sadd.s32 $0x18200, s6;
	s19 =	sshll.u32 s0, $0x6  }
0x7: {  	s1 =	sor.u32 s5, s26;
	s8 =	smul.u32 $0x140000, s5;
	s29 =	ssub.s32 $0x2, s5  }
0x8: {  	s19 =	sor.u32 $0x1C02, s19;
	s7 =	smul.u32 $0x500, s1;
	s1 =	rddreg [dreg:$0x2]  }
0x9: {  	_ =	strace $0x80000053;
	s30 =	sshrl.u32 s10, $0x2;
	s31 =	sshrl.u32 s29, $0x1  }
0xa: {  	s28 =	sadd.s32 s9, s8;
	s5 =	sadd.s32 s30, s2;
	s13 =	ssub.s32 s29, s31  }
0xb: {  	s11 =	sadd.s32 s7, s6;
	s7 =	sshrl.u32 s28, $0x3;
	s8 =	sadd.s32 $0xC000, s5  }
0xc: {  	s9 =	sadd.s32 $0x10000, s5;
	s13 =	smax.u32 s13, $0x1;
	s20 =	sshrl.u32 s5, $0x3  }
0xd: {  	s12 =	sadd.s32 s7, s6;
	s6 =	sadd.s32 $0x4000, s5;
	s7 =	sadd.s32 $0x8000, s5  }
0xe: {  	v0 =	vimm.f32 $0.0e+00;
	s10 =	sadd.s32 $0xE200, s11;
	s11 =	sadd.s32 $0x4200, s11;
	s12 =	sadd.s32 $0xB8200, s12  }
.LBB2_1:
0xf: {  	s21 =	simm.s32 $0x0;
	s22 =	simm.s32 $0x200  }
.LBB2_2:
0x10: {  	p0 =	sne.s32 s22, $0xFE00;
	[tilespmem:s21+$0x5070] =	vst v0  }
0x11: {  	[tilespmem:s21+$0x5000] =	vst v0  }
0x12: {  	[tilespmem:s21+$0x5010] =	vst v0  }
.Ltmp0:
0x13: {  	[tilespmem:s21+$0x5020] =	vst v0;
	(pc) =	sbr.rel @p0 .LBB2_2-.Ltmp0, $4  }
0x14: {  	[tilespmem:s21+$0x5030] =	vst v0  }
0x15: {  	[tilespmem:s21+$0x5040] =	vst v0  }
0x16: {  	[tilespmem:s21+$0x5050] =	vst v0  }
0x17: {  	[tilespmem:s21+$0x5060] =	vst v0;
	s21 =	sshra.s32 s22, $0x2;
	s22 =	sadd.s32 $0x200, s22  }
0x18: {  	[tilespmem:s21+$0x5070] =	vst v0  }
0x19: {  	[tilespmem:s21+$0x5000] =	vst v0  }
0x1a: {  	[tilespmem:s21+$0x5010] =	vst v0  }
0x1b: {  	[tilespmem:s21+$0x5020] =	vst v0  }
0x1c: {  	[tilespmem:s21+$0x5030] =	vst v0  }
0x1d: {  	[tilespmem:s21+$0x5040] =	vst v0  }
0x1e: {  	[tilespmem:s21+$0x5050] =	vst v0  }
0x1f: {  	[tilespmem:s21+$0x5060] =	vst v0  }
0x20: {  	[spmem:s5] =	stream.linear.scatter [tilespmem:s14], [sflag:$0x2], $0x4000, $0x38;
	[tilespmem:$0x1D000] =	vst v63  }
0x21: {  	_ =	swait.ge [sflag:s15], $0x4000  }
0x22: {  	[sflag:s15] =	ssyncset.done $0x0  }
0x23: {  	[sflag:s15] =	ssyncadd.s32 $0xFFFFC000  }
0x24: {  	[spmem:s6] =	stream.linear.scatter [tilespmem:s14], [sflag:$0x2], $0x4000, $0x38;
	[tilespmem:$0x1D000] =	vst v63  }
0x25: {  	_ =	swait.ge [sflag:s15], $0x4000  }
0x26: {  	[sflag:s15] =	ssyncset.done $0x0  }
0x27: {  	[sflag:s15] =	ssyncadd.s32 $0xFFFFC000  }
0x28: {  	[spmem:s7] =	stream.linear.scatter [tilespmem:s14], [sflag:$0x2], $0x4000, $0x38;
	[tilespmem:$0x1D000] =	vst v63  }
0x29: {  	_ =	swait.ge [sflag:s15], $0x4000  }
0x2a: {  	[sflag:s15] =	ssyncset.done $0x0  }
0x2b: {  	[sflag:s15] =	ssyncadd.s32 $0xFFFFC000  }
0x2c: {  	[spmem:s8] =	stream.linear.scatter [tilespmem:s14], [sflag:$0x2], $0x4000, $0x38;
	[tilespmem:$0x1D000] =	vst v63  }
0x2d: {  	_ =	swait.ge [sflag:s15], $0x4000  }
0x2e: {  	[sflag:s15] =	ssyncset.done $0x0  }
0x2f: {  	[sflag:s15] =	ssyncadd.s32 $0xFFFFC000  }
0x30: {  	[spmem:s9] =	stream.linear.scatter [tilespmem:s14], [sflag:$0x2], $0x4000, $0x38;
	[tilespmem:$0x1D000] =	vst v63  }
0x31: {  	_ =	swait.ge [sflag:s15], $0x4000  }
0x32: {  	[sflag:s15] =	ssyncset.done $0x0  }
0x33: {  	[sflag:s15] =	ssyncadd.s32 $0xFFFFC000  }
0x34: {  	s29 =	simm.s32 $0x0;
	[bflag:$0x0] =	sbarrier.arrive $0xFFFF  }
0x35: {  	[tilespmem:s29], [sflag:$0x2] =	stream.linear.gather [hbm4b:s10+s29], $0x2780, $0x38;
	[tilespmem:$0x1D000] =	vst v63  }
0x36: {  	_ =	swait.ge [sflag:s15], $0x2780  }
0x37: {  	[sflag:s15] =	ssyncset.done $0x0  }
0x38: {  	[sflag:s15] =	ssyncadd.s32 $0xFFFFD880  }
0x39: {  	[tilespmem:s16], [sflag:$0x2] =	stream.linear.gather [hbm4b:s11+s29], $0x2780, $0x38;
	[tilespmem:$0x1D000] =	vst v63  }
0x3a: {  	_ =	swait.ge [sflag:s15], $0x2780  }
0x3b: {  	[sflag:s15] =	ssyncset.done $0x0  }
0x3c: {  	s30 =	simm.s32 $0x0;
	[sflag:s15] =	ssyncadd.s32 $0xFFFFD880  }
0x3d: {  	[tilespmem:s14], [sflag:$0x1] =	stream.indirect.gather [hbm4b:s4+s17], $0x80, s30, s17, $0xb8;
	[tilespmem:$0x1D000] =	vst v63  }
0x3e: {  	_ =	swait.ge [sflag:s18], $0x4000  }
0x3f: {  	[sflag:s18] =	ssyncset.done $0x0  }
0x40: {  	s31 =	simm.s32 $0x2800;
	[sflag:s18] =	ssyncadd.s32 $0xFFFFC000  }
0x41: {  	[spmem:s2] =	stream.indirect.scatter.add.f32 [tilespmem:s14], [sflag:$0x2], $0x80, s31, s17, $0xb8;
	[tilespmem:$0x1D000] =	vst v63  }
0x42: {  	_ =	swait.ge [sflag:s15], $0x4000  }
0x43: {  	s21 =	simm.s32 $0x200;
	s22 =	simm.s32 $0x400;
	[sflag:s15] =	ssyncset.done $0x0  }
.LBB2_4:
0x44: {  	s23 =	sshra.s32 s21, $0x2  }
0x45: {  	[sflag:s15] =	ssyncadd.s32 $0xFFFFC000;
	s21 =	smov.u32 s22;
	s24 =	sadd.s32 $0x200, s22  }
0x46: {  	[tilespmem:s14], [sflag:$0x1] =	stream.indirect.gather [hbm4b:s4+s17], $0x80, s23, s17, $0xb8;
	[tilespmem:$0x1D000] =	vst v63  }
0x47: {  	p0 =	sne.s32 s22, $0x9C00;
	_ =	swait.ge [sflag:s18], $0x4000  }
.Ltmp1:
0x48: {  	[sflag:s18] =	ssyncset.done $0x0;
	(pc) =	sbr.rel @p0 .LBB2_4-.Ltmp1, $4  }
0x49: {  	s22 =	sadd.s32 $0x2800, s23;
	[sflag:s18] =	ssyncadd.s32 $0xFFFFC000  }
0x4a: {  	[spmem:s2] =	stream.indirect.scatter.add.f32 [tilespmem:s14], [sflag:$0x2], $0x80, s22, s17, $0xb8;
	[tilespmem:$0x1D000] =	vst v63  }
0x4b: {  	_ =	swait.ge [sflag:s15], $0x4000  }
0x4c: {  	s22 =	smov.u32 s24;
	[sflag:s15] =	ssyncset.done $0x0  }
0x4d: {  	s21 =	sshra.s32 s21, $0x2;
	[sflag:s15] =	ssyncadd.s32 $0xFFFFC000  }
0x4e: {  	[tilespmem:s14], [sflag:$0x1] =	stream.indirect.gather [hbm4b:s4+s17], $0x80, s21, s17, $0xb8;
	[tilespmem:$0x1D000] =	vst v63  }
0x4f: {  	_ =	swait.ge [sflag:s18], $0x4000  }
0x50: {  	[sflag:s18] =	ssyncset.done $0x0  }
0x51: {  	s21 =	sadd.s32 $0x2800, s21;
	[sflag:s18] =	ssyncadd.s32 $0xFFFFC000  }
0x52: {  	[spmem:s2] =	stream.indirect.scatter.add.f32 [tilespmem:s14], [sflag:$0x2], $0x80, s21, s17, $0xb8;
	[tilespmem:$0x1D000] =	vst v63  }
0x53: {  	_ =	swait.ge [sflag:s15], $0x4000  }
0x54: {  	s3 =	sadd.s32 $0x1, s3;
	[sflag:s15] =	ssyncset.done $0x0  }
0x55: {  	p0 =	sne.s32 s3, s13;
	[sflag:s15] =	ssyncadd.s32 $0xFFFFC000  }
.Ltmp2:
0x56: {  	[bflag:$0x0] =	sbarrier.arrive $0xFFFF;
	(pc) =	sbr.rel @p0 .LBB2_1-.Ltmp2, $4  }
0x57: {  	[hbm:s12], [sflag:s19] =	dma.local [spmem:s20], $0x2800  }
0x58: {  	_ =	swait.ge [sflag:s15], $0x2800  }
0x59: {  	[sflag:s15] =	ssyncset.done $0x0  }
0x5a: {  	[sflag:s15] =	ssyncadd.s32 $0xFFFFD800  }
0x5b: {  	_ =	sfence.sel $0x180000  }
0x5c: {  	[bflag:$0x0] =	sbarrier.arrive $0xFFFF  }
0x5d: {  	p0 =	sne.s32 s0, $0x0;
	_ =	strace $0x90000053  }
0x5e: {  	s0 =	sadd.s32 @!p0 $0x100000, s1;
	[bflag:$0x2] =	sbarrier.arrive $0xFFFF  }
0x5f: {  	[sflag:s0] =	ssyncadd.tile.s32 @!p0 $0x1;
	_ =	shalt  }
.Lfunc_end2:
_tile_overlayer_lowered:
.L_overlay_start_2:
0x60: {  	(tag) =	ssettag $0x2  }
0x61: {  	s0 =	rddreg [dreg:$0x0];
	s2 =	stileid.u32  }
0x62: {  	s1 =	rddreg [dreg:$0x1];
	p0 =	sne.s32 s2, $0x0  }
0x63: {  	s3 =	rddreg [dreg:$0x2];
	[bflag:$0x3] =	sbarrier.arrive $0xFFFF;
	s2 =	simm.s32 @!p0 $0x1C02  }
0x64: {  	[timem:s3], [sflag:s2] =	dma.local @!p0 [hbm:s0], s1  }
0x65: {  	s0 =	simm.s32 @!p0 $0x2  }
0x66: {  	_ =	swait.ge @!p0 [sflag:s0], s1  }
0x67: {  	s1 =	ssub.s32 @!p0 $0x0, s1;
	[sflag:s0] =	ssyncset.done @!p0 $0x0  }
0x68: {  	[sflag:s0] =	ssyncadd.s32 @!p0 s1  }
0x69: {  	[bflag:$0x3] =	sbarrier.arrive $0xFFFF  }
0x6a: {  	_ =	shalt  }

</sc_bundles>
